<compile_context>
chip_gen: v7x
topology: tpu7x:2x2x1
jax: 0.10.2.dev20260603
libtpu: 0.0.44.dev20260713+nightly
codegen_flags: <defaults>
</compile_context>

<pallas_src>
import functools

import jax
import jax.numpy as jnp
from jax import lax
from jax.experimental import pallas as pl
from jax.experimental.pallas import tpu as pltpu
from jax.experimental.pallas import tpu_sc as plsc

_LANES = 16
_UNROLL = 8
_CUNROLL = 8


def _rsqrt(p):
    i = lax.bitcast_convert_type(p, jnp.int32)
    i = jnp.int32(0x5F3759DF) - (i >> 1)
    y = lax.bitcast_convert_type(i, jnp.float32)
    ph = p * 0.5
    y = y * (1.5 - ph * y * y)
    y = y * (1.5 - ph * y * y)
    return y


def _sc_body(T, L, NC, NW, RW,
             tb_h, lig_h, map_h, crd_h, xg_h,
             out_n, out_d,
             map_v, crd_v, lig_v, act_v, xg_v,
             bondrow_v, cidx_v, ncidx_v, mapnc_v, nbuf_v, dbuf_v):
    cid = lax.axis_index("c")
    sid = lax.axis_index("s")
    wid = sid * NC + cid

    pltpu.sync_copy(map_h, map_v.at[pl.ds(0, L)])
    pltpu.sync_copy(crd_h, crd_v)
    pltpu.sync_copy(lig_h, lig_v)
    pltpu.sync_copy(xg_h, xg_v)

    LP = L + _LANES
    x0_v = xg_v.at[pl.ds(0 * LP, LP)]
    x1_v = xg_v.at[pl.ds(1 * LP, LP)]
    x2_v = xg_v.at[pl.ds(2 * LP, LP)]
    g0_v = xg_v.at[pl.ds(3 * LP, LP)]
    g1_v = xg_v.at[pl.ds(4 * LP, LP)]
    g2_v = xg_v.at[pl.ds(5 * LP, LP)]

    nchunks = L // _LANES
    lane_iota = lax.iota(jnp.int32, _LANES)
    zero16 = jnp.zeros((_LANES,), jnp.float32)

    bondrow_v[pl.ds(T, _LANES)] = zero16

    def _pre(c, cntn):
        sl = pl.ds(c * _LANES, _LANES)
        mp = map_v[sl]
        la = plsc.load_gather(lig_v, [mp])
        cr = crd_v[sl]
        act_v[sl] = la * cr
        m = (1.0 - la) * cr > 0.0
        cols = lane_iota + c * _LANES
        plsc.store_compressed(ncidx_v.at[pl.ds(cntn, _LANES)], cols, mask=m)
        plsc.store_compressed(mapnc_v.at[pl.ds(cntn, _LANES)], mp, mask=m)
        return cntn + plsc.all_reduce_population_count(m)[0]

    cnt_nc = lax.fori_loop(0, nchunks, _pre, jnp.int32(0), unroll=False)
    sent_t = jnp.full((_LANES,), T, jnp.int32)
    zero_i = jnp.zeros((_LANES,), jnp.int32)
    for k in range(_CUNROLL):
        mapnc_v[pl.ds(cnt_nc + k * _LANES, _LANES)] = sent_t
        ncidx_v[pl.ds(cnt_nc + k * _LANES, _LANES)] = zero_i
    ncw = _CUNROLL * _LANES
    n_cb = (cnt_nc + ncw - 1) // ncw

    def _recompute(t1, _cnt):
        pltpu.sync_copy(tb_h.at[t1], bondrow_v.at[pl.ds(0, T)])

        def _cb(c, cnt2):
            masks = []
            colss = []
            for k in range(_CUNROLL):
                sl = pl.ds((c * _CUNROLL + k) * _LANES, _LANES)
                bond = plsc.load_gather(bondrow_v, [mapnc_v[sl]])
                masks.append(bond > 0.0)
                colss.append(ncidx_v[sl])
            for k in range(_CUNROLL):
                plsc.store_compressed(cidx_v.at[pl.ds(cnt2, _LANES)],
                                      colss[k], mask=masks[k])
                cnt2 = cnt2 + plsc.all_reduce_population_count(masks[k])[0]
            return cnt2

        cnt = lax.fori_loop(0, n_cb, _cb, jnp.int32(0), unroll=False)
        sent = jnp.full((_LANES,), L, jnp.int32)
        for k in range(_UNROLL):
            cidx_v[pl.ds(cnt + k * _LANES, _LANES)] = sent
        return cnt

    def _row(rr, carry, rc):
        accs, t1_prev, cnt = carry
        a1 = (wid * (RW // _LANES) + rc) * _LANES + rr
        asl = pl.ds(a1, _LANES)
        act = act_v[asl][0]

        def _active(args):
            accs, t1_prev, cnt = args
            t1 = map_v[asl][0]
            cnt = lax.cond(t1 != t1_prev, lambda c: _recompute(t1, c),
                           lambda c: c, cnt)
            xa = x0_v[asl][0]
            ya = x1_v[asl][0]
            za = x2_v[asl][0]
            gxa = g0_v[asl][0]
            gya = g1_v[asl][0]
            gza = g2_v[asl][0]

            def _chunk(c, accs2):
                out = []
                for k in range(_UNROLL):
                    nv, dv = accs2[k]
                    sl = pl.ds((c * _UNROLL + k) * _LANES, _LANES)
                    idx = cidx_v[sl]
                    dx = plsc.load_gather(x0_v, [idx]) - xa
                    dy = plsc.load_gather(x1_v, [idx]) - ya
                    dz = plsc.load_gather(x2_v, [idx]) - za
                    pd2 = dx * dx + dy * dy + dz * dz
                    ex = plsc.load_gather(g0_v, [idx]) - gxa
                    ey = plsc.load_gather(g1_v, [idx]) - gya
                    ez = plsc.load_gather(g2_v, [idx]) - gza
                    gd2 = ex * ex + ey * ey + ez * ez
                    p = pd2 * gd2
                    sq = p * _rsqrt(p)
                    term = pd2 + gd2 - 2.0 * sq
                    m = jnp.where(gd2 < 5.76, 1.0, 0.0)
                    out.append((nv + term * m, dv + m))
                return tuple(out)

            nch = (cnt + (_UNROLL * _LANES - 1)) // (_UNROLL * _LANES)
            accs = lax.fori_loop(0, nch, _chunk, accs, unroll=False)
            return accs, t1, cnt

        return lax.cond(act > 0.0, _active, lambda a: a,
                        (accs, t1_prev, cnt))

    def _rowchunk(rc, carry):
        return lax.fori_loop(0, _LANES, functools.partial(_row, rc=rc),
                             carry, unroll=False)

    accs0 = tuple((zero16, zero16) for _ in range(_UNROLL))
    accs, _, _ = lax.fori_loop(0, RW // _LANES, _rowchunk,
                               (accs0, jnp.int32(-1), jnp.int32(0)),
                               unroll=False)

    numv = accs[0][0]
    denv = accs[0][1]
    for k in range(1, _UNROLL):
        numv = numv + accs[k][0]
        denv = denv + accs[k][1]
    nbuf_v[...] = numv
    dbuf_v[...] = denv
    pltpu.sync_copy(nbuf_v, out_n.at[wid])
    pltpu.sync_copy(dbuf_v, out_d.at[wid])


def _reduce_body(n_ref, d_ref, out_w, out_l):
    num = jnp.sum(n_ref[...])
    den = jnp.sum(d_ref[...])
    loss = num / jnp.maximum(den, 1.0)
    out_w[...] = jnp.full((1, 1), loss, dtype=jnp.float32)
    out_l[...] = jnp.full((1, 1), loss, dtype=jnp.float32)


def kernel(is_ligand, token_bonds, atom_to_token_map, crd_mask_L, X_L, X_gt_L):
    T = is_ligand.shape[0]
    L = atom_to_token_map.shape[0]
    NC, NS = 2, 16
    NW = NC * NS
    RW = L // NW

    tb_f = token_bonds.astype(jnp.float32)
    lig_f = is_ligand.astype(jnp.float32)
    map_i = atom_to_token_map.astype(jnp.int32)
    crd_f = crd_mask_L[0].astype(jnp.float32)
    pad0 = jnp.zeros((_LANES,), jnp.float32)
    padbig = jnp.full((_LANES,), 1.0e9, jnp.float32)
    xg = jnp.concatenate(
        [X_L[0, :, 0], pad0, X_L[0, :, 1], pad0, X_L[0, :, 2], pad0,
         X_gt_L[0, :, 0], padbig, X_gt_L[0, :, 1], padbig,
         X_gt_L[0, :, 2], padbig])

    mesh = plsc.VectorSubcoreMesh(core_axis_name="c", subcore_axis_name="s",
                                  num_cores=NC, num_subcores=NS)
    sc = pl.kernel(
        functools.partial(_sc_body, T, L, NC, NW, RW),
        out_type=[jax.ShapeDtypeStruct((NW, _LANES), jnp.float32),
                  jax.ShapeDtypeStruct((NW, _LANES), jnp.float32)],
        mesh=mesh,
        compiler_params=pltpu.CompilerParams(needs_layout_passes=False),
        scratch_types=[
            pltpu.VMEM((L + _LANES,), jnp.int32),
            pltpu.VMEM((L,), jnp.float32),
            pltpu.VMEM((T,), jnp.float32),
            pltpu.VMEM((L + _LANES,), jnp.float32),
            pltpu.VMEM((6 * (L + _LANES),), jnp.float32),
            pltpu.VMEM((T + _LANES,), jnp.float32),
            pltpu.VMEM((L + _UNROLL * _LANES,), jnp.int32),
            pltpu.VMEM((L + _CUNROLL * _LANES,), jnp.int32),
            pltpu.VMEM((L + _CUNROLL * _LANES,), jnp.int32),
            pltpu.VMEM((_LANES,), jnp.float32),
            pltpu.VMEM((_LANES,), jnp.float32),
        ],
    )
    part_n, part_d = sc(tb_f, lig_f, map_i, crd_f, xg)

    out_w, out_l = pl.pallas_call(
        _reduce_body,
        out_shape=[jax.ShapeDtypeStruct((1, 1), jnp.float32),
                   jax.ShapeDtypeStruct((1, 1), jnp.float32)],
    )(part_n, part_d)
    return (out_w.reshape(()), out_l.reshape(()))

# --- scband reference (transcript-rebuilt; emitter-appended) ---
"""Pipeline reference for scband-protein-ligand-bond-loss-2370821947570 (READ-ONLY COPY).

The authoritative reference and input builder live on the scoring server;
editing this copy changes nothing except your own understanding.
"""

import jax, jax.numpy as jnp
import numpy as np

T, L, B = 512, 4096, 1
WEIGHT = 1.0


def setup_inputs(seed: int = 0):
    key = jax.random.key(seed)
    k1, k2, k3, k4, k5, k6 = jax.random.split(key, 6)
    is_ligand = jax.random.randint(k1, (T,), 0, 2).astype(bool)
    token_bonds = jax.random.randint(k2, (T, T), 0, 2).astype(bool)
    atom_to_token_map = jnp.sort(jax.random.randint(k3, (L,), 0, T))
    crd_mask_L = jax.random.randint(k4, (B, L), 0, 2).astype(bool)
    X_L = jax.random.normal(k5, (B, L, 3), dtype=jnp.float32) * 2.0
    X_gt_L = jax.random.normal(k6, (B, L, 3), dtype=jnp.float32) * 2.0
    return {"is_ligand": is_ligand, "token_bonds": token_bonds,
            "atom_to_token_map": atom_to_token_map, "crd_mask_L": crd_mask_L,
            "X_L": X_L, "X_gt_L": X_gt_L}


def _pairwise_dist(X):
    # X: [B, L, 3] -> [B, L, L] euclidean distance, grad-safe at 0
    sq = jnp.sum(X * X, axis=-1)
    d2 = sq[:, :, None] + sq[:, None, :] - 2.0 * jnp.einsum('bld,bmd->blm', X, X)
    d2 = jnp.clip(d2, 0.0, None)
    safe = jnp.where(d2 > 0.0, d2, 1.0)
    return jnp.where(d2 > 0.0, jnp.sqrt(safe), 0.0)


def reference(is_ligand, token_bonds, atom_to_token_map, crd_mask_L, X_L, X_gt_L):
    # pl_bonds[i,j] = token_bonds[i,j] & is_ligand[i] & ~is_ligand[j]
    is_inter_polymer_ligand = jnp.outer(is_ligand, jnp.logical_not(is_ligand))
    pl_bonds = jnp.logical_and(token_bonds, is_inter_polymer_ligand)  # [T, T]
    # pl_atoms[a1,a2] = any bonded token pair (i,j) with atom2token[a1]==i, atom2token[a2]==j
    # == pl_bonds gathered at (atom2token[a1], atom2token[a2])
    pl_atoms = pl_bonds[atom_to_token_map[:, None], atom_to_token_map[None, :]][None]  # [1, L, L]
    crd_mask_LL = jnp.logical_and(crd_mask_L[:, None, :], crd_mask_L[:, :, None])  # [B, L, L]
    resolved_bonds = jnp.logical_and(pl_atoms, crd_mask_LL)  # [B, L, L]
    predicted_distances = _pairwise_dist(X_L)
    ground_truth_distances = _pairwise_dist(X_gt_L)
    mask_bonded = jnp.logical_and(resolved_bonds, ground_truth_distances < 2.4)
    mf = mask_bonded.astype(jnp.float32)
    denom = jnp.sum(mf)
    loss = jnp.sum(jnp.square(predicted_distances - ground_truth_distances) * mf) / jnp.maximum(denom, 1.0)
    return (WEIGHT * loss, loss)

if __name__ == "__main__":
    import jax
    _d = setup_inputs()
    print(jax.jit(kernel)(*tuple(_d.values())))

</pallas_src>

<mosaic_0001>
#map = affine_map<(d0, d1) -> (0, 0)>
#map1 = affine_map<(d0, d1) -> (0)>
module attributes {stable_mosaic.version = 14 : i64} {
  func.func @_sc_body(%arg0: i32, %arg1: i32, %arg2: memref<512x512xf32, #tpu.memory_space<hbm>>, %arg3: memref<512xf32, #tpu.memory_space<hbm>>, %arg4: memref<4096xi32, #tpu.memory_space<hbm>>, %arg5: memref<4096xf32, #tpu.memory_space<hbm>>, %arg6: memref<24672xf32, #tpu.memory_space<hbm>>, %arg7: memref<32x16xf32, #tpu.memory_space<hbm>>, %arg8: memref<32x16xf32, #tpu.memory_space<hbm>>, %arg9: memref<4112xi32, #tpu.memory_space<vmem>>, %arg10: memref<4096xf32, #tpu.memory_space<vmem>>, %arg11: memref<512xf32, #tpu.memory_space<vmem>>, %arg12: memref<4112xf32, #tpu.memory_space<vmem>>, %arg13: memref<24672xf32, #tpu.memory_space<vmem>>, %arg14: memref<528xf32, #tpu.memory_space<vmem>>, %arg15: memref<4224xi32, #tpu.memory_space<vmem>>, %arg16: memref<4224xi32, #tpu.memory_space<vmem>>, %arg17: memref<4224xi32, #tpu.memory_space<vmem>>, %arg18: memref<16xf32, #tpu.memory_space<vmem>>, %arg19: memref<16xf32, #tpu.memory_space<vmem>>) attributes {dimension_semantics = [#tpu.dimension_semantics<core_parallel>, #tpu.dimension_semantics<subcore_parallel>], iteration_bounds = array<i64: 2, 16>, scalar_prefetch = 0 : i64, scratch_operands = 11 : i64, tpu.core_type = #tpu.core_type<sc_vector_subcore>, window_params = [{transform_indices = #map}, {transform_indices = #map1}, {transform_indices = #map1}, {transform_indices = #map1}, {transform_indices = #map1}, {transform_indices = #map}, {transform_indices = #map}]} {
    %mul3A = arith.constant 2 : i32
    %mul3A_0 = arith.muli %arg1, %mul3A : i32
    %add3A = arith.addi %mul3A_0, %arg0 : i32
    "tpu.region"() ({
      %run_scoped3A = tpu.sem_alloc : memref<!tpu.dma_semaphore, #tpu.memory_space<semaphore_mem>>
      %dma_start3A = arith.constant 0 : i32
      %dma_start3A_123 = tpu.memref_slice %arg9[%dma_start3A] : memref<4112xi32, #tpu.memory_space<vmem>> -> memref<4096xi32, #tpu.memory_space<vmem>>
      %dma_start3A_124 = arith.constant 0 : i32
      %dma_start3A_125 = tpu.memref_slice %arg9[%dma_start3A_124] : memref<4112xi32, #tpu.memory_space<vmem>> -> memref<4096xi32, #tpu.memory_space<vmem>>
      tpu.enqueue_dma source(%arg4 : memref<4096xi32, #tpu.memory_space<hbm>>) target(%dma_start3A_125 : memref<4096xi32, #tpu.memory_space<vmem>>) target_semaphore(%run_scoped3A : memref<!tpu.dma_semaphore, #tpu.memory_space<semaphore_mem>>)
      %dma_wait3A = arith.constant 0 : i32
      %dma_wait3A_126 = tpu.memref_slice %arg9[%dma_wait3A] : memref<4112xi32, #tpu.memory_space<vmem>> -> memref<4096xi32, #tpu.memory_space<vmem>>
      %dma_wait3A_127 = arith.constant 0 : i32
      %dma_wait3A_128 = tpu.memref_slice %arg9[%dma_wait3A_127] : memref<4112xi32, #tpu.memory_space<vmem>> -> memref<4096xi32, #tpu.memory_space<vmem>>
      tpu.wait_dma2 semaphore(%run_scoped3A : memref<!tpu.dma_semaphore, #tpu.memory_space<semaphore_mem>>) src(%arg4 : memref<4096xi32, #tpu.memory_space<hbm>>) dst(%dma_wait3A_128 : memref<4096xi32, #tpu.memory_space<vmem>>)
      tpu.yield
    }) : () -> ()
    "tpu.region"() ({
      %run_scoped3A = tpu.sem_alloc : memref<!tpu.dma_semaphore, #tpu.memory_space<semaphore_mem>>
      tpu.enqueue_dma source(%arg5 : memref<4096xf32, #tpu.memory_space<hbm>>) target(%arg10 : memref<4096xf32, #tpu.memory_space<vmem>>) target_semaphore(%run_scoped3A : memref<!tpu.dma_semaphore, #tpu.memory_space<semaphore_mem>>)
      tpu.wait_dma2 semaphore(%run_scoped3A : memref<!tpu.dma_semaphore, #tpu.memory_space<semaphore_mem>>) src(%arg5 : memref<4096xf32, #tpu.memory_space<hbm>>) dst(%arg10 : memref<4096xf32, #tpu.memory_space<vmem>>)
      tpu.yield
    }) : () -> ()
    "tpu.region"() ({
      %run_scoped3A = tpu.sem_alloc : memref<!tpu.dma_semaphore, #tpu.memory_space<semaphore_mem>>
      tpu.enqueue_dma source(%arg3 : memref<512xf32, #tpu.memory_space<hbm>>) target(%arg11 : memref<512xf32, #tpu.memory_space<vmem>>) target_semaphore(%run_scoped3A : memref<!tpu.dma_semaphore, #tpu.memory_space<semaphore_mem>>)
      tpu.wait_dma2 semaphore(%run_scoped3A : memref<!tpu.dma_semaphore, #tpu.memory_space<semaphore_mem>>) src(%arg3 : memref<512xf32, #tpu.memory_space<hbm>>) dst(%arg11 : memref<512xf32, #tpu.memory_space<vmem>>)
      tpu.yield
    }) : () -> ()
    "tpu.region"() ({
      %run_scoped3A = tpu.sem_alloc : memref<!tpu.dma_semaphore, #tpu.memory_space<semaphore_mem>>
      tpu.enqueue_dma source(%arg6 : memref<24672xf32, #tpu.memory_space<hbm>>) target(%arg13 : memref<24672xf32, #tpu.memory_space<vmem>>) target_semaphore(%run_scoped3A : memref<!tpu.dma_semaphore, #tpu.memory_space<semaphore_mem>>)
      tpu.wait_dma2 semaphore(%run_scoped3A : memref<!tpu.dma_semaphore, #tpu.memory_space<semaphore_mem>>) src(%arg6 : memref<24672xf32, #tpu.memory_space<hbm>>) dst(%arg13 : memref<24672xf32, #tpu.memory_space<vmem>>)
      tpu.yield
    }) : () -> ()
    %iota3A = tpu.iota {dimensions = array<i32: 0>} : vector<16xi32>
    %broadcast_in_dim3A = arith.constant 0.000000e+00 : f32
    %broadcast_in_dim3A_1 = vector.broadcast %broadcast_in_dim3A : f32 to vector<16xf32>
    %swap3A = arith.constant 512 : index
    %swap3A_2 = tpu.vector_load %arg14[%swap3A] {strides = array<i32>} : memref<528xf32, #tpu.memory_space<vmem>>, vector<16xf32>,
    tpu.vector_store %arg14[%swap3A], %broadcast_in_dim3A_1 {strides = array<i32>} : memref<528xf32, #tpu.memory_space<vmem>>, vector<16xf32>,
    %scan3A = arith.constant 0 : i32
    %scan3A_3 = arith.constant 0 : i32
    %scan3A_4 = arith.constant 256 : i32
    %scan3A_5 = arith.addi %scan3A_3, %scan3A_4 : i32
    %scan3A_6 = arith.constant 1 : i32
    %scan3A_7 = scf.for %scan3A_123 = %scan3A_3 to %scan3A_5 step %scan3A_6 iter_args(%scan3A_124 = %scan3A) -> (i32)  : i32 {
      %mul3A_125 = arith.constant 16 : i32
      %mul3A_126 = arith.muli %scan3A_123, %mul3A_125 : i32
      %get3A = arith.index_cast %mul3A_126 : i32 to index
      %get3A_127 = tpu.vector_load %arg9[%get3A] {strides = array<i32>} : memref<4112xi32, #tpu.memory_space<vmem>>, vector<16xi32>,
      %gather3A = tpu.vector_load_idx %arg11[%get3A_127] : memref<512xf32, #tpu.memory_space<vmem>>[vector<16xi32>], vector<16xf32>,
      %get3A_128 = arith.index_cast %mul3A_126 : i32 to index
      %get3A_129 = tpu.vector_load %arg10[%get3A_128] {strides = array<i32>} : memref<4096xf32, #tpu.memory_space<vmem>>, vector<16xf32>,
      %mul3A_130 = arith.mulf %gather3A, %get3A_129 : vector<16xf32>
      %swap3A_131 = arith.index_cast %mul3A_126 : i32 to index
      %swap3A_132 = tpu.vector_load %arg12[%swap3A_131] {strides = array<i32>} : memref<4112xf32, #tpu.memory_space<vmem>>, vector<16xf32>,
      tpu.vector_store %arg12[%swap3A_131], %mul3A_130 {strides = array<i32>} : memref<4112xf32, #tpu.memory_space<vmem>>, vector<16xf32>,
      %sub3A_133 = arith.constant 1.000000e+00 : f32
      %sub3A_134 = vector.broadcast %sub3A_133 : f32 to vector<16xf32>
      %sub3A_135 = arith.subf %sub3A_134, %gather3A : vector<16xf32>
      %mul3A_136 = arith.mulf %sub3A_135, %get3A_129 : vector<16xf32>
      %gt3A = arith.constant 0.000000e+00 : f32
      %gt3A_137 = vector.broadcast %gt3A : f32 to vector<16xf32>
      %gt3A_138 = arith.cmpf ogt, %mul3A_136, %gt3A_137 : vector<16xf32>
      %mul3A_139 = arith.constant 16 : i32
      %mul3A_140 = arith.muli %scan3A_123, %mul3A_139 : i32
      %add3A_141 = vector.broadcast %mul3A_140 : i32 to vector<16xi32>
      %add3A_142 = arith.addi %iota3A, %add3A_141 : vector<16xi32>
      %swap3A_143 = arith.index_cast %scan3A_124 : i32 to index
      %swap3A_144 = tpu.vector_load %arg16[%swap3A_143] masked %gt3A_138 {strides = array<i32>} : memref<4224xi32, #tpu.memory_space<vmem>>, vector<16xi32>, vector<16xi1>
      tpu.vector_store %arg16[%swap3A_143], %add3A_142 masked %gt3A_138 {strides = array<i32>} : memref<4224xi32, #tpu.memory_space<vmem>>, vector<16xi32>, vector<16xi1>
      %swap3A_145 = arith.index_cast %scan3A_124 : i32 to index
      %swap3A_146 = tpu.vector_load %arg17[%swap3A_145] masked %gt3A_138 {strides = array<i32>} : memref<4224xi32, #tpu.memory_space<vmem>>, vector<16xi32>, vector<16xi1>
      tpu.vector_store %arg17[%swap3A_145], %get3A_127 masked %gt3A_138 {strides = array<i32>} : memref<4224xi32, #tpu.memory_space<vmem>>, vector<16xi32>, vector<16xi1>
      %all_reduce_population_count3A = tpu.all_reduce %gt3A_138 {dim = 0 : i64, kind = #tpu.reduction_kind<sum>} : vector<16xi1> -> vector<16xi32>
      %slice3A = vector.extract_strided_slice %all_reduce_population_count3A {offsets = [0], sizes = [1], strides = [1]} : vector<16xi32> to vector<1xi32>
      %squeeze3A = vector.extract %slice3A[0] : i32 from vector<1xi32>
      %add3A_147 = arith.addi %scan3A_124, %squeeze3A : i32
      scf.yield %add3A_147 : i32
    }
    %scan3A_8 = arith.constant 256 : i32
    %broadcast_in_dim3A_9 = arith.constant 512 : i32
    %broadcast_in_dim3A_10 = vector.broadcast %broadcast_in_dim3A_9 : i32 to vector<16xi32>
    %broadcast_in_dim3A_11 = arith.constant 0 : i32
    %broadcast_in_dim3A_12 = vector.broadcast %broadcast_in_dim3A_11 : i32 to vector<16xi32>
    %add3A_13 = arith.constant 0 : i32
    %add3A_14 = arith.addi %scan3A_7, %add3A_13 : i32
    %swap3A_15 = arith.index_cast %add3A_14 : i32 to index
    %swap3A_16 = tpu.vector_load %arg17[%swap3A_15] {strides = array<i32>} : memref<4224xi32, #tpu.memory_space<vmem>>, vector<16xi32>,
    tpu.vector_store %arg17[%swap3A_15], %broadcast_in_dim3A_10 {strides = array<i32>} : memref<4224xi32, #tpu.memory_space<vmem>>, vector<16xi32>,
    %add3A_17 = arith.constant 0 : i32
    %add3A_18 = arith.addi %scan3A_7, %add3A_17 : i32
    %swap3A_19 = arith.index_cast %add3A_18 : i32 to index
    %swap3A_20 = tpu.vector_load %arg16[%swap3A_19] {strides = array<i32>} : memref<4224xi32, #tpu.memory_space<vmem>>, vector<16xi32>,
    tpu.vector_store %arg16[%swap3A_19], %broadcast_in_dim3A_12 {strides = array<i32>} : memref<4224xi32, #tpu.memory_space<vmem>>, vector<16xi32>,
    %add3A_21 = arith.constant 16 : i32
    %add3A_22 = arith.addi %scan3A_7, %add3A_21 : i32
    %swap3A_23 = arith.index_cast %add3A_22 : i32 to index
    %swap3A_24 = tpu.vector_load %arg17[%swap3A_23] {strides = array<i32>} : memref<4224xi32, #tpu.memory_space<vmem>>, vector<16xi32>,
    tpu.vector_store %arg17[%swap3A_23], %broadcast_in_dim3A_10 {strides = array<i32>} : memref<4224xi32, #tpu.memory_space<vmem>>, vector<16xi32>,
    %add3A_25 = arith.constant 16 : i32
    %add3A_26 = arith.addi %scan3A_7, %add3A_25 : i32
    %swap3A_27 = arith.index_cast %add3A_26 : i32 to index
    %swap3A_28 = tpu.vector_load %arg16[%swap3A_27] {strides = array<i32>} : memref<4224xi32, #tpu.memory_space<vmem>>, vector<16xi32>,
    tpu.vector_store %arg16[%swap3A_27], %broadcast_in_dim3A_12 {strides = array<i32>} : memref<4224xi32, #tpu.memory_space<vmem>>, vector<16xi32>,
    %add3A_29 = arith.constant 32 : i32
    %add3A_30 = arith.addi %scan3A_7, %add3A_29 : i32
    %swap3A_31 = arith.index_cast %add3A_30 : i32 to index
    %swap3A_32 = tpu.vector_load %arg17[%swap3A_31] {strides = array<i32>} : memref<4224xi32, #tpu.memory_space<vmem>>, vector<16xi32>,
    tpu.vector_store %arg17[%swap3A_31], %broadcast_in_dim3A_10 {strides = array<i32>} : memref<4224xi32, #tpu.memory_space<vmem>>, vector<16xi32>,
    %add3A_33 = arith.constant 32 : i32
    %add3A_34 = arith.addi %scan3A_7, %add3A_33 : i32
    %swap3A_35 = arith.index_cast %add3A_34 : i32 to index
    %swap3A_36 = tpu.vector_load %arg16[%swap3A_35] {strides = array<i32>} : memref<4224xi32, #tpu.memory_space<vmem>>, vector<16xi32>,
    tpu.vector_store %arg16[%swap3A_35], %broadcast_in_dim3A_12 {strides = array<i32>} : memref<4224xi32, #tpu.memory_space<vmem>>, vector<16xi32>,
    %add3A_37 = arith.constant 48 : i32
    %add3A_38 = arith.addi %scan3A_7, %add3A_37 : i32
    %swap3A_39 = arith.index_cast %add3A_38 : i32 to index
    %swap3A_40 = tpu.vector_load %arg17[%swap3A_39] {strides = array<i32>} : memref<4224xi32, #tpu.memory_space<vmem>>, vector<16xi32>,
    tpu.vector_store %arg17[%swap3A_39], %broadcast_in_dim3A_10 {strides = array<i32>} : memref<4224xi32, #tpu.memory_space<vmem>>, vector<16xi32>,
    %add3A_41 = arith.constant 48 : i32
    %add3A_42 = arith.addi %scan3A_7, %add3A_41 : i32
    %swap3A_43 = arith.index_cast %add3A_42 : i32 to index
    %swap3A_44 = tpu.vector_load %arg16[%swap3A_43] {strides = array<i32>} : memref<4224xi32, #tpu.memory_space<vmem>>, vector<16xi32>,
    tpu.vector_store %arg16[%swap3A_43], %broadcast_in_dim3A_12 {strides = array<i32>} : memref<4224xi32, #tpu.memory_space<vmem>>, vector<16xi32>,
    %add3A_45 = arith.constant 64 : i32
    %add3A_46 = arith.addi %scan3A_7, %add3A_45 : i32
    %swap3A_47 = arith.index_cast %add3A_46 : i32 to index
    %swap3A_48 = tpu.vector_load %arg17[%swap3A_47] {strides = array<i32>} : memref<4224xi32, #tpu.memory_space<vmem>>, vector<16xi32>,
    tpu.vector_store %arg17[%swap3A_47], %broadcast_in_dim3A_10 {strides = array<i32>} : memref<4224xi32, #tpu.memory_space<vmem>>, vector<16xi32>,
    %add3A_49 = arith.constant 64 : i32
    %add3A_50 = arith.addi %scan3A_7, %add3A_49 : i32
    %swap3A_51 = arith.index_cast %add3A_50 : i32 to index
    %swap3A_52 = tpu.vector_load %arg16[%swap3A_51] {strides = array<i32>} : memref<4224xi32, #tpu.memory_space<vmem>>, vector<16xi32>,
    tpu.vector_store %arg16[%swap3A_51], %broadcast_in_dim3A_12 {strides = array<i32>} : memref<4224xi32, #tpu.memory_space<vmem>>, vector<16xi32>,
    %add3A_53 = arith.constant 80 : i32
    %add3A_54 = arith.addi %scan3A_7, %add3A_53 : i32
    %swap3A_55 = arith.index_cast %add3A_54 : i32 to index
    %swap3A_56 = tpu.vector_load %arg17[%swap3A_55] {strides = array<i32>} : memref<4224xi32, #tpu.memory_space<vmem>>, vector<16xi32>,
    tpu.vector_store %arg17[%swap3A_55], %broadcast_in_dim3A_10 {strides = array<i32>} : memref<4224xi32, #tpu.memory_space<vmem>>, vector<16xi32>,
    %add3A_57 = arith.constant 80 : i32
    %add3A_58 = arith.addi %scan3A_7, %add3A_57 : i32
    %swap3A_59 = arith.index_cast %add3A_58 : i32 to index
    %swap3A_60 = tpu.vector_load %arg16[%swap3A_59] {strides = array<i32>} : memref<4224xi32, #tpu.memory_space<vmem>>, vector<16xi32>,
    tpu.vector_store %arg16[%swap3A_59], %broadcast_in_dim3A_12 {strides = array<i32>} : memref<4224xi32, #tpu.memory_space<vmem>>, vector<16xi32>,
    %add3A_61 = arith.constant 96 : i32
    %add3A_62 = arith.addi %scan3A_7, %add3A_61 : i32
    %swap3A_63 = arith.index_cast %add3A_62 : i32 to index
    %swap3A_64 = tpu.vector_load %arg17[%swap3A_63] {strides = array<i32>} : memref<4224xi32, #tpu.memory_space<vmem>>, vector<16xi32>,
    tpu.vector_store %arg17[%swap3A_63], %broadcast_in_dim3A_10 {strides = array<i32>} : memref<4224xi32, #tpu.memory_space<vmem>>, vector<16xi32>,
    %add3A_65 = arith.constant 96 : i32
    %add3A_66 = arith.addi %scan3A_7, %add3A_65 : i32
    %swap3A_67 = arith.index_cast %add3A_66 : i32 to index
    %swap3A_68 = tpu.vector_load %arg16[%swap3A_67] {strides = array<i32>} : memref<4224xi32, #tpu.memory_space<vmem>>, vector<16xi32>,
    tpu.vector_store %arg16[%swap3A_67], %broadcast_in_dim3A_12 {strides = array<i32>} : memref<4224xi32, #tpu.memory_space<vmem>>, vector<16xi32>,
    %add3A_69 = arith.constant 112 : i32
    %add3A_70 = arith.addi %scan3A_7, %add3A_69 : i32
    %swap3A_71 = arith.index_cast %add3A_70 : i32 to index
    %swap3A_72 = tpu.vector_load %arg17[%swap3A_71] {strides = array<i32>} : memref<4224xi32, #tpu.memory_space<vmem>>, vector<16xi32>,
    tpu.vector_store %arg17[%swap3A_71], %broadcast_in_dim3A_10 {strides = array<i32>} : memref<4224xi32, #tpu.memory_space<vmem>>, vector<16xi32>,
    %add3A_73 = arith.constant 112 : i32
    %add3A_74 = arith.addi %scan3A_7, %add3A_73 : i32
    %swap3A_75 = arith.index_cast %add3A_74 : i32 to index
    %swap3A_76 = tpu.vector_load %arg16[%swap3A_75] {strides = array<i32>} : memref<4224xi32, #tpu.memory_space<vmem>>, vector<16xi32>,
    tpu.vector_store %arg16[%swap3A_75], %broadcast_in_dim3A_12 {strides = array<i32>} : memref<4224xi32, #tpu.memory_space<vmem>>, vector<16xi32>,
    %add3A_77 = arith.constant 128 : i32
    %add3A_78 = arith.addi %scan3A_7, %add3A_77 : i32
    %sub3A = arith.constant 1 : i32
    %sub3A_79 = arith.subi %add3A_78, %sub3A : i32
    %jit3A = arith.constant 128 : i32
    %div3A = arith.divsi %sub3A_79, %jit3A : i32
    %sign3A = arith.constant 0 : i32
    %sign3A_80 = arith.cmpi sgt, %sub3A_79, %sign3A : i32
    %sign3A_81 = arith.extui %sign3A_80 : i1 to i32
    %sign3A_82 = arith.constant 0 : i32
    %sign3A_83 = arith.cmpi slt, %sub3A_79, %sign3A_82 : i32
    %sign3A_84 = arith.extui %sign3A_83 : i1 to i32
    %sign3A_85 = arith.subi %sign3A_81, %sign3A_84 : i32
    %sign3A_86 = arith.constant 0 : i32
    %sign3A_87 = arith.cmpi sgt, %jit3A, %sign3A_86 : i32
    %sign3A_88 = arith.extui %sign3A_87 : i1 to i32
    %sign3A_89 = arith.constant 0 : i32
    %sign3A_90 = arith.cmpi slt, %jit3A, %sign3A_89 : i32
    %sign3A_91 = arith.extui %sign3A_90 : i1 to i32
    %sign3A_92 = arith.subi %sign3A_88, %sign3A_91 : i32
    %ne3A = arith.cmpi ne, %sign3A_85, %sign3A_92 : i32
    %rem3A = arith.remsi %sub3A_79, %jit3A : i32
    %ne3A_93 = arith.constant 0 : i32
    %ne3A_94 = arith.cmpi ne, %rem3A, %ne3A_93 : i32
    %and3A = arith.andi %ne3A, %ne3A_94 : i1
    %sub3A_95 = arith.constant 1 : i32
    %sub3A_96 = arith.subi %div3A, %sub3A_95 : i32
    %select_n3A = arith.select %and3A, %sub3A_96, %div3A : i32
    %scan3A_97 = arith.constant -1 : i32
    %scan3A_98 = arith.constant 0 : i32
    %scan3A_99 = arith.constant 0 : i32
    %scan3A_100 = arith.constant 8 : i32
    %scan3A_101 = arith.addi %scan3A_99, %scan3A_100 : i32
    %scan3A_102 = arith.constant 1 : i32
    %scan3A_103:18 = scf.for %scan3A_123 = %scan3A_99 to %scan3A_101 step %scan3A_102 iter_args(%scan3A_124 = %broadcast_in_dim3A_1, %scan3A_125 = %broadcast_in_dim3A_1, %scan3A_126 = %broadcast_in_dim3A_1, %scan3A_127 = %broadcast_in_dim3A_1, %scan3A_128 = %broadcast_in_dim3A_1, %scan3A_129 = %broadcast_in_dim3A_1, %scan3A_130 = %broadcast_in_dim3A_1, %scan3A_131 = %broadcast_in_dim3A_1, %scan3A_132 = %broadcast_in_dim3A_1, %scan3A_133 = %broadcast_in_dim3A_1, %scan3A_134 = %broadcast_in_dim3A_1, %scan3A_135 = %broadcast_in_dim3A_1, %scan3A_136 = %broadcast_in_dim3A_1, %scan3A_137 = %broadcast_in_dim3A_1, %scan3A_138 = %broadcast_in_dim3A_1, %scan3A_139 = %broadcast_in_dim3A_1, %scan3A_140 = %scan3A_97, %scan3A_141 = %scan3A_98) -> (vector<16xf32>, vector<16xf32>, vector<16xf32>, vector<16xf32>, vector<16xf32>, vector<16xf32>, vector<16xf32>, vector<16xf32>, vector<16xf32>, vector<16xf32>, vector<16xf32>, vector<16xf32>, vector<16xf32>, vector<16xf32>, vector<16xf32>, vector<16xf32>, i32, i32)  : i32 {
      %scan3A_142 = arith.constant 0 : i32
      %scan3A_143 = arith.constant 16 : i32
      %scan3A_144 = arith.addi %scan3A_142, %scan3A_143 : i32
      %scan3A_145 = arith.constant 1 : i32
      %scan3A_146:18 = scf.for %scan3A_148 = %scan3A_142 to %scan3A_144 step %scan3A_145 iter_args(%scan3A_149 = %scan3A_124, %scan3A_150 = %scan3A_125, %scan3A_151 = %scan3A_126, %scan3A_152 = %scan3A_127, %scan3A_153 = %scan3A_128, %scan3A_154 = %scan3A_129, %scan3A_155 = %scan3A_130, %scan3A_156 = %scan3A_131, %scan3A_157 = %scan3A_132, %scan3A_158 = %scan3A_133, %scan3A_159 = %scan3A_134, %scan3A_160 = %scan3A_135, %scan3A_161 = %scan3A_136, %scan3A_162 = %scan3A_137, %scan3A_163 = %scan3A_138, %scan3A_164 = %scan3A_139, %scan3A_165 = %scan3A_140, %scan3A_166 = %scan3A_141) -> (vector<16xf32>, vector<16xf32>, vector<16xf32>, vector<16xf32>, vector<16xf32>, vector<16xf32>, vector<16xf32>, vector<16xf32>, vector<16xf32>, vector<16xf32>, vector<16xf32>, vector<16xf32>, vector<16xf32>, vector<16xf32>, vector<16xf32>, vector<16xf32>, i32, i32)  : i32 {
        %mul3A_167 = arith.constant 8 : i32
        %mul3A_168 = arith.muli %add3A, %mul3A_167 : i32
        %add3A_169 = arith.addi %mul3A_168, %scan3A_123 : i32
        %mul3A_170 = arith.constant 16 : i32
        %mul3A_171 = arith.muli %add3A_169, %mul3A_170 : i32
        %add3A_172 = arith.addi %mul3A_171, %scan3A_148 : i32
        %get3A = arith.index_cast %add3A_172 : i32 to index
        %get3A_173 = tpu.vector_load %arg12[%get3A] {strides = array<i32>} : memref<4112xf32, #tpu.memory_space<vmem>>, vector<16xf32>,
        %slice3A = vector.extract_strided_slice %get3A_173 {offsets = [0], sizes = [1], strides = [1]} : vector<16xf32> to vector<1xf32>
        %squeeze3A = vector.extract %slice3A[0] : f32 from vector<1xf32>
        %gt3A = arith.constant 0.000000e+00 : f32
        %gt3A_174 = arith.cmpf ogt, %squeeze3A, %gt3A : f32
        %convert_element_type3A = arith.extui %gt3A_174 : i1 to i32
        %cond3A = arith.constant 0 : i32
        %cond3A_175 = arith.cmpi ne, %convert_element_type3A, %cond3A : i32
        %cond3A_176:18 = scf.if %cond3A_175 -> (vector<16xf32>, vector<16xf32>, vector<16xf32>, vector<16xf32>, vector<16xf32>, vector<16xf32>, vector<16xf32>, vector<16xf32>, vector<16xf32>, vector<16xf32>, vector<16xf32>, vector<16xf32>, vector<16xf32>, vector<16xf32>, vector<16xf32>, vector<16xf32>, i32, i32) {
          %get3A_177 = arith.index_cast %add3A_172 : i32 to index
          %get3A_178 = tpu.vector_load %arg9[%get3A_177] {strides = array<i32>} : memref<4112xi32, #tpu.memory_space<vmem>>, vector<16xi32>,
          %slice3A_179 = vector.extract_strided_slice %get3A_178 {offsets = [0], sizes = [1], strides = [1]} : vector<16xi32> to vector<1xi32>
          %squeeze3A_180 = vector.extract %slice3A_179[0] : i32 from vector<1xi32>
          %ne3A_181 = arith.cmpi ne, %squeeze3A_180, %scan3A_165 : i32
          %convert_element_type3A_182 = arith.extui %ne3A_181 : i1 to i32
          %cond3A_183 = arith.constant 0 : i32
          %cond3A_184 = arith.cmpi ne, %convert_element_type3A_182, %cond3A_183 : i32
          %cond3A_185 = scf.if %cond3A_184 -> (i32) {
            "tpu.region"() ({
              %run_scoped3A = tpu.sem_alloc : memref<!tpu.dma_semaphore, #tpu.memory_space<semaphore_mem>>
              %dma_start3A = arith.constant 0 : i32
              %dma_start3A_304 = tpu.memref_slice %arg14[%dma_start3A] : memref<528xf32, #tpu.memory_space<vmem>> -> memref<512xf32, #tpu.memory_space<vmem>>
              %dma_start3A_305 = arith.constant 0 : i32
              %dma_start3A_306 = tpu.memref_slice %arg2[%squeeze3A_180, %dma_start3A_305] : memref<512x512xf32, #tpu.memory_space<hbm>> -> memref<1x512xf32, #tpu.memory_space<hbm>>
              %dma_start3A_307 = tpu.memref_squeeze %dma_start3A_306 : memref<1x512xf32, #tpu.memory_space<hbm>> -> memref<512xf32, #tpu.memory_space<hbm>>
              %dma_start3A_308 = arith.constant 0 : i32
              %dma_start3A_309 = tpu.memref_slice %arg14[%dma_start3A_308] : memref<528xf32, #tpu.memory_space<vmem>> -> memref<512xf32, #tpu.memory_space<vmem>>
              %dma_start3A_310 = arith.constant 0 : i32
              %dma_start3A_311 = tpu.memref_slice %arg2[%squeeze3A_180, %dma_start3A_310] : memref<512x512xf32, #tpu.memory_space<hbm>> -> memref<1x512xf32, #tpu.memory_space<hbm>>
              %dma_start3A_312 = tpu.memref_squeeze %dma_start3A_311 : memref<1x512xf32, #tpu.memory_space<hbm>> -> memref<512xf32, #tpu.memory_space<hbm>>
              tpu.enqueue_dma source(%dma_start3A_312 : memref<512xf32, #tpu.memory_space<hbm>>) target(%dma_start3A_309 : memref<512xf32, #tpu.memory_space<vmem>>) target_semaphore(%run_scoped3A : memref<!tpu.dma_semaphore, #tpu.memory_space<semaphore_mem>>)
              %dma_wait3A = arith.constant 0 : i32
              %dma_wait3A_313 = tpu.memref_slice %arg14[%dma_wait3A] : memref<528xf32, #tpu.memory_space<vmem>> -> memref<512xf32, #tpu.memory_space<vmem>>
              %dma_wait3A_314 = arith.constant 0 : i32
              %dma_wait3A_315 = tpu.memref_slice %arg2[%squeeze3A_180, %dma_wait3A_314] : memref<512x512xf32, #tpu.memory_space<hbm>> -> memref<1x512xf32, #tpu.memory_space<hbm>>
              %dma_wait3A_316 = tpu.memref_squeeze %dma_wait3A_315 : memref<1x512xf32, #tpu.memory_space<hbm>> -> memref<512xf32, #tpu.memory_space<hbm>>
              %dma_wait3A_317 = arith.constant 0 : i32
              %dma_wait3A_318 = tpu.memref_slice %arg14[%dma_wait3A_317] : memref<528xf32, #tpu.memory_space<vmem>> -> memref<512xf32, #tpu.memory_space<vmem>>
              %dma_wait3A_319 = arith.constant 0 : i32
              %dma_wait3A_320 = tpu.memref_slice %arg2[%squeeze3A_180, %dma_wait3A_319] : memref<512x512xf32, #tpu.memory_space<hbm>> -> memref<1x512xf32, #tpu.memory_space<hbm>>
              %dma_wait3A_321 = tpu.memref_squeeze %dma_wait3A_320 : memref<1x512xf32, #tpu.memory_space<hbm>> -> memref<512xf32, #tpu.memory_space<hbm>>
              tpu.wait_dma2 semaphore(%run_scoped3A : memref<!tpu.dma_semaphore, #tpu.memory_space<semaphore_mem>>) src(%dma_wait3A_321 : memref<512xf32, #tpu.memory_space<hbm>>) dst(%dma_wait3A_318 : memref<512xf32, #tpu.memory_space<vmem>>)
              tpu.yield
            }) : () -> ()
            %while3A_258 = arith.constant 0 : i32
            %while3A_259 = arith.constant 0 : i32
            %while3A_260 = arith.subi %select_n3A, %while3A_258 : i32
            %while3A_261 = arith.addi %while3A_258, %while3A_260 : i32
            %while3A_262 = arith.constant 1 : i32
            %while3A_263 = arith.divsi %while3A_260, %while3A_262 : i32
            %while3A_264 = arith.muli %while3A_263, %while3A_262 : i32
            %while3A_265 = arith.addi %while3A_258, %while3A_264 : i32
            %while3A_266 = arith.constant 1 : i32
            %while3A_267 = scf.for %while3A_304 = %while3A_258 to %while3A_265 step %while3A_266 iter_args(%while3A_305 = %while3A_259) -> (i32)  : i32 {
              %mul3A_306 = arith.constant 8 : i32
              %mul3A_307 = arith.muli %while3A_304, %mul3A_306 : i32
              %add3A_308 = arith.constant 0 : i32
              %add3A_309 = arith.addi %mul3A_307, %add3A_308 : i32
              %mul3A_310 = arith.constant 16 : i32
              %mul3A_311 = arith.muli %add3A_309, %mul3A_310 : i32
              %get3A_312 = arith.index_cast %mul3A_311 : i32 to index
              %get3A_313 = tpu.vector_load %arg17[%get3A_312] {strides = array<i32>} : memref<4224xi32, #tpu.memory_space<vmem>>, vector<16xi32>,
              %gather3A = tpu.vector_load_idx %arg14[%get3A_313] : memref<528xf32, #tpu.memory_space<vmem>>[vector<16xi32>], vector<16xf32>,
              %gt3A_314 = arith.constant 0.000000e+00 : f32
              %gt3A_315 = vector.broadcast %gt3A_314 : f32 to vector<16xf32>
              %gt3A_316 = arith.cmpf ogt, %gather3A, %gt3A_315 : vector<16xf32>
              %get3A_317 = arith.index_cast %mul3A_311 : i32 to index
              %get3A_318 = tpu.vector_load %arg16[%get3A_317] {strides = array<i32>} : memref<4224xi32, #tpu.memory_space<vmem>>, vector<16xi32>,
              %mul3A_319 = arith.constant 8 : i32
              %mul3A_320 = arith.muli %while3A_304, %mul3A_319 : i32
              %add3A_321 = arith.constant 1 : i32
              %add3A_322 = arith.addi %mul3A_320, %add3A_321 : i32
              %mul3A_323 = arith.constant 16 : i32
              %mul3A_324 = arith.muli %add3A_322, %mul3A_323 : i32
              %get3A_325 = arith.index_cast %mul3A_324 : i32 to index
              %get3A_326 = tpu.vector_load %arg17[%get3A_325] {strides = array<i32>} : memref<4224xi32, #tpu.memory_space<vmem>>, vector<16xi32>,
              %gather3A_327 = tpu.vector_load_idx %arg14[%get3A_326] : memref<528xf32, #tpu.memory_space<vmem>>[vector<16xi32>], vector<16xf32>,
              %gt3A_328 = arith.constant 0.000000e+00 : f32
              %gt3A_329 = vector.broadcast %gt3A_328 : f32 to vector<16xf32>
              %gt3A_330 = arith.cmpf ogt, %gather3A_327, %gt3A_329 : vector<16xf32>
              %get3A_331 = arith.index_cast %mul3A_324 : i32 to index
              %get3A_332 = tpu.vector_load %arg16[%get3A_331] {strides = array<i32>} : memref<4224xi32, #tpu.memory_space<vmem>>, vector<16xi32>,
              %mul3A_333 = arith.constant 8 : i32
              %mul3A_334 = arith.muli %while3A_304, %mul3A_333 : i32
              %add3A_335 = arith.constant 2 : i32
              %add3A_336 = arith.addi %mul3A_334, %add3A_335 : i32
              %mul3A_337 = arith.constant 16 : i32
              %mul3A_338 = arith.muli %add3A_336, %mul3A_337 : i32
              %get3A_339 = arith.index_cast %mul3A_338 : i32 to index
              %get3A_340 = tpu.vector_load %arg17[%get3A_339] {strides = array<i32>} : memref<4224xi32, #tpu.memory_space<vmem>>, vector<16xi32>,
              %gather3A_341 = tpu.vector_load_idx %arg14[%get3A_340] : memref<528xf32, #tpu.memory_space<vmem>>[vector<16xi32>], vector<16xf32>,
              %gt3A_342 = arith.constant 0.000000e+00 : f32
              %gt3A_343 = vector.broadcast %gt3A_342 : f32 to vector<16xf32>
              %gt3A_344 = arith.cmpf ogt, %gather3A_341, %gt3A_343 : vector<16xf32>
              %get3A_345 = arith.index_cast %mul3A_338 : i32 to index
              %get3A_346 = tpu.vector_load %arg16[%get3A_345] {strides = array<i32>} : memref<4224xi32, #tpu.memory_space<vmem>>, vector<16xi32>,
              %mul3A_347 = arith.constant 8 : i32
              %mul3A_348 = arith.muli %while3A_304, %mul3A_347 : i32
              %add3A_349 = arith.constant 3 : i32
              %add3A_350 = arith.addi %mul3A_348, %add3A_349 : i32
              %mul3A_351 = arith.constant 16 : i32
              %mul3A_352 = arith.muli %add3A_350, %mul3A_351 : i32
              %get3A_353 = arith.index_cast %mul3A_352 : i32 to index
              %get3A_354 = tpu.vector_load %arg17[%get3A_353] {strides = array<i32>} : memref<4224xi32, #tpu.memory_space<vmem>>, vector<16xi32>,
              %gather3A_355 = tpu.vector_load_idx %arg14[%get3A_354] : memref<528xf32, #tpu.memory_space<vmem>>[vector<16xi32>], vector<16xf32>,
              %gt3A_356 = arith.constant 0.000000e+00 : f32
              %gt3A_357 = vector.broadcast %gt3A_356 : f32 to vector<16xf32>
              %gt3A_358 = arith.cmpf ogt, %gather3A_355, %gt3A_357 : vector<16xf32>
              %get3A_359 = arith.index_cast %mul3A_352 : i32 to index
              %get3A_360 = tpu.vector_load %arg16[%get3A_359] {strides = array<i32>} : memref<4224xi32, #tpu.memory_space<vmem>>, vector<16xi32>,
              %mul3A_361 = arith.constant 8 : i32
              %mul3A_362 = arith.muli %while3A_304, %mul3A_361 : i32
              %add3A_363 = arith.constant 4 : i32
              %add3A_364 = arith.addi %mul3A_362, %add3A_363 : i32
              %mul3A_365 = arith.constant 16 : i32
              %mul3A_366 = arith.muli %add3A_364, %mul3A_365 : i32
              %get3A_367 = arith.index_cast %mul3A_366 : i32 to index
              %get3A_368 = tpu.vector_load %arg17[%get3A_367] {strides = array<i32>} : memref<4224xi32, #tpu.memory_space<vmem>>, vector<16xi32>,
              %gather3A_369 = tpu.vector_load_idx %arg14[%get3A_368] : memref<528xf32, #tpu.memory_space<vmem>>[vector<16xi32>], vector<16xf32>,
              %gt3A_370 = arith.constant 0.000000e+00 : f32
              %gt3A_371 = vector.broadcast %gt3A_370 : f32 to vector<16xf32>
              %gt3A_372 = arith.cmpf ogt, %gather3A_369, %gt3A_371 : vector<16xf32>
              %get3A_373 = arith.index_cast %mul3A_366 : i32 to index
              %get3A_374 = tpu.vector_load %arg16[%get3A_373] {strides = array<i32>} : memref<4224xi32, #tpu.memory_space<vmem>>, vector<16xi32>,
              %mul3A_375 = arith.constant 8 : i32
              %mul3A_376 = arith.muli %while3A_304, %mul3A_375 : i32
              %add3A_377 = arith.constant 5 : i32
              %add3A_378 = arith.addi %mul3A_376, %add3A_377 : i32
              %mul3A_379 = arith.constant 16 : i32
              %mul3A_380 = arith.muli %add3A_378, %mul3A_379 : i32
              %get3A_381 = arith.index_cast %mul3A_380 : i32 to index
              %get3A_382 = tpu.vector_load %arg17[%get3A_381] {strides = array<i32>} : memref<4224xi32, #tpu.memory_space<vmem>>, vector<16xi32>,
              %gather3A_383 = tpu.vector_load_idx %arg14[%get3A_382] : memref<528xf32, #tpu.memory_space<vmem>>[vector<16xi32>], vector<16xf32>,
              %gt3A_384 = arith.constant 0.000000e+00 : f32
              %gt3A_385 = vector.broadcast %gt3A_384 : f32 to vector<16xf32>
              %gt3A_386 = arith.cmpf ogt, %gather3A_383, %gt3A_385 : vector<16xf32>
              %get3A_387 = arith.index_cast %mul3A_380 : i32 to index
              %get3A_388 = tpu.vector_load %arg16[%get3A_387] {strides = array<i32>} : memref<4224xi32, #tpu.memory_space<vmem>>, vector<16xi32>,
              %mul3A_389 = arith.constant 8 : i32
              %mul3A_390 = arith.muli %while3A_304, %mul3A_389 : i32
              %add3A_391 = arith.constant 6 : i32
              %add3A_392 = arith.addi %mul3A_390, %add3A_391 : i32
              %mul3A_393 = arith.constant 16 : i32
              %mul3A_394 = arith.muli %add3A_392, %mul3A_393 : i32
              %get3A_395 = arith.index_cast %mul3A_394 : i32 to index
              %get3A_396 = tpu.vector_load %arg17[%get3A_395] {strides = array<i32>} : memref<4224xi32, #tpu.memory_space<vmem>>, vector<16xi32>,
              %gather3A_397 = tpu.vector_load_idx %arg14[%get3A_396] : memref<528xf32, #tpu.memory_space<vmem>>[vector<16xi32>], vector<16xf32>,
              %gt3A_398 = arith.constant 0.000000e+00 : f32
              %gt3A_399 = vector.broadcast %gt3A_398 : f32 to vector<16xf32>
              %gt3A_400 = arith.cmpf ogt, %gather3A_397, %gt3A_399 : vector<16xf32>
              %get3A_401 = arith.index_cast %mul3A_394 : i32 to index
              %get3A_402 = tpu.vector_load %arg16[%get3A_401] {strides = array<i32>} : memref<4224xi32, #tpu.memory_space<vmem>>, vector<16xi32>,
              %mul3A_403 = arith.constant 8 : i32
              %mul3A_404 = arith.muli %while3A_304, %mul3A_403 : i32
              %add3A_405 = arith.constant 7 : i32
              %add3A_406 = arith.addi %mul3A_404, %add3A_405 : i32
              %mul3A_407 = arith.constant 16 : i32
              %mul3A_408 = arith.muli %add3A_406, %mul3A_407 : i32
              %get3A_409 = arith.index_cast %mul3A_408 : i32 to index
              %get3A_410 = tpu.vector_load %arg17[%get3A_409] {strides = array<i32>} : memref<4224xi32, #tpu.memory_space<vmem>>, vector<16xi32>,
              %gather3A_411 = tpu.vector_load_idx %arg14[%get3A_410] : memref<528xf32, #tpu.memory_space<vmem>>[vector<16xi32>], vector<16xf32>,
              %gt3A_412 = arith.constant 0.000000e+00 : f32
              %gt3A_413 = vector.broadcast %gt3A_412 : f32 to vector<16xf32>
              %gt3A_414 = arith.cmpf ogt, %gather3A_411, %gt3A_413 : vector<16xf32>
              %get3A_415 = arith.index_cast %mul3A_408 : i32 to index
              %get3A_416 = tpu.vector_load %arg16[%get3A_415] {strides = array<i32>} : memref<4224xi32, #tpu.memory_space<vmem>>, vector<16xi32>,
              %swap3A_417 = arith.index_cast %while3A_305 : i32 to index
              %swap3A_418 = tpu.vector_load %arg15[%swap3A_417] masked %gt3A_316 {strides = array<i32>} : memref<4224xi32, #tpu.memory_space<vmem>>, vector<16xi32>, vector<16xi1>
              tpu.vector_store %arg15[%swap3A_417], %get3A_318 masked %gt3A_316 {strides = array<i32>} : memref<4224xi32, #tpu.memory_space<vmem>>, vector<16xi32>, vector<16xi1>
              %all_reduce_population_count3A = tpu.all_reduce %gt3A_316 {dim = 0 : i64, kind = #tpu.reduction_kind<sum>} : vector<16xi1> -> vector<16xi32>
              %slice3A_419 = vector.extract_strided_slice %all_reduce_population_count3A {offsets = [0], sizes = [1], strides = [1]} : vector<16xi32> to vector<1xi32>
              %squeeze3A_420 = vector.extract %slice3A_419[0] : i32 from vector<1xi32>
              %add3A_421 = arith.addi %while3A_305, %squeeze3A_420 : i32
              %swap3A_422 = arith.index_cast %add3A_421 : i32 to index
              %swap3A_423 = tpu.vector_load %arg15[%swap3A_422] masked %gt3A_330 {strides = array<i32>} : memref<4224xi32, #tpu.memory_space<vmem>>, vector<16xi32>, vector<16xi1>
              tpu.vector_store %arg15[%swap3A_422], %get3A_332 masked %gt3A_330 {strides = array<i32>} : memref<4224xi32, #tpu.memory_space<vmem>>, vector<16xi32>, vector<16xi1>
              %all_reduce_population_count3A_424 = tpu.all_reduce %gt3A_330 {dim = 0 : i64, kind = #tpu.reduction_kind<sum>} : vector<16xi1> -> vector<16xi32>
              %slice3A_425 = vector.extract_strided_slice %all_reduce_population_count3A_424 {offsets = [0], sizes = [1], strides = [1]} : vector<16xi32> to vector<1xi32>
              %squeeze3A_426 = vector.extract %slice3A_425[0] : i32 from vector<1xi32>
              %add3A_427 = arith.addi %add3A_421, %squeeze3A_426 : i32
              %swap3A_428 = arith.index_cast %add3A_427 : i32 to index
              %swap3A_429 = tpu.vector_load %arg15[%swap3A_428] masked %gt3A_344 {strides = array<i32>} : memref<4224xi32, #tpu.memory_space<vmem>>, vector<16xi32>, vector<16xi1>
              tpu.vector_store %arg15[%swap3A_428], %get3A_346 masked %gt3A_344 {strides = array<i32>} : memref<4224xi32, #tpu.memory_space<vmem>>, vector<16xi32>, vector<16xi1>
              %all_reduce_population_count3A_430 = tpu.all_reduce %gt3A_344 {dim = 0 : i64, kind = #tpu.reduction_kind<sum>} : vector<16xi1> -> vector<16xi32>
              %slice3A_431 = vector.extract_strided_slice %all_reduce_population_count3A_430 {offsets = [0], sizes = [1], strides = [1]} : vector<16xi32> to vector<1xi32>
              %squeeze3A_432 = vector.extract %slice3A_431[0] : i32 from vector<1xi32>
              %add3A_433 = arith.addi %add3A_427, %squeeze3A_432 : i32
              %swap3A_434 = arith.index_cast %add3A_433 : i32 to index
              %swap3A_435 = tpu.vector_load %arg15[%swap3A_434] masked %gt3A_358 {strides = array<i32>} : memref<4224xi32, #tpu.memory_space<vmem>>, vector<16xi32>, vector<16xi1>
              tpu.vector_store %arg15[%swap3A_434], %get3A_360 masked %gt3A_358 {strides = array<i32>} : memref<4224xi32, #tpu.memory_space<vmem>>, vector<16xi32>, vector<16xi1>
              %all_reduce_population_count3A_436 = tpu.all_reduce %gt3A_358 {dim = 0 : i64, kind = #tpu.reduction_kind<sum>} : vector<16xi1> -> vector<16xi32>
              %slice3A_437 = vector.extract_strided_slice %all_reduce_population_count3A_436 {offsets = [0], sizes = [1], strides = [1]} : vector<16xi32> to vector<1xi32>
              %squeeze3A_438 = vector.extract %slice3A_437[0] : i32 from vector<1xi32>
              %add3A_439 = arith.addi %add3A_433, %squeeze3A_438 : i32
              %swap3A_440 = arith.index_cast %add3A_439 : i32 to index
              %swap3A_441 = tpu.vector_load %arg15[%swap3A_440] masked %gt3A_372 {strides = array<i32>} : memref<4224xi32, #tpu.memory_space<vmem>>, vector<16xi32>, vector<16xi1>
              tpu.vector_store %arg15[%swap3A_440], %get3A_374 masked %gt3A_372 {strides = array<i32>} : memref<4224xi32, #tpu.memory_space<vmem>>, vector<16xi32>, vector<16xi1>
              %all_reduce_population_count3A_442 = tpu.all_reduce %gt3A_372 {dim = 0 : i64, kind = #tpu.reduction_kind<sum>} : vector<16xi1> -> vector<16xi32>
              %slice3A_443 = vector.extract_strided_slice %all_reduce_population_count3A_442 {offsets = [0], sizes = [1], strides = [1]} : vector<16xi32> to vector<1xi32>
              %squeeze3A_444 = vector.extract %slice3A_443[0] : i32 from vector<1xi32>
              %add3A_445 = arith.addi %add3A_439, %squeeze3A_444 : i32
              %swap3A_446 = arith.index_cast %add3A_445 : i32 to index
              %swap3A_447 = tpu.vector_load %arg15[%swap3A_446] masked %gt3A_386 {strides = array<i32>} : memref<4224xi32, #tpu.memory_space<vmem>>, vector<16xi32>, vector<16xi1>
              tpu.vector_store %arg15[%swap3A_446], %get3A_388 masked %gt3A_386 {strides = array<i32>} : memref<4224xi32, #tpu.memory_space<vmem>>, vector<16xi32>, vector<16xi1>
              %all_reduce_population_count3A_448 = tpu.all_reduce %gt3A_386 {dim = 0 : i64, kind = #tpu.reduction_kind<sum>} : vector<16xi1> -> vector<16xi32>
              %slice3A_449 = vector.extract_strided_slice %all_reduce_population_count3A_448 {offsets = [0], sizes = [1], strides = [1]} : vector<16xi32> to vector<1xi32>
              %squeeze3A_450 = vector.extract %slice3A_449[0] : i32 from vector<1xi32>
              %add3A_451 = arith.addi %add3A_445, %squeeze3A_450 : i32
              %swap3A_452 = arith.index_cast %add3A_451 : i32 to index
              %swap3A_453 = tpu.vector_load %arg15[%swap3A_452] masked %gt3A_400 {strides = array<i32>} : memref<4224xi32, #tpu.memory_space<vmem>>, vector<16xi32>, vector<16xi1>
              tpu.vector_store %arg15[%swap3A_452], %get3A_402 masked %gt3A_400 {strides = array<i32>} : memref<4224xi32, #tpu.memory_space<vmem>>, vector<16xi32>, vector<16xi1>
              %all_reduce_population_count3A_454 = tpu.all_reduce %gt3A_400 {dim = 0 : i64, kind = #tpu.reduction_kind<sum>} : vector<16xi1> -> vector<16xi32>
              %slice3A_455 = vector.extract_strided_slice %all_reduce_population_count3A_454 {offsets = [0], sizes = [1], strides = [1]} : vector<16xi32> to vector<1xi32>
              %squeeze3A_456 = vector.extract %slice3A_455[0] : i32 from vector<1xi32>
              %add3A_457 = arith.addi %add3A_451, %squeeze3A_456 : i32
              %swap3A_458 = arith.index_cast %add3A_457 : i32 to index
              %swap3A_459 = tpu.vector_load %arg15[%swap3A_458] masked %gt3A_414 {strides = array<i32>} : memref<4224xi32, #tpu.memory_space<vmem>>, vector<16xi32>, vector<16xi1>
              tpu.vector_store %arg15[%swap3A_458], %get3A_416 masked %gt3A_414 {strides = array<i32>} : memref<4224xi32, #tpu.memory_space<vmem>>, vector<16xi32>, vector<16xi1>
              %all_reduce_population_count3A_460 = tpu.all_reduce %gt3A_414 {dim = 0 : i64, kind = #tpu.reduction_kind<sum>} : vector<16xi1> -> vector<16xi32>
              %slice3A_461 = vector.extract_strided_slice %all_reduce_population_count3A_460 {offsets = [0], sizes = [1], strides = [1]} : vector<16xi32> to vector<1xi32>
              %squeeze3A_462 = vector.extract %slice3A_461[0] : i32 from vector<1xi32>
              %add3A_463 = arith.addi %add3A_457, %squeeze3A_462 : i32
              scf.yield %add3A_463 : i32
            }
            %while3A_268 = arith.constant 1 : i32
            %while3A_269 = scf.for %while3A_304 = %while3A_265 to %while3A_261 step %while3A_268 iter_args(%while3A_305 = %while3A_267) -> (i32)  : i32 {
              %mul3A_306 = arith.constant 8 : i32
              %mul3A_307 = arith.muli %while3A_304, %mul3A_306 : i32
              %add3A_308 = arith.constant 0 : i32
              %add3A_309 = arith.addi %mul3A_307, %add3A_308 : i32
              %mul3A_310 = arith.constant 16 : i32
              %mul3A_311 = arith.muli %add3A_309, %mul3A_310 : i32
              %get3A_312 = arith.index_cast %mul3A_311 : i32 to index
              %get3A_313 = tpu.vector_load %arg17[%get3A_312] {strides = array<i32>} : memref<4224xi32, #tpu.memory_space<vmem>>, vector<16xi32>,
              %gather3A = tpu.vector_load_idx %arg14[%get3A_313] : memref<528xf32, #tpu.memory_space<vmem>>[vector<16xi32>], vector<16xf32>,
              %gt3A_314 = arith.constant 0.000000e+00 : f32
              %gt3A_315 = vector.broadcast %gt3A_314 : f32 to vector<16xf32>
              %gt3A_316 = arith.cmpf ogt, %gather3A, %gt3A_315 : vector<16xf32>
              %get3A_317 = arith.index_cast %mul3A_311 : i32 to index
              %get3A_318 = tpu.vector_load %arg16[%get3A_317] {strides = array<i32>} : memref<4224xi32, #tpu.memory_space<vmem>>, vector<16xi32>,
              %mul3A_319 = arith.constant 8 : i32
              %mul3A_320 = arith.muli %while3A_304, %mul3A_319 : i32
              %add3A_321 = arith.constant 1 : i32
              %add3A_322 = arith.addi %mul3A_320, %add3A_321 : i32
              %mul3A_323 = arith.constant 16 : i32
              %mul3A_324 = arith.muli %add3A_322, %mul3A_323 : i32
              %get3A_325 = arith.index_cast %mul3A_324 : i32 to index
              %get3A_326 = tpu.vector_load %arg17[%get3A_325] {strides = array<i32>} : memref<4224xi32, #tpu.memory_space<vmem>>, vector<16xi32>,
              %gather3A_327 = tpu.vector_load_idx %arg14[%get3A_326] : memref<528xf32, #tpu.memory_space<vmem>>[vector<16xi32>], vector<16xf32>,
              %gt3A_328 = arith.constant 0.000000e+00 : f32
              %gt3A_329 = vector.broadcast %gt3A_328 : f32 to vector<16xf32>
              %gt3A_330 = arith.cmpf ogt, %gather3A_327, %gt3A_329 : vector<16xf32>
              %get3A_331 = arith.index_cast %mul3A_324 : i32 to index
              %get3A_332 = tpu.vector_load %arg16[%get3A_331] {strides = array<i32>} : memref<4224xi32, #tpu.memory_space<vmem>>, vector<16xi32>,
              %mul3A_333 = arith.constant 8 : i32
              %mul3A_334 = arith.muli %while3A_304, %mul3A_333 : i32
              %add3A_335 = arith.constant 2 : i32
              %add3A_336 = arith.addi %mul3A_334, %add3A_335 : i32
              %mul3A_337 = arith.constant 16 : i32
              %mul3A_338 = arith.muli %add3A_336, %mul3A_337 : i32
              %get3A_339 = arith.index_cast %mul3A_338 : i32 to index
              %get3A_340 = tpu.vector_load %arg17[%get3A_339] {strides = array<i32>} : memref<4224xi32, #tpu.memory_space<vmem>>, vector<16xi32>,
              %gather3A_341 = tpu.vector_load_idx %arg14[%get3A_340] : memref<528xf32, #tpu.memory_space<vmem>>[vector<16xi32>], vector<16xf32>,
              %gt3A_342 = arith.constant 0.000000e+00 : f32
              %gt3A_343 = vector.broadcast %gt3A_342 : f32 to vector<16xf32>
              %gt3A_344 = arith.cmpf ogt, %gather3A_341, %gt3A_343 : vector<16xf32>
              %get3A_345 = arith.index_cast %mul3A_338 : i32 to index
              %get3A_346 = tpu.vector_load %arg16[%get3A_345] {strides = array<i32>} : memref<4224xi32, #tpu.memory_space<vmem>>, vector<16xi32>,
              %mul3A_347 = arith.constant 8 : i32
              %mul3A_348 = arith.muli %while3A_304, %mul3A_347 : i32
              %add3A_349 = arith.constant 3 : i32
              %add3A_350 = arith.addi %mul3A_348, %add3A_349 : i32
              %mul3A_351 = arith.constant 16 : i32
              %mul3A_352 = arith.muli %add3A_350, %mul3A_351 : i32
              %get3A_353 = arith.index_cast %mul3A_352 : i32 to index
              %get3A_354 = tpu.vector_load %arg17[%get3A_353] {strides = array<i32>} : memref<4224xi32, #tpu.memory_space<vmem>>, vector<16xi32>,
              %gather3A_355 = tpu.vector_load_idx %arg14[%get3A_354] : memref<528xf32, #tpu.memory_space<vmem>>[vector<16xi32>], vector<16xf32>,
              %gt3A_356 = arith.constant 0.000000e+00 : f32
              %gt3A_357 = vector.broadcast %gt3A_356 : f32 to vector<16xf32>
              %gt3A_358 = arith.cmpf ogt, %gather3A_355, %gt3A_357 : vector<16xf32>
              %get3A_359 = arith.index_cast %mul3A_352 : i32 to index
              %get3A_360 = tpu.vector_load %arg16[%get3A_359] {strides = array<i32>} : memref<4224xi32, #tpu.memory_space<vmem>>, vector<16xi32>,
              %mul3A_361 = arith.constant 8 : i32
              %mul3A_362 = arith.muli %while3A_304, %mul3A_361 : i32
              %add3A_363 = arith.constant 4 : i32
              %add3A_364 = arith.addi %mul3A_362, %add3A_363 : i32
              %mul3A_365 = arith.constant 16 : i32
              %mul3A_366 = arith.muli %add3A_364, %mul3A_365 : i32
              %get3A_367 = arith.index_cast %mul3A_366 : i32 to index
              %get3A_368 = tpu.vector_load %arg17[%get3A_367] {strides = array<i32>} : memref<4224xi32, #tpu.memory_space<vmem>>, vector<16xi32>,
              %gather3A_369 = tpu.vector_load_idx %arg14[%get3A_368] : memref<528xf32, #tpu.memory_space<vmem>>[vector<16xi32>], vector<16xf32>,
              %gt3A_370 = arith.constant 0.000000e+00 : f32
              %gt3A_371 = vector.broadcast %gt3A_370 : f32 to vector<16xf32>
              %gt3A_372 = arith.cmpf ogt, %gather3A_369, %gt3A_371 : vector<16xf32>
              %get3A_373 = arith.index_cast %mul3A_366 : i32 to index
              %get3A_374 = tpu.vector_load %arg16[%get3A_373] {strides = array<i32>} : memref<4224xi32, #tpu.memory_space<vmem>>, vector<16xi32>,
              %mul3A_375 = arith.constant 8 : i32
              %mul3A_376 = arith.muli %while3A_304, %mul3A_375 : i32
              %add3A_377 = arith.constant 5 : i32
              %add3A_378 = arith.addi %mul3A_376, %add3A_377 : i32
              %mul3A_379 = arith.constant 16 : i32
              %mul3A_380 = arith.muli %add3A_378, %mul3A_379 : i32
              %get3A_381 = arith.index_cast %mul3A_380 : i32 to index
              %get3A_382 = tpu.vector_load %arg17[%get3A_381] {strides = array<i32>} : memref<4224xi32, #tpu.memory_space<vmem>>, vector<16xi32>,
              %gather3A_383 = tpu.vector_load_idx %arg14[%get3A_382] : memref<528xf32, #tpu.memory_space<vmem>>[vector<16xi32>], vector<16xf32>,
              %gt3A_384 = arith.constant 0.000000e+00 : f32
              %gt3A_385 = vector.broadcast %gt3A_384 : f32 to vector<16xf32>
              %gt3A_386 = arith.cmpf ogt, %gather3A_383, %gt3A_385 : vector<16xf32>
              %get3A_387 = arith.index_cast %mul3A_380 : i32 to index
              %get3A_388 = tpu.vector_load %arg16[%get3A_387] {strides = array<i32>} : memref<4224xi32, #tpu.memory_space<vmem>>, vector<16xi32>,
              %mul3A_389 = arith.constant 8 : i32
              %mul3A_390 = arith.muli %while3A_304, %mul3A_389 : i32
              %add3A_391 = arith.constant 6 : i32
              %add3A_392 = arith.addi %mul3A_390, %add3A_391 : i32
              %mul3A_393 = arith.constant 16 : i32
              %mul3A_394 = arith.muli %add3A_392, %mul3A_393 : i32
              %get3A_395 = arith.index_cast %mul3A_394 : i32 to index
              %get3A_396 = tpu.vector_load %arg17[%get3A_395] {strides = array<i32>} : memref<4224xi32, #tpu.memory_space<vmem>>, vector<16xi32>,
              %gather3A_397 = tpu.vector_load_idx %arg14[%get3A_396] : memref<528xf32, #tpu.memory_space<vmem>>[vector<16xi32>], vector<16xf32>,
              %gt3A_398 = arith.constant 0.000000e+00 : f32
              %gt3A_399 = vector.broadcast %gt3A_398 : f32 to vector<16xf32>
              %gt3A_400 = arith.cmpf ogt, %gather3A_397, %gt3A_399 : vector<16xf32>
              %get3A_401 = arith.index_cast %mul3A_394 : i32 to index
              %get3A_402 = tpu.vector_load %arg16[%get3A_401] {strides = array<i32>} : memref<4224xi32, #tpu.memory_space<vmem>>, vector<16xi32>,
              %mul3A_403 = arith.constant 8 : i32
              %mul3A_404 = arith.muli %while3A_304, %mul3A_403 : i32
              %add3A_405 = arith.constant 7 : i32
              %add3A_406 = arith.addi %mul3A_404, %add3A_405 : i32
              %mul3A_407 = arith.constant 16 : i32
              %mul3A_408 = arith.muli %add3A_406, %mul3A_407 : i32
              %get3A_409 = arith.index_cast %mul3A_408 : i32 to index
              %get3A_410 = tpu.vector_load %arg17[%get3A_409] {strides = array<i32>} : memref<4224xi32, #tpu.memory_space<vmem>>, vector<16xi32>,
              %gather3A_411 = tpu.vector_load_idx %arg14[%get3A_410] : memref<528xf32, #tpu.memory_space<vmem>>[vector<16xi32>], vector<16xf32>,
              %gt3A_412 = arith.constant 0.000000e+00 : f32
              %gt3A_413 = vector.broadcast %gt3A_412 : f32 to vector<16xf32>
              %gt3A_414 = arith.cmpf ogt, %gather3A_411, %gt3A_413 : vector<16xf32>
              %get3A_415 = arith.index_cast %mul3A_408 : i32 to index
              %get3A_416 = tpu.vector_load %arg16[%get3A_415] {strides = array<i32>} : memref<4224xi32, #tpu.memory_space<vmem>>, vector<16xi32>,
              %swap3A_417 = arith.index_cast %while3A_305 : i32 to index
              %swap3A_418 = tpu.vector_load %arg15[%swap3A_417] masked %gt3A_316 {strides = array<i32>} : memref<4224xi32, #tpu.memory_space<vmem>>, vector<16xi32>, vector<16xi1>
              tpu.vector_store %arg15[%swap3A_417], %get3A_318 masked %gt3A_316 {strides = array<i32>} : memref<4224xi32, #tpu.memory_space<vmem>>, vector<16xi32>, vector<16xi1>
              %all_reduce_population_count3A = tpu.all_reduce %gt3A_316 {dim = 0 : i64, kind = #tpu.reduction_kind<sum>} : vector<16xi1> -> vector<16xi32>
              %slice3A_419 = vector.extract_strided_slice %all_reduce_population_count3A {offsets = [0], sizes = [1], strides = [1]} : vector<16xi32> to vector<1xi32>
              %squeeze3A_420 = vector.extract %slice3A_419[0] : i32 from vector<1xi32>
              %add3A_421 = arith.addi %while3A_305, %squeeze3A_420 : i32
              %swap3A_422 = arith.index_cast %add3A_421 : i32 to index
              %swap3A_423 = tpu.vector_load %arg15[%swap3A_422] masked %gt3A_330 {strides = array<i32>} : memref<4224xi32, #tpu.memory_space<vmem>>, vector<16xi32>, vector<16xi1>
              tpu.vector_store %arg15[%swap3A_422], %get3A_332 masked %gt3A_330 {strides = array<i32>} : memref<4224xi32, #tpu.memory_space<vmem>>, vector<16xi32>, vector<16xi1>
              %all_reduce_population_count3A_424 = tpu.all_reduce %gt3A_330 {dim = 0 : i64, kind = #tpu.reduction_kind<sum>} : vector<16xi1> -> vector<16xi32>
              %slice3A_425 = vector.extract_strided_slice %all_reduce_population_count3A_424 {offsets = [0], sizes = [1], strides = [1]} : vector<16xi32> to vector<1xi32>
              %squeeze3A_426 = vector.extract %slice3A_425[0] : i32 from vector<1xi32>
              %add3A_427 = arith.addi %add3A_421, %squeeze3A_426 : i32
              %swap3A_428 = arith.index_cast %add3A_427 : i32 to index
              %swap3A_429 = tpu.vector_load %arg15[%swap3A_428] masked %gt3A_344 {strides = array<i32>} : memref<4224xi32, #tpu.memory_space<vmem>>, vector<16xi32>, vector<16xi1>
              tpu.vector_store %arg15[%swap3A_428], %get3A_346 masked %gt3A_344 {strides = array<i32>} : memref<4224xi32, #tpu.memory_space<vmem>>, vector<16xi32>, vector<16xi1>
              %all_reduce_population_count3A_430 = tpu.all_reduce %gt3A_344 {dim = 0 : i64, kind = #tpu.reduction_kind<sum>} : vector<16xi1> -> vector<16xi32>
              %slice3A_431 = vector.extract_strided_slice %all_reduce_population_count3A_430 {offsets = [0], sizes = [1], strides = [1]} : vector<16xi32> to vector<1xi32>
              %squeeze3A_432 = vector.extract %slice3A_431[0] : i32 from vector<1xi32>
              %add3A_433 = arith.addi %add3A_427, %squeeze3A_432 : i32
              %swap3A_434 = arith.index_cast %add3A_433 : i32 to index
              %swap3A_435 = tpu.vector_load %arg15[%swap3A_434] masked %gt3A_358 {strides = array<i32>} : memref<4224xi32, #tpu.memory_space<vmem>>, vector<16xi32>, vector<16xi1>
              tpu.vector_store %arg15[%swap3A_434], %get3A_360 masked %gt3A_358 {strides = array<i32>} : memref<4224xi32, #tpu.memory_space<vmem>>, vector<16xi32>, vector<16xi1>
              %all_reduce_population_count3A_436 = tpu.all_reduce %gt3A_358 {dim = 0 : i64, kind = #tpu.reduction_kind<sum>} : vector<16xi1> -> vector<16xi32>
              %slice3A_437 = vector.extract_strided_slice %all_reduce_population_count3A_436 {offsets = [0], sizes = [1], strides = [1]} : vector<16xi32> to vector<1xi32>
              %squeeze3A_438 = vector.extract %slice3A_437[0] : i32 from vector<1xi32>
              %add3A_439 = arith.addi %add3A_433, %squeeze3A_438 : i32
              %swap3A_440 = arith.index_cast %add3A_439 : i32 to index
              %swap3A_441 = tpu.vector_load %arg15[%swap3A_440] masked %gt3A_372 {strides = array<i32>} : memref<4224xi32, #tpu.memory_space<vmem>>, vector<16xi32>, vector<16xi1>
              tpu.vector_store %arg15[%swap3A_440], %get3A_374 masked %gt3A_372 {strides = array<i32>} : memref<4224xi32, #tpu.memory_space<vmem>>, vector<16xi32>, vector<16xi1>
              %all_reduce_population_count3A_442 = tpu.all_reduce %gt3A_372 {dim = 0 : i64, kind = #tpu.reduction_kind<sum>} : vector<16xi1> -> vector<16xi32>
              %slice3A_443 = vector.extract_strided_slice %all_reduce_population_count3A_442 {offsets = [0], sizes = [1], strides = [1]} : vector<16xi32> to vector<1xi32>
              %squeeze3A_444 = vector.extract %slice3A_443[0] : i32 from vector<1xi32>
              %add3A_445 = arith.addi %add3A_439, %squeeze3A_444 : i32
              %swap3A_446 = arith.index_cast %add3A_445 : i32 to index
              %swap3A_447 = tpu.vector_load %arg15[%swap3A_446] masked %gt3A_386 {strides = array<i32>} : memref<4224xi32, #tpu.memory_space<vmem>>, vector<16xi32>, vector<16xi1>
              tpu.vector_store %arg15[%swap3A_446], %get3A_388 masked %gt3A_386 {strides = array<i32>} : memref<4224xi32, #tpu.memory_space<vmem>>, vector<16xi32>, vector<16xi1>
              %all_reduce_population_count3A_448 = tpu.all_reduce %gt3A_386 {dim = 0 : i64, kind = #tpu.reduction_kind<sum>} : vector<16xi1> -> vector<16xi32>
              %slice3A_449 = vector.extract_strided_slice %all_reduce_population_count3A_448 {offsets = [0], sizes = [1], strides = [1]} : vector<16xi32> to vector<1xi32>
              %squeeze3A_450 = vector.extract %slice3A_449[0] : i32 from vector<1xi32>
              %add3A_451 = arith.addi %add3A_445, %squeeze3A_450 : i32
              %swap3A_452 = arith.index_cast %add3A_451 : i32 to index
              %swap3A_453 = tpu.vector_load %arg15[%swap3A_452] masked %gt3A_400 {strides = array<i32>} : memref<4224xi32, #tpu.memory_space<vmem>>, vector<16xi32>, vector<16xi1>
              tpu.vector_store %arg15[%swap3A_452], %get3A_402 masked %gt3A_400 {strides = array<i32>} : memref<4224xi32, #tpu.memory_space<vmem>>, vector<16xi32>, vector<16xi1>
              %all_reduce_population_count3A_454 = tpu.all_reduce %gt3A_400 {dim = 0 : i64, kind = #tpu.reduction_kind<sum>} : vector<16xi1> -> vector<16xi32>
              %slice3A_455 = vector.extract_strided_slice %all_reduce_population_count3A_454 {offsets = [0], sizes = [1], strides = [1]} : vector<16xi32> to vector<1xi32>
              %squeeze3A_456 = vector.extract %slice3A_455[0] : i32 from vector<1xi32>
              %add3A_457 = arith.addi %add3A_451, %squeeze3A_456 : i32
              %swap3A_458 = arith.index_cast %add3A_457 : i32 to index
              %swap3A_459 = tpu.vector_load %arg15[%swap3A_458] masked %gt3A_414 {strides = array<i32>} : memref<4224xi32, #tpu.memory_space<vmem>>, vector<16xi32>, vector<16xi1>
              tpu.vector_store %arg15[%swap3A_458], %get3A_416 masked %gt3A_414 {strides = array<i32>} : memref<4224xi32, #tpu.memory_space<vmem>>, vector<16xi32>, vector<16xi1>
              %all_reduce_population_count3A_460 = tpu.all_reduce %gt3A_414 {dim = 0 : i64, kind = #tpu.reduction_kind<sum>} : vector<16xi1> -> vector<16xi32>
              %slice3A_461 = vector.extract_strided_slice %all_reduce_population_count3A_460 {offsets = [0], sizes = [1], strides = [1]} : vector<16xi32> to vector<1xi32>
              %squeeze3A_462 = vector.extract %slice3A_461[0] : i32 from vector<1xi32>
              %add3A_463 = arith.addi %add3A_457, %squeeze3A_462 : i32
              scf.yield %add3A_463 : i32
            }
            %broadcast_in_dim3A_270 = arith.constant 4096 : i32
            %broadcast_in_dim3A_271 = vector.broadcast %broadcast_in_dim3A_270 : i32 to vector<16xi32>
            %add3A_272 = arith.constant 0 : i32
            %add3A_273 = arith.addi %while3A_269, %add3A_272 : i32
            %swap3A_274 = arith.index_cast %add3A_273 : i32 to index
            %swap3A_275 = tpu.vector_load %arg15[%swap3A_274] {strides = array<i32>} : memref<4224xi32, #tpu.memory_space<vmem>>, vector<16xi32>,
            tpu.vector_store %arg15[%swap3A_274], %broadcast_in_dim3A_271 {strides = array<i32>} : memref<4224xi32, #tpu.memory_space<vmem>>, vector<16xi32>,
            %add3A_276 = arith.constant 16 : i32
            %add3A_277 = arith.addi %while3A_269, %add3A_276 : i32
            %swap3A_278 = arith.index_cast %add3A_277 : i32 to index
            %swap3A_279 = tpu.vector_load %arg15[%swap3A_278] {strides = array<i32>} : memref<4224xi32, #tpu.memory_space<vmem>>, vector<16xi32>,
            tpu.vector_store %arg15[%swap3A_278], %broadcast_in_dim3A_271 {strides = array<i32>} : memref<4224xi32, #tpu.memory_space<vmem>>, vector<16xi32>,
            %add3A_280 = arith.constant 32 : i32
            %add3A_281 = arith.addi %while3A_269, %add3A_280 : i32
            %swap3A_282 = arith.index_cast %add3A_281 : i32 to index
            %swap3A_283 = tpu.vector_load %arg15[%swap3A_282] {strides = array<i32>} : memref<4224xi32, #tpu.memory_space<vmem>>, vector<16xi32>,
            tpu.vector_store %arg15[%swap3A_282], %broadcast_in_dim3A_271 {strides = array<i32>} : memref<4224xi32, #tpu.memory_space<vmem>>, vector<16xi32>,
            %add3A_284 = arith.constant 48 : i32
            %add3A_285 = arith.addi %while3A_269, %add3A_284 : i32
            %swap3A_286 = arith.index_cast %add3A_285 : i32 to index
            %swap3A_287 = tpu.vector_load %arg15[%swap3A_286] {strides = array<i32>} : memref<4224xi32, #tpu.memory_space<vmem>>, vector<16xi32>,
            tpu.vector_store %arg15[%swap3A_286], %broadcast_in_dim3A_271 {strides = array<i32>} : memref<4224xi32, #tpu.memory_space<vmem>>, vector<16xi32>,
            %add3A_288 = arith.constant 64 : i32
            %add3A_289 = arith.addi %while3A_269, %add3A_288 : i32
            %swap3A_290 = arith.index_cast %add3A_289 : i32 to index
            %swap3A_291 = tpu.vector_load %arg15[%swap3A_290] {strides = array<i32>} : memref<4224xi32, #tpu.memory_space<vmem>>, vector<16xi32>,
            tpu.vector_store %arg15[%swap3A_290], %broadcast_in_dim3A_271 {strides = array<i32>} : memref<4224xi32, #tpu.memory_space<vmem>>, vector<16xi32>,
            %add3A_292 = arith.constant 80 : i32
            %add3A_293 = arith.addi %while3A_269, %add3A_292 : i32
            %swap3A_294 = arith.index_cast %add3A_293 : i32 to index
            %swap3A_295 = tpu.vector_load %arg15[%swap3A_294] {strides = array<i32>} : memref<4224xi32, #tpu.memory_space<vmem>>, vector<16xi32>,
            tpu.vector_store %arg15[%swap3A_294], %broadcast_in_dim3A_271 {strides = array<i32>} : memref<4224xi32, #tpu.memory_space<vmem>>, vector<16xi32>,
            %add3A_296 = arith.constant 96 : i32
            %add3A_297 = arith.addi %while3A_269, %add3A_296 : i32
            %swap3A_298 = arith.index_cast %add3A_297 : i32 to index
            %swap3A_299 = tpu.vector_load %arg15[%swap3A_298] {strides = array<i32>} : memref<4224xi32, #tpu.memory_space<vmem>>, vector<16xi32>,
            tpu.vector_store %arg15[%swap3A_298], %broadcast_in_dim3A_271 {strides = array<i32>} : memref<4224xi32, #tpu.memory_space<vmem>>, vector<16xi32>,
            %add3A_300 = arith.constant 112 : i32
            %add3A_301 = arith.addi %while3A_269, %add3A_300 : i32
            %swap3A_302 = arith.index_cast %add3A_301 : i32 to index
            %swap3A_303 = tpu.vector_load %arg15[%swap3A_302] {strides = array<i32>} : memref<4224xi32, #tpu.memory_space<vmem>>, vector<16xi32>,
            tpu.vector_store %arg15[%swap3A_302], %broadcast_in_dim3A_271 {strides = array<i32>} : memref<4224xi32, #tpu.memory_space<vmem>>, vector<16xi32>,
            scf.yield %while3A_269 : i32
          } else {
            scf.yield %scan3A_166 : i32
          }
          %get3A_186 = arith.constant 0 : i32
          %get3A_187 = tpu.memref_slice %arg13[%get3A_186] : memref<24672xf32, #tpu.memory_space<vmem>> -> memref<4112xf32, #tpu.memory_space<vmem>>
          %get3A_188 = arith.index_cast %add3A_172 : i32 to index
          %get3A_189 = tpu.vector_load %get3A_187[%get3A_188] {strides = array<i32>} : memref<4112xf32, #tpu.memory_space<vmem>>, vector<16xf32>,
          %slice3A_190 = vector.extract_strided_slice %get3A_189 {offsets = [0], sizes = [1], strides = [1]} : vector<16xf32> to vector<1xf32>
          %squeeze3A_191 = vector.extract %slice3A_190[0] : f32 from vector<1xf32>
          %get3A_192 = arith.constant 4112 : i32
          %get3A_193 = tpu.memref_slice %arg13[%get3A_192] : memref<24672xf32, #tpu.memory_space<vmem>> -> memref<4112xf32, #tpu.memory_space<vmem>>
          %get3A_194 = arith.index_cast %add3A_172 : i32 to index
          %get3A_195 = tpu.vector_load %get3A_193[%get3A_194] {strides = array<i32>} : memref<4112xf32, #tpu.memory_space<vmem>>, vector<16xf32>,
          %slice3A_196 = vector.extract_strided_slice %get3A_195 {offsets = [0], sizes = [1], strides = [1]} : vector<16xf32> to vector<1xf32>
          %squeeze3A_197 = vector.extract %slice3A_196[0] : f32 from vector<1xf32>
          %get3A_198 = arith.constant 8224 : i32
          %get3A_199 = tpu.memref_slice %arg13[%get3A_198] : memref<24672xf32, #tpu.memory_space<vmem>> -> memref<4112xf32, #tpu.memory_space<vmem>>
          %get3A_200 = arith.index_cast %add3A_172 : i32 to index
          %get3A_201 = tpu.vector_load %get3A_199[%get3A_200] {strides = array<i32>} : memref<4112xf32, #tpu.memory_space<vmem>>, vector<16xf32>,
          %slice3A_202 = vector.extract_strided_slice %get3A_201 {offsets = [0], sizes = [1], strides = [1]} : vector<16xf32> to vector<1xf32>
          %squeeze3A_203 = vector.extract %slice3A_202[0] : f32 from vector<1xf32>
          %get3A_204 = arith.constant 12336 : i32
          %get3A_205 = tpu.memref_slice %arg13[%get3A_204] : memref<24672xf32, #tpu.memory_space<vmem>> -> memref<4112xf32, #tpu.memory_space<vmem>>
          %get3A_206 = arith.index_cast %add3A_172 : i32 to index
          %get3A_207 = tpu.vector_load %get3A_205[%get3A_206] {strides = array<i32>} : memref<4112xf32, #tpu.memory_space<vmem>>, vector<16xf32>,
          %slice3A_208 = vector.extract_strided_slice %get3A_207 {offsets = [0], sizes = [1], strides = [1]} : vector<16xf32> to vector<1xf32>
          %squeeze3A_209 = vector.extract %slice3A_208[0] : f32 from vector<1xf32>
          %get3A_210 = arith.constant 16448 : i32
          %get3A_211 = tpu.memref_slice %arg13[%get3A_210] : memref<24672xf32, #tpu.memory_space<vmem>> -> memref<4112xf32, #tpu.memory_space<vmem>>
          %get3A_212 = arith.index_cast %add3A_172 : i32 to index
          %get3A_213 = tpu.vector_load %get3A_211[%get3A_212] {strides = array<i32>} : memref<4112xf32, #tpu.memory_space<vmem>>, vector<16xf32>,
          %slice3A_214 = vector.extract_strided_slice %get3A_213 {offsets = [0], sizes = [1], strides = [1]} : vector<16xf32> to vector<1xf32>
          %squeeze3A_215 = vector.extract %slice3A_214[0] : f32 from vector<1xf32>
          %get3A_216 = arith.constant 20560 : i32
          %get3A_217 = tpu.memref_slice %arg13[%get3A_216] : memref<24672xf32, #tpu.memory_space<vmem>> -> memref<4112xf32, #tpu.memory_space<vmem>>
          %get3A_218 = arith.index_cast %add3A_172 : i32 to index
          %get3A_219 = tpu.vector_load %get3A_217[%get3A_218] {strides = array<i32>} : memref<4112xf32, #tpu.memory_space<vmem>>, vector<16xf32>,
          %slice3A_220 = vector.extract_strided_slice %get3A_219 {offsets = [0], sizes = [1], strides = [1]} : vector<16xf32> to vector<1xf32>
          %squeeze3A_221 = vector.extract %slice3A_220[0] : f32 from vector<1xf32>
          %add3A_222 = arith.constant 127 : i32
          %add3A_223 = arith.addi %cond3A_185, %add3A_222 : i32
          %jit3A_224 = arith.constant 128 : i32
          %div3A_225 = arith.divsi %add3A_223, %jit3A_224 : i32
          %sign3A_226 = arith.constant 0 : i32
          %sign3A_227 = arith.cmpi sgt, %add3A_223, %sign3A_226 : i32
          %sign3A_228 = arith.extui %sign3A_227 : i1 to i32
          %sign3A_229 = arith.constant 0 : i32
          %sign3A_230 = arith.cmpi slt, %add3A_223, %sign3A_229 : i32
          %sign3A_231 = arith.extui %sign3A_230 : i1 to i32
          %sign3A_232 = arith.subi %sign3A_228, %sign3A_231 : i32
          %sign3A_233 = arith.constant 0 : i32
          %sign3A_234 = arith.cmpi sgt, %jit3A_224, %sign3A_233 : i32
          %sign3A_235 = arith.extui %sign3A_234 : i1 to i32
          %sign3A_236 = arith.constant 0 : i32
          %sign3A_237 = arith.cmpi slt, %jit3A_224, %sign3A_236 : i32
          %sign3A_238 = arith.extui %sign3A_237 : i1 to i32
          %sign3A_239 = arith.subi %sign3A_235, %sign3A_238 : i32
          %ne3A_240 = arith.cmpi ne, %sign3A_232, %sign3A_239 : i32
          %rem3A_241 = arith.remsi %add3A_223, %jit3A_224 : i32
          %ne3A_242 = arith.constant 0 : i32
          %ne3A_243 = arith.cmpi ne, %rem3A_241, %ne3A_242 : i32
          %and3A_244 = arith.andi %ne3A_240, %ne3A_243 : i1
          %sub3A_245 = arith.constant 1 : i32
          %sub3A_246 = arith.subi %div3A_225, %sub3A_245 : i32
          %select_n3A_247 = arith.select %and3A_244, %sub3A_246, %div3A_225 : i32
          %while3A = arith.constant 0 : i32
          %while3A_248 = arith.subi %select_n3A_247, %while3A : i32
          %while3A_249 = arith.addi %while3A, %while3A_248 : i32
          %while3A_250 = arith.constant 1 : i32
          %while3A_251 = arith.divsi %while3A_248, %while3A_250 : i32
          %while3A_252 = arith.muli %while3A_251, %while3A_250 : i32
          %while3A_253 = arith.addi %while3A, %while3A_252 : i32
          %while3A_254 = arith.constant 1 : i32
          %while3A_255:16 = scf.for %while3A_258 = %while3A to %while3A_253 step %while3A_254 iter_args(%while3A_259 = %scan3A_149, %while3A_260 = %scan3A_150, %while3A_261 = %scan3A_151, %while3A_262 = %scan3A_152, %while3A_263 = %scan3A_153, %while3A_264 = %scan3A_154, %while3A_265 = %scan3A_155, %while3A_266 = %scan3A_156, %while3A_267 = %scan3A_157, %while3A_268 = %scan3A_158, %while3A_269 = %scan3A_159, %while3A_270 = %scan3A_160, %while3A_271 = %scan3A_161, %while3A_272 = %scan3A_162, %while3A_273 = %scan3A_163, %while3A_274 = %scan3A_164) -> (vector<16xf32>, vector<16xf32>, vector<16xf32>, vector<16xf32>, vector<16xf32>, vector<16xf32>, vector<16xf32>, vector<16xf32>, vector<16xf32>, vector<16xf32>, vector<16xf32>, vector<16xf32>, vector<16xf32>, vector<16xf32>, vector<16xf32>, vector<16xf32>)  : i32 {
            %mul3A_275 = arith.constant 8 : i32
            %mul3A_276 = arith.muli %while3A_258, %mul3A_275 : i32
            %add3A_277 = arith.constant 0 : i32
            %add3A_278 = arith.addi %mul3A_276, %add3A_277 : i32
            %mul3A_279 = arith.constant 16 : i32
            %mul3A_280 = arith.muli %add3A_278, %mul3A_279 : i32
            %get3A_281 = arith.index_cast %mul3A_280 : i32 to index
            %get3A_282 = tpu.vector_load %arg15[%get3A_281] {strides = array<i32>} : memref<4224xi32, #tpu.memory_space<vmem>>, vector<16xi32>,
            %gather3A = arith.constant 0 : i32
            %gather3A_283 = tpu.memref_slice %arg13[%gather3A] : memref<24672xf32, #tpu.memory_space<vmem>> -> memref<4112xf32, #tpu.memory_space<vmem>>
            %gather3A_284 = tpu.vector_load_idx %gather3A_283[%get3A_282] : memref<4112xf32, #tpu.memory_space<vmem>>[vector<16xi32>], vector<16xf32>,
            %sub3A_285 = vector.broadcast %squeeze3A_191 : f32 to vector<16xf32>
            %sub3A_286 = arith.subf %gather3A_284, %sub3A_285 : vector<16xf32>
            %gather3A_287 = arith.constant 4112 : i32
            %gather3A_288 = tpu.memref_slice %arg13[%gather3A_287] : memref<24672xf32, #tpu.memory_space<vmem>> -> memref<4112xf32, #tpu.memory_space<vmem>>
            %gather3A_289 = tpu.vector_load_idx %gather3A_288[%get3A_282] : memref<4112xf32, #tpu.memory_space<vmem>>[vector<16xi32>], vector<16xf32>,
            %sub3A_290 = vector.broadcast %squeeze3A_197 : f32 to vector<16xf32>
            %sub3A_291 = arith.subf %gather3A_289, %sub3A_290 : vector<16xf32>
            %gather3A_292 = arith.constant 8224 : i32
            %gather3A_293 = tpu.memref_slice %arg13[%gather3A_292] : memref<24672xf32, #tpu.memory_space<vmem>> -> memref<4112xf32, #tpu.memory_space<vmem>>
            %gather3A_294 = tpu.vector_load_idx %gather3A_293[%get3A_282] : memref<4112xf32, #tpu.memory_space<vmem>>[vector<16xi32>], vector<16xf32>,
            %sub3A_295 = vector.broadcast %squeeze3A_203 : f32 to vector<16xf32>
            %sub3A_296 = arith.subf %gather3A_294, %sub3A_295 : vector<16xf32>
            %mul3A_297 = arith.mulf %sub3A_286, %sub3A_286 : vector<16xf32>
            %mul3A_298 = arith.mulf %sub3A_291, %sub3A_291 : vector<16xf32>
            %add3A_299 = arith.addf %mul3A_297, %mul3A_298 : vector<16xf32>
            %mul3A_300 = arith.mulf %sub3A_296, %sub3A_296 : vector<16xf32>
            %add3A_301 = arith.addf %add3A_299, %mul3A_300 : vector<16xf32>
            %gather3A_302 = arith.constant 12336 : i32
            %gather3A_303 = tpu.memref_slice %arg13[%gather3A_302] : memref<24672xf32, #tpu.memory_space<vmem>> -> memref<4112xf32, #tpu.memory_space<vmem>>
            %gather3A_304 = tpu.vector_load_idx %gather3A_303[%get3A_282] : memref<4112xf32, #tpu.memory_space<vmem>>[vector<16xi32>], vector<16xf32>,
            %sub3A_305 = vector.broadcast %squeeze3A_209 : f32 to vector<16xf32>
            %sub3A_306 = arith.subf %gather3A_304, %sub3A_305 : vector<16xf32>
            %gather3A_307 = arith.constant 16448 : i32
            %gather3A_308 = tpu.memref_slice %arg13[%gather3A_307] : memref<24672xf32, #tpu.memory_space<vmem>> -> memref<4112xf32, #tpu.memory_space<vmem>>
            %gather3A_309 = tpu.vector_load_idx %gather3A_308[%get3A_282] : memref<4112xf32, #tpu.memory_space<vmem>>[vector<16xi32>], vector<16xf32>,
            %sub3A_310 = vector.broadcast %squeeze3A_215 : f32 to vector<16xf32>
            %sub3A_311 = arith.subf %gather3A_309, %sub3A_310 : vector<16xf32>
            %gather3A_312 = arith.constant 20560 : i32
            %gather3A_313 = tpu.memref_slice %arg13[%gather3A_312] : memref<24672xf32, #tpu.memory_space<vmem>> -> memref<4112xf32, #tpu.memory_space<vmem>>
            %gather3A_314 = tpu.vector_load_idx %gather3A_313[%get3A_282] : memref<4112xf32, #tpu.memory_space<vmem>>[vector<16xi32>], vector<16xf32>,
            %sub3A_315 = vector.broadcast %squeeze3A_221 : f32 to vector<16xf32>
            %sub3A_316 = arith.subf %gather3A_314, %sub3A_315 : vector<16xf32>
            %mul3A_317 = arith.mulf %sub3A_306, %sub3A_306 : vector<16xf32>
            %mul3A_318 = arith.mulf %sub3A_311, %sub3A_311 : vector<16xf32>
            %add3A_319 = arith.addf %mul3A_317, %mul3A_318 : vector<16xf32>
            %mul3A_320 = arith.mulf %sub3A_316, %sub3A_316 : vector<16xf32>
            %add3A_321 = arith.addf %add3A_319, %mul3A_320 : vector<16xf32>
            %mul3A_322 = arith.mulf %add3A_301, %add3A_321 : vector<16xf32>
            %bitcast_convert_type3A = tpu.bitcast %mul3A_322 : vector<16xf32> -> vector<16xi32>
            %shift_right_arithmetic3A = arith.constant 1 : i32
            %shift_right_arithmetic3A_323 = vector.broadcast %shift_right_arithmetic3A : i32 to vector<16xi32>
            %shift_right_arithmetic3A_324 = arith.shrsi %bitcast_convert_type3A, %shift_right_arithmetic3A_323 : vector<16xi32>
            %sub3A_325 = arith.constant 1597463007 : i32
            %sub3A_326 = vector.broadcast %sub3A_325 : i32 to vector<16xi32>
            %sub3A_327 = arith.subi %sub3A_326, %shift_right_arithmetic3A_324 : vector<16xi32>
            %bitcast_convert_type3A_328 = tpu.bitcast %sub3A_327 : vector<16xi32> -> vector<16xf32>
            %mul3A_329 = arith.constant 5.000000e-01 : f32
            %mul3A_330 = vector.broadcast %mul3A_329 : f32 to vector<16xf32>
            %mul3A_331 = arith.mulf %mul3A_322, %mul3A_330 : vector<16xf32>
            %mul3A_332 = arith.mulf %mul3A_331, %bitcast_convert_type3A_328 : vector<16xf32>
            %mul3A_333 = arith.mulf %mul3A_332, %bitcast_convert_type3A_328 : vector<16xf32>
            %sub3A_334 = arith.constant 1.500000e+00 : f32
            %sub3A_335 = vector.broadcast %sub3A_334 : f32 to vector<16xf32>
            %sub3A_336 = arith.subf %sub3A_335, %mul3A_333 : vector<16xf32>
            %mul3A_337 = arith.mulf %bitcast_convert_type3A_328, %sub3A_336 : vector<16xf32>
            %mul3A_338 = arith.mulf %mul3A_331, %mul3A_337 : vector<16xf32>
            %mul3A_339 = arith.mulf %mul3A_338, %mul3A_337 : vector<16xf32>
            %sub3A_340 = arith.constant 1.500000e+00 : f32
            %sub3A_341 = vector.broadcast %sub3A_340 : f32 to vector<16xf32>
            %sub3A_342 = arith.subf %sub3A_341, %mul3A_339 : vector<16xf32>
            %mul3A_343 = arith.mulf %mul3A_337, %sub3A_342 : vector<16xf32>
            %mul3A_344 = arith.mulf %mul3A_322, %mul3A_343 : vector<16xf32>
            %add3A_345 = arith.addf %add3A_301, %add3A_321 : vector<16xf32>
            %mul3A_346 = arith.constant 2.000000e+00 : f32
            %mul3A_347 = vector.broadcast %mul3A_346 : f32 to vector<16xf32>
            %mul3A_348 = arith.mulf %mul3A_347, %mul3A_344 : vector<16xf32>
            %sub3A_349 = arith.subf %add3A_345, %mul3A_348 : vector<16xf32>
            %lt3A = arith.constant 5.760000e+00 : f32
            %lt3A_350 = vector.broadcast %lt3A : f32 to vector<16xf32>
            %lt3A_351 = arith.cmpf olt, %add3A_321, %lt3A_350 : vector<16xf32>
            %jit3A_352 = arith.constant 1.000000e+00 : f32
            %jit3A_353 = arith.constant 0.000000e+00 : f32
            %broadcast_in_dim3A_354 = vector.broadcast %jit3A_352 : f32 to vector<16xf32>
            %broadcast_in_dim3A_355 = vector.broadcast %jit3A_353 : f32 to vector<16xf32>
            %select_n3A_356 = arith.select %lt3A_351, %broadcast_in_dim3A_354, %broadcast_in_dim3A_355 : vector<16xi1>, vector<16xf32>
            %mul3A_357 = arith.mulf %sub3A_349, %select_n3A_356 : vector<16xf32>
            %add3A_358 = arith.addf %while3A_259, %mul3A_357 : vector<16xf32>
            %add3A_359 = arith.addf %while3A_260, %select_n3A_356 : vector<16xf32>
            %mul3A_360 = arith.constant 8 : i32
            %mul3A_361 = arith.muli %while3A_258, %mul3A_360 : i32
            %add3A_362 = arith.constant 1 : i32
            %add3A_363 = arith.addi %mul3A_361, %add3A_362 : i32
            %mul3A_364 = arith.constant 16 : i32
            %mul3A_365 = arith.muli %add3A_363, %mul3A_364 : i32
            %get3A_366 = arith.index_cast %mul3A_365 : i32 to index
            %get3A_367 = tpu.vector_load %arg15[%get3A_366] {strides = array<i32>} : memref<4224xi32, #tpu.memory_space<vmem>>, vector<16xi32>,
            %gather3A_368 = arith.constant 0 : i32
            %gather3A_369 = tpu.memref_slice %arg13[%gather3A_368] : memref<24672xf32, #tpu.memory_space<vmem>> -> memref<4112xf32, #tpu.memory_space<vmem>>
            %gather3A_370 = tpu.vector_load_idx %gather3A_369[%get3A_367] : memref<4112xf32, #tpu.memory_space<vmem>>[vector<16xi32>], vector<16xf32>,
            %sub3A_371 = vector.broadcast %squeeze3A_191 : f32 to vector<16xf32>
            %sub3A_372 = arith.subf %gather3A_370, %sub3A_371 : vector<16xf32>
            %gather3A_373 = arith.constant 4112 : i32
            %gather3A_374 = tpu.memref_slice %arg13[%gather3A_373] : memref<24672xf32, #tpu.memory_space<vmem>> -> memref<4112xf32, #tpu.memory_space<vmem>>
            %gather3A_375 = tpu.vector_load_idx %gather3A_374[%get3A_367] : memref<4112xf32, #tpu.memory_space<vmem>>[vector<16xi32>], vector<16xf32>,
            %sub3A_376 = vector.broadcast %squeeze3A_197 : f32 to vector<16xf32>
            %sub3A_377 = arith.subf %gather3A_375, %sub3A_376 : vector<16xf32>
            %gather3A_378 = arith.constant 8224 : i32
            %gather3A_379 = tpu.memref_slice %arg13[%gather3A_378] : memref<24672xf32, #tpu.memory_space<vmem>> -> memref<4112xf32, #tpu.memory_space<vmem>>
            %gather3A_380 = tpu.vector_load_idx %gather3A_379[%get3A_367] : memref<4112xf32, #tpu.memory_space<vmem>>[vector<16xi32>], vector<16xf32>,
            %sub3A_381 = vector.broadcast %squeeze3A_203 : f32 to vector<16xf32>
            %sub3A_382 = arith.subf %gather3A_380, %sub3A_381 : vector<16xf32>
            %mul3A_383 = arith.mulf %sub3A_372, %sub3A_372 : vector<16xf32>
            %mul3A_384 = arith.mulf %sub3A_377, %sub3A_377 : vector<16xf32>
            %add3A_385 = arith.addf %mul3A_383, %mul3A_384 : vector<16xf32>
            %mul3A_386 = arith.mulf %sub3A_382, %sub3A_382 : vector<16xf32>
            %add3A_387 = arith.addf %add3A_385, %mul3A_386 : vector<16xf32>
            %gather3A_388 = arith.constant 12336 : i32
            %gather3A_389 = tpu.memref_slice %arg13[%gather3A_388] : memref<24672xf32, #tpu.memory_space<vmem>> -> memref<4112xf32, #tpu.memory_space<vmem>>
            %gather3A_390 = tpu.vector_load_idx %gather3A_389[%get3A_367] : memref<4112xf32, #tpu.memory_space<vmem>>[vector<16xi32>], vector<16xf32>,
            %sub3A_391 = vector.broadcast %squeeze3A_209 : f32 to vector<16xf32>
            %sub3A_392 = arith.subf %gather3A_390, %sub3A_391 : vector<16xf32>
            %gather3A_393 = arith.constant 16448 : i32
            %gather3A_394 = tpu.memref_slice %arg13[%gather3A_393] : memref<24672xf32, #tpu.memory_space<vmem>> -> memref<4112xf32, #tpu.memory_space<vmem>>
            %gather3A_395 = tpu.vector_load_idx %gather3A_394[%get3A_367] : memref<4112xf32, #tpu.memory_space<vmem>>[vector<16xi32>], vector<16xf32>,
            %sub3A_396 = vector.broadcast %squeeze3A_215 : f32 to vector<16xf32>
            %sub3A_397 = arith.subf %gather3A_395, %sub3A_396 : vector<16xf32>
            %gather3A_398 = arith.constant 20560 : i32
            %gather3A_399 = tpu.memref_slice %arg13[%gather3A_398] : memref<24672xf32, #tpu.memory_space<vmem>> -> memref<4112xf32, #tpu.memory_space<vmem>>
            %gather3A_400 = tpu.vector_load_idx %gather3A_399[%get3A_367] : memref<4112xf32, #tpu.memory_space<vmem>>[vector<16xi32>], vector<16xf32>,
            %sub3A_401 = vector.broadcast %squeeze3A_221 : f32 to vector<16xf32>
            %sub3A_402 = arith.subf %gather3A_400, %sub3A_401 : vector<16xf32>
            %mul3A_403 = arith.mulf %sub3A_392, %sub3A_392 : vector<16xf32>
            %mul3A_404 = arith.mulf %sub3A_397, %sub3A_397 : vector<16xf32>
            %add3A_405 = arith.addf %mul3A_403, %mul3A_404 : vector<16xf32>
            %mul3A_406 = arith.mulf %sub3A_402, %sub3A_402 : vector<16xf32>
            %add3A_407 = arith.addf %add3A_405, %mul3A_406 : vector<16xf32>
            %mul3A_408 = arith.mulf %add3A_387, %add3A_407 : vector<16xf32>
            %bitcast_convert_type3A_409 = tpu.bitcast %mul3A_408 : vector<16xf32> -> vector<16xi32>
            %shift_right_arithmetic3A_410 = arith.constant 1 : i32
            %shift_right_arithmetic3A_411 = vector.broadcast %shift_right_arithmetic3A_410 : i32 to vector<16xi32>
            %shift_right_arithmetic3A_412 = arith.shrsi %bitcast_convert_type3A_409, %shift_right_arithmetic3A_411 : vector<16xi32>
            %sub3A_413 = arith.constant 1597463007 : i32
            %sub3A_414 = vector.broadcast %sub3A_413 : i32 to vector<16xi32>
            %sub3A_415 = arith.subi %sub3A_414, %shift_right_arithmetic3A_412 : vector<16xi32>
            %bitcast_convert_type3A_416 = tpu.bitcast %sub3A_415 : vector<16xi32> -> vector<16xf32>
            %mul3A_417 = arith.constant 5.000000e-01 : f32
            %mul3A_418 = vector.broadcast %mul3A_417 : f32 to vector<16xf32>
            %mul3A_419 = arith.mulf %mul3A_408, %mul3A_418 : vector<16xf32>
            %mul3A_420 = arith.mulf %mul3A_419, %bitcast_convert_type3A_416 : vector<16xf32>
            %mul3A_421 = arith.mulf %mul3A_420, %bitcast_convert_type3A_416 : vector<16xf32>
            %sub3A_422 = arith.constant 1.500000e+00 : f32
            %sub3A_423 = vector.broadcast %sub3A_422 : f32 to vector<16xf32>
            %sub3A_424 = arith.subf %sub3A_423, %mul3A_421 : vector<16xf32>
            %mul3A_425 = arith.mulf %bitcast_convert_type3A_416, %sub3A_424 : vector<16xf32>
            %mul3A_426 = arith.mulf %mul3A_419, %mul3A_425 : vector<16xf32>
            %mul3A_427 = arith.mulf %mul3A_426, %mul3A_425 : vector<16xf32>
            %sub3A_428 = arith.constant 1.500000e+00 : f32
            %sub3A_429 = vector.broadcast %sub3A_428 : f32 to vector<16xf32>
            %sub3A_430 = arith.subf %sub3A_429, %mul3A_427 : vector<16xf32>
            %mul3A_431 = arith.mulf %mul3A_425, %sub3A_430 : vector<16xf32>
            %mul3A_432 = arith.mulf %mul3A_408, %mul3A_431 : vector<16xf32>
            %add3A_433 = arith.addf %add3A_387, %add3A_407 : vector<16xf32>
            %mul3A_434 = arith.constant 2.000000e+00 : f32
            %mul3A_435 = vector.broadcast %mul3A_434 : f32 to vector<16xf32>
            %mul3A_436 = arith.mulf %mul3A_435, %mul3A_432 : vector<16xf32>
            %sub3A_437 = arith.subf %add3A_433, %mul3A_436 : vector<16xf32>
            %lt3A_438 = arith.constant 5.760000e+00 : f32
            %lt3A_439 = vector.broadcast %lt3A_438 : f32 to vector<16xf32>
            %lt3A_440 = arith.cmpf olt, %add3A_407, %lt3A_439 : vector<16xf32>
            %jit3A_441 = arith.constant 1.000000e+00 : f32
            %jit3A_442 = arith.constant 0.000000e+00 : f32
            %broadcast_in_dim3A_443 = vector.broadcast %jit3A_441 : f32 to vector<16xf32>
            %broadcast_in_dim3A_444 = vector.broadcast %jit3A_442 : f32 to vector<16xf32>
            %select_n3A_445 = arith.select %lt3A_440, %broadcast_in_dim3A_443, %broadcast_in_dim3A_444 : vector<16xi1>, vector<16xf32>
            %mul3A_446 = arith.mulf %sub3A_437, %select_n3A_445 : vector<16xf32>
            %add3A_447 = arith.addf %while3A_261, %mul3A_446 : vector<16xf32>
            %add3A_448 = arith.addf %while3A_262, %select_n3A_445 : vector<16xf32>
            %mul3A_449 = arith.constant 8 : i32
            %mul3A_450 = arith.muli %while3A_258, %mul3A_449 : i32
            %add3A_451 = arith.constant 2 : i32
            %add3A_452 = arith.addi %mul3A_450, %add3A_451 : i32
            %mul3A_453 = arith.constant 16 : i32
            %mul3A_454 = arith.muli %add3A_452, %mul3A_453 : i32
            %get3A_455 = arith.index_cast %mul3A_454 : i32 to index
            %get3A_456 = tpu.vector_load %arg15[%get3A_455] {strides = array<i32>} : memref<4224xi32, #tpu.memory_space<vmem>>, vector<16xi32>,
            %gather3A_457 = arith.constant 0 : i32
            %gather3A_458 = tpu.memref_slice %arg13[%gather3A_457] : memref<24672xf32, #tpu.memory_space<vmem>> -> memref<4112xf32, #tpu.memory_space<vmem>>
            %gather3A_459 = tpu.vector_load_idx %gather3A_458[%get3A_456] : memref<4112xf32, #tpu.memory_space<vmem>>[vector<16xi32>], vector<16xf32>,
            %sub3A_460 = vector.broadcast %squeeze3A_191 : f32 to vector<16xf32>
            %sub3A_461 = arith.subf %gather3A_459, %sub3A_460 : vector<16xf32>
            %gather3A_462 = arith.constant 4112 : i32
            %gather3A_463 = tpu.memref_slice %arg13[%gather3A_462] : memref<24672xf32, #tpu.memory_space<vmem>> -> memref<4112xf32, #tpu.memory_space<vmem>>
            %gather3A_464 = tpu.vector_load_idx %gather3A_463[%get3A_456] : memref<4112xf32, #tpu.memory_space<vmem>>[vector<16xi32>], vector<16xf32>,
            %sub3A_465 = vector.broadcast %squeeze3A_197 : f32 to vector<16xf32>
            %sub3A_466 = arith.subf %gather3A_464, %sub3A_465 : vector<16xf32>
            %gather3A_467 = arith.constant 8224 : i32
            %gather3A_468 = tpu.memref_slice %arg13[%gather3A_467] : memref<24672xf32, #tpu.memory_space<vmem>> -> memref<4112xf32, #tpu.memory_space<vmem>>
            %gather3A_469 = tpu.vector_load_idx %gather3A_468[%get3A_456] : memref<4112xf32, #tpu.memory_space<vmem>>[vector<16xi32>], vector<16xf32>,
            %sub3A_470 = vector.broadcast %squeeze3A_203 : f32 to vector<16xf32>
            %sub3A_471 = arith.subf %gather3A_469, %sub3A_470 : vector<16xf32>
            %mul3A_472 = arith.mulf %sub3A_461, %sub3A_461 : vector<16xf32>
            %mul3A_473 = arith.mulf %sub3A_466, %sub3A_466 : vector<16xf32>
            %add3A_474 = arith.addf %mul3A_472, %mul3A_473 : vector<16xf32>
            %mul3A_475 = arith.mulf %sub3A_471, %sub3A_471 : vector<16xf32>
            %add3A_476 = arith.addf %add3A_474, %mul3A_475 : vector<16xf32>
            %gather3A_477 = arith.constant 12336 : i32
            %gather3A_478 = tpu.memref_slice %arg13[%gather3A_477] : memref<24672xf32, #tpu.memory_space<vmem>> -> memref<4112xf32, #tpu.memory_space<vmem>>
            %gather3A_479 = tpu.vector_load_idx %gather3A_478[%get3A_456] : memref<4112xf32, #tpu.memory_space<vmem>>[vector<16xi32>], vector<16xf32>,
            %sub3A_480 = vector.broadcast %squeeze3A_209 : f32 to vector<16xf32>
            %sub3A_481 = arith.subf %gather3A_479, %sub3A_480 : vector<16xf32>
            %gather3A_482 = arith.constant 16448 : i32
            %gather3A_483 = tpu.memref_slice %arg13[%gather3A_482] : memref<24672xf32, #tpu.memory_space<vmem>> -> memref<4112xf32, #tpu.memory_space<vmem>>
            %gather3A_484 = tpu.vector_load_idx %gather3A_483[%get3A_456] : memref<4112xf32, #tpu.memory_space<vmem>>[vector<16xi32>], vector<16xf32>,
            %sub3A_485 = vector.broadcast %squeeze3A_215 : f32 to vector<16xf32>
            %sub3A_486 = arith.subf %gather3A_484, %sub3A_485 : vector<16xf32>
            %gather3A_487 = arith.constant 20560 : i32
            %gather3A_488 = tpu.memref_slice %arg13[%gather3A_487] : memref<24672xf32, #tpu.memory_space<vmem>> -> memref<4112xf32, #tpu.memory_space<vmem>>
            %gather3A_489 = tpu.vector_load_idx %gather3A_488[%get3A_456] : memref<4112xf32, #tpu.memory_space<vmem>>[vector<16xi32>], vector<16xf32>,
            %sub3A_490 = vector.broadcast %squeeze3A_221 : f32 to vector<16xf32>
            %sub3A_491 = arith.subf %gather3A_489, %sub3A_490 : vector<16xf32>
            %mul3A_492 = arith.mulf %sub3A_481, %sub3A_481 : vector<16xf32>
            %mul3A_493 = arith.mulf %sub3A_486, %sub3A_486 : vector<16xf32>
            %add3A_494 = arith.addf %mul3A_492, %mul3A_493 : vector<16xf32>
            %mul3A_495 = arith.mulf %sub3A_491, %sub3A_491 : vector<16xf32>
            %add3A_496 = arith.addf %add3A_494, %mul3A_495 : vector<16xf32>
            %mul3A_497 = arith.mulf %add3A_476, %add3A_496 : vector<16xf32>
            %bitcast_convert_type3A_498 = tpu.bitcast %mul3A_497 : vector<16xf32> -> vector<16xi32>
            %shift_right_arithmetic3A_499 = arith.constant 1 : i32
            %shift_right_arithmetic3A_500 = vector.broadcast %shift_right_arithmetic3A_499 : i32 to vector<16xi32>
            %shift_right_arithmetic3A_501 = arith.shrsi %bitcast_convert_type3A_498, %shift_right_arithmetic3A_500 : vector<16xi32>
            %sub3A_502 = arith.constant 1597463007 : i32
            %sub3A_503 = vector.broadcast %sub3A_502 : i32 to vector<16xi32>
            %sub3A_504 = arith.subi %sub3A_503, %shift_right_arithmetic3A_501 : vector<16xi32>
            %bitcast_convert_type3A_505 = tpu.bitcast %sub3A_504 : vector<16xi32> -> vector<16xf32>
            %mul3A_506 = arith.constant 5.000000e-01 : f32
            %mul3A_507 = vector.broadcast %mul3A_506 : f32 to vector<16xf32>
            %mul3A_508 = arith.mulf %mul3A_497, %mul3A_507 : vector<16xf32>
            %mul3A_509 = arith.mulf %mul3A_508, %bitcast_convert_type3A_505 : vector<16xf32>
            %mul3A_510 = arith.mulf %mul3A_509, %bitcast_convert_type3A_505 : vector<16xf32>
            %sub3A_511 = arith.constant 1.500000e+00 : f32
            %sub3A_512 = vector.broadcast %sub3A_511 : f32 to vector<16xf32>
            %sub3A_513 = arith.subf %sub3A_512, %mul3A_510 : vector<16xf32>
            %mul3A_514 = arith.mulf %bitcast_convert_type3A_505, %sub3A_513 : vector<16xf32>
            %mul3A_515 = arith.mulf %mul3A_508, %mul3A_514 : vector<16xf32>
            %mul3A_516 = arith.mulf %mul3A_515, %mul3A_514 : vector<16xf32>
            %sub3A_517 = arith.constant 1.500000e+00 : f32
            %sub3A_518 = vector.broadcast %sub3A_517 : f32 to vector<16xf32>
            %sub3A_519 = arith.subf %sub3A_518, %mul3A_516 : vector<16xf32>
            %mul3A_520 = arith.mulf %mul3A_514, %sub3A_519 : vector<16xf32>
            %mul3A_521 = arith.mulf %mul3A_497, %mul3A_520 : vector<16xf32>
            %add3A_522 = arith.addf %add3A_476, %add3A_496 : vector<16xf32>
            %mul3A_523 = arith.constant 2.000000e+00 : f32
            %mul3A_524 = vector.broadcast %mul3A_523 : f32 to vector<16xf32>
            %mul3A_525 = arith.mulf %mul3A_524, %mul3A_521 : vector<16xf32>
            %sub3A_526 = arith.subf %add3A_522, %mul3A_525 : vector<16xf32>
            %lt3A_527 = arith.constant 5.760000e+00 : f32
            %lt3A_528 = vector.broadcast %lt3A_527 : f32 to vector<16xf32>
            %lt3A_529 = arith.cmpf olt, %add3A_496, %lt3A_528 : vector<16xf32>
            %jit3A_530 = arith.constant 1.000000e+00 : f32
            %jit3A_531 = arith.constant 0.000000e+00 : f32
            %broadcast_in_dim3A_532 = vector.broadcast %jit3A_530 : f32 to vector<16xf32>
            %broadcast_in_dim3A_533 = vector.broadcast %jit3A_531 : f32 to vector<16xf32>
            %select_n3A_534 = arith.select %lt3A_529, %broadcast_in_dim3A_532, %broadcast_in_dim3A_533 : vector<16xi1>, vector<16xf32>
            %mul3A_535 = arith.mulf %sub3A_526, %select_n3A_534 : vector<16xf32>
            %add3A_536 = arith.addf %while3A_263, %mul3A_535 : vector<16xf32>
            %add3A_537 = arith.addf %while3A_264, %select_n3A_534 : vector<16xf32>
            %mul3A_538 = arith.constant 8 : i32
            %mul3A_539 = arith.muli %while3A_258, %mul3A_538 : i32
            %add3A_540 = arith.constant 3 : i32
            %add3A_541 = arith.addi %mul3A_539, %add3A_540 : i32
            %mul3A_542 = arith.constant 16 : i32
            %mul3A_543 = arith.muli %add3A_541, %mul3A_542 : i32
            %get3A_544 = arith.index_cast %mul3A_543 : i32 to index
            %get3A_545 = tpu.vector_load %arg15[%get3A_544] {strides = array<i32>} : memref<4224xi32, #tpu.memory_space<vmem>>, vector<16xi32>,
            %gather3A_546 = arith.constant 0 : i32
            %gather3A_547 = tpu.memref_slice %arg13[%gather3A_546] : memref<24672xf32, #tpu.memory_space<vmem>> -> memref<4112xf32, #tpu.memory_space<vmem>>
            %gather3A_548 = tpu.vector_load_idx %gather3A_547[%get3A_545] : memref<4112xf32, #tpu.memory_space<vmem>>[vector<16xi32>], vector<16xf32>,
            %sub3A_549 = vector.broadcast %squeeze3A_191 : f32 to vector<16xf32>
            %sub3A_550 = arith.subf %gather3A_548, %sub3A_549 : vector<16xf32>
            %gather3A_551 = arith.constant 4112 : i32
            %gather3A_552 = tpu.memref_slice %arg13[%gather3A_551] : memref<24672xf32, #tpu.memory_space<vmem>> -> memref<4112xf32, #tpu.memory_space<vmem>>
            %gather3A_553 = tpu.vector_load_idx %gather3A_552[%get3A_545] : memref<4112xf32, #tpu.memory_space<vmem>>[vector<16xi32>], vector<16xf32>,
            %sub3A_554 = vector.broadcast %squeeze3A_197 : f32 to vector<16xf32>
            %sub3A_555 = arith.subf %gather3A_553, %sub3A_554 : vector<16xf32>
            %gather3A_556 = arith.constant 8224 : i32
            %gather3A_557 = tpu.memref_slice %arg13[%gather3A_556] : memref<24672xf32, #tpu.memory_space<vmem>> -> memref<4112xf32, #tpu.memory_space<vmem>>
            %gather3A_558 = tpu.vector_load_idx %gather3A_557[%get3A_545] : memref<4112xf32, #tpu.memory_space<vmem>>[vector<16xi32>], vector<16xf32>,
            %sub3A_559 = vector.broadcast %squeeze3A_203 : f32 to vector<16xf32>
            %sub3A_560 = arith.subf %gather3A_558, %sub3A_559 : vector<16xf32>
            %mul3A_561 = arith.mulf %sub3A_550, %sub3A_550 : vector<16xf32>
            %mul3A_562 = arith.mulf %sub3A_555, %sub3A_555 : vector<16xf32>
            %add3A_563 = arith.addf %mul3A_561, %mul3A_562 : vector<16xf32>
            %mul3A_564 = arith.mulf %sub3A_560, %sub3A_560 : vector<16xf32>
            %add3A_565 = arith.addf %add3A_563, %mul3A_564 : vector<16xf32>
            %gather3A_566 = arith.constant 12336 : i32
            %gather3A_567 = tpu.memref_slice %arg13[%gather3A_566] : memref<24672xf32, #tpu.memory_space<vmem>> -> memref<4112xf32, #tpu.memory_space<vmem>>
            %gather3A_568 = tpu.vector_load_idx %gather3A_567[%get3A_545] : memref<4112xf32, #tpu.memory_space<vmem>>[vector<16xi32>], vector<16xf32>,
            %sub3A_569 = vector.broadcast %squeeze3A_209 : f32 to vector<16xf32>
            %sub3A_570 = arith.subf %gather3A_568, %sub3A_569 : vector<16xf32>
            %gather3A_571 = arith.constant 16448 : i32
            %gather3A_572 = tpu.memref_slice %arg13[%gather3A_571] : memref<24672xf32, #tpu.memory_space<vmem>> -> memref<4112xf32, #tpu.memory_space<vmem>>
            %gather3A_573 = tpu.vector_load_idx %gather3A_572[%get3A_545] : memref<4112xf32, #tpu.memory_space<vmem>>[vector<16xi32>], vector<16xf32>,
            %sub3A_574 = vector.broadcast %squeeze3A_215 : f32 to vector<16xf32>
            %sub3A_575 = arith.subf %gather3A_573, %sub3A_574 : vector<16xf32>
            %gather3A_576 = arith.constant 20560 : i32
            %gather3A_577 = tpu.memref_slice %arg13[%gather3A_576] : memref<24672xf32, #tpu.memory_space<vmem>> -> memref<4112xf32, #tpu.memory_space<vmem>>
            %gather3A_578 = tpu.vector_load_idx %gather3A_577[%get3A_545] : memref<4112xf32, #tpu.memory_space<vmem>>[vector<16xi32>], vector<16xf32>,
            %sub3A_579 = vector.broadcast %squeeze3A_221 : f32 to vector<16xf32>
            %sub3A_580 = arith.subf %gather3A_578, %sub3A_579 : vector<16xf32>
            %mul3A_581 = arith.mulf %sub3A_570, %sub3A_570 : vector<16xf32>
            %mul3A_582 = arith.mulf %sub3A_575, %sub3A_575 : vector<16xf32>
            %add3A_583 = arith.addf %mul3A_581, %mul3A_582 : vector<16xf32>
            %mul3A_584 = arith.mulf %sub3A_580, %sub3A_580 : vector<16xf32>
            %add3A_585 = arith.addf %add3A_583, %mul3A_584 : vector<16xf32>
            %mul3A_586 = arith.mulf %add3A_565, %add3A_585 : vector<16xf32>
            %bitcast_convert_type3A_587 = tpu.bitcast %mul3A_586 : vector<16xf32> -> vector<16xi32>
            %shift_right_arithmetic3A_588 = arith.constant 1 : i32
            %shift_right_arithmetic3A_589 = vector.broadcast %shift_right_arithmetic3A_588 : i32 to vector<16xi32>
            %shift_right_arithmetic3A_590 = arith.shrsi %bitcast_convert_type3A_587, %shift_right_arithmetic3A_589 : vector<16xi32>
            %sub3A_591 = arith.constant 1597463007 : i32
            %sub3A_592 = vector.broadcast %sub3A_591 : i32 to vector<16xi32>
            %sub3A_593 = arith.subi %sub3A_592, %shift_right_arithmetic3A_590 : vector<16xi32>
            %bitcast_convert_type3A_594 = tpu.bitcast %sub3A_593 : vector<16xi32> -> vector<16xf32>
            %mul3A_595 = arith.constant 5.000000e-01 : f32
            %mul3A_596 = vector.broadcast %mul3A_595 : f32 to vector<16xf32>
            %mul3A_597 = arith.mulf %mul3A_586, %mul3A_596 : vector<16xf32>
            %mul3A_598 = arith.mulf %mul3A_597, %bitcast_convert_type3A_594 : vector<16xf32>
            %mul3A_599 = arith.mulf %mul3A_598, %bitcast_convert_type3A_594 : vector<16xf32>
            %sub3A_600 = arith.constant 1.500000e+00 : f32
            %sub3A_601 = vector.broadcast %sub3A_600 : f32 to vector<16xf32>
            %sub3A_602 = arith.subf %sub3A_601, %mul3A_599 : vector<16xf32>
            %mul3A_603 = arith.mulf %bitcast_convert_type3A_594, %sub3A_602 : vector<16xf32>
            %mul3A_604 = arith.mulf %mul3A_597, %mul3A_603 : vector<16xf32>
            %mul3A_605 = arith.mulf %mul3A_604, %mul3A_603 : vector<16xf32>
            %sub3A_606 = arith.constant 1.500000e+00 : f32
            %sub3A_607 = vector.broadcast %sub3A_606 : f32 to vector<16xf32>
            %sub3A_608 = arith.subf %sub3A_607, %mul3A_605 : vector<16xf32>
            %mul3A_609 = arith.mulf %mul3A_603, %sub3A_608 : vector<16xf32>
            %mul3A_610 = arith.mulf %mul3A_586, %mul3A_609 : vector<16xf32>
            %add3A_611 = arith.addf %add3A_565, %add3A_585 : vector<16xf32>
            %mul3A_612 = arith.constant 2.000000e+00 : f32
            %mul3A_613 = vector.broadcast %mul3A_612 : f32 to vector<16xf32>
            %mul3A_614 = arith.mulf %mul3A_613, %mul3A_610 : vector<16xf32>
            %sub3A_615 = arith.subf %add3A_611, %mul3A_614 : vector<16xf32>
            %lt3A_616 = arith.constant 5.760000e+00 : f32
            %lt3A_617 = vector.broadcast %lt3A_616 : f32 to vector<16xf32>
            %lt3A_618 = arith.cmpf olt, %add3A_585, %lt3A_617 : vector<16xf32>
            %jit3A_619 = arith.constant 1.000000e+00 : f32
            %jit3A_620 = arith.constant 0.000000e+00 : f32
            %broadcast_in_dim3A_621 = vector.broadcast %jit3A_619 : f32 to vector<16xf32>
            %broadcast_in_dim3A_622 = vector.broadcast %jit3A_620 : f32 to vector<16xf32>
            %select_n3A_623 = arith.select %lt3A_618, %broadcast_in_dim3A_621, %broadcast_in_dim3A_622 : vector<16xi1>, vector<16xf32>
            %mul3A_624 = arith.mulf %sub3A_615, %select_n3A_623 : vector<16xf32>
            %add3A_625 = arith.addf %while3A_265, %mul3A_624 : vector<16xf32>
            %add3A_626 = arith.addf %while3A_266, %select_n3A_623 : vector<16xf32>
            %mul3A_627 = arith.constant 8 : i32
            %mul3A_628 = arith.muli %while3A_258, %mul3A_627 : i32
            %add3A_629 = arith.constant 4 : i32
            %add3A_630 = arith.addi %mul3A_628, %add3A_629 : i32
            %mul3A_631 = arith.constant 16 : i32
            %mul3A_632 = arith.muli %add3A_630, %mul3A_631 : i32
            %get3A_633 = arith.index_cast %mul3A_632 : i32 to index
            %get3A_634 = tpu.vector_load %arg15[%get3A_633] {strides = array<i32>} : memref<4224xi32, #tpu.memory_space<vmem>>, vector<16xi32>,
            %gather3A_635 = arith.constant 0 : i32
            %gather3A_636 = tpu.memref_slice %arg13[%gather3A_635] : memref<24672xf32, #tpu.memory_space<vmem>> -> memref<4112xf32, #tpu.memory_space<vmem>>
            %gather3A_637 = tpu.vector_load_idx %gather3A_636[%get3A_634] : memref<4112xf32, #tpu.memory_space<vmem>>[vector<16xi32>], vector<16xf32>,
            %sub3A_638 = vector.broadcast %squeeze3A_191 : f32 to vector<16xf32>
            %sub3A_639 = arith.subf %gather3A_637, %sub3A_638 : vector<16xf32>
            %gather3A_640 = arith.constant 4112 : i32
            %gather3A_641 = tpu.memref_slice %arg13[%gather3A_640] : memref<24672xf32, #tpu.memory_space<vmem>> -> memref<4112xf32, #tpu.memory_space<vmem>>
            %gather3A_642 = tpu.vector_load_idx %gather3A_641[%get3A_634] : memref<4112xf32, #tpu.memory_space<vmem>>[vector<16xi32>], vector<16xf32>,
            %sub3A_643 = vector.broadcast %squeeze3A_197 : f32 to vector<16xf32>
            %sub3A_644 = arith.subf %gather3A_642, %sub3A_643 : vector<16xf32>
            %gather3A_645 = arith.constant 8224 : i32
            %gather3A_646 = tpu.memref_slice %arg13[%gather3A_645] : memref<24672xf32, #tpu.memory_space<vmem>> -> memref<4112xf32, #tpu.memory_space<vmem>>
            %gather3A_647 = tpu.vector_load_idx %gather3A_646[%get3A_634] : memref<4112xf32, #tpu.memory_space<vmem>>[vector<16xi32>], vector<16xf32>,
            %sub3A_648 = vector.broadcast %squeeze3A_203 : f32 to vector<16xf32>
            %sub3A_649 = arith.subf %gather3A_647, %sub3A_648 : vector<16xf32>
            %mul3A_650 = arith.mulf %sub3A_639, %sub3A_639 : vector<16xf32>
            %mul3A_651 = arith.mulf %sub3A_644, %sub3A_644 : vector<16xf32>
            %add3A_652 = arith.addf %mul3A_650, %mul3A_651 : vector<16xf32>
            %mul3A_653 = arith.mulf %sub3A_649, %sub3A_649 : vector<16xf32>
            %add3A_654 = arith.addf %add3A_652, %mul3A_653 : vector<16xf32>
            %gather3A_655 = arith.constant 12336 : i32
            %gather3A_656 = tpu.memref_slice %arg13[%gather3A_655] : memref<24672xf32, #tpu.memory_space<vmem>> -> memref<4112xf32, #tpu.memory_space<vmem>>
            %gather3A_657 = tpu.vector_load_idx %gather3A_656[%get3A_634] : memref<4112xf32, #tpu.memory_space<vmem>>[vector<16xi32>], vector<16xf32>,
            %sub3A_658 = vector.broadcast %squeeze3A_209 : f32 to vector<16xf32>
            %sub3A_659 = arith.subf %gather3A_657, %sub3A_658 : vector<16xf32>
            %gather3A_660 = arith.constant 16448 : i32
            %gather3A_661 = tpu.memref_slice %arg13[%gather3A_660] : memref<24672xf32, #tpu.memory_space<vmem>> -> memref<4112xf32, #tpu.memory_space<vmem>>
            %gather3A_662 = tpu.vector_load_idx %gather3A_661[%get3A_634] : memref<4112xf32, #tpu.memory_space<vmem>>[vector<16xi32>], vector<16xf32>,
            %sub3A_663 = vector.broadcast %squeeze3A_215 : f32 to vector<16xf32>
            %sub3A_664 = arith.subf %gather3A_662, %sub3A_663 : vector<16xf32>
            %gather3A_665 = arith.constant 20560 : i32
            %gather3A_666 = tpu.memref_slice %arg13[%gather3A_665] : memref<24672xf32, #tpu.memory_space<vmem>> -> memref<4112xf32, #tpu.memory_space<vmem>>
            %gather3A_667 = tpu.vector_load_idx %gather3A_666[%get3A_634] : memref<4112xf32, #tpu.memory_space<vmem>>[vector<16xi32>], vector<16xf32>,
            %sub3A_668 = vector.broadcast %squeeze3A_221 : f32 to vector<16xf32>
            %sub3A_669 = arith.subf %gather3A_667, %sub3A_668 : vector<16xf32>
            %mul3A_670 = arith.mulf %sub3A_659, %sub3A_659 : vector<16xf32>
            %mul3A_671 = arith.mulf %sub3A_664, %sub3A_664 : vector<16xf32>
            %add3A_672 = arith.addf %mul3A_670, %mul3A_671 : vector<16xf32>
            %mul3A_673 = arith.mulf %sub3A_669, %sub3A_669 : vector<16xf32>
            %add3A_674 = arith.addf %add3A_672, %mul3A_673 : vector<16xf32>
            %mul3A_675 = arith.mulf %add3A_654, %add3A_674 : vector<16xf32>
            %bitcast_convert_type3A_676 = tpu.bitcast %mul3A_675 : vector<16xf32> -> vector<16xi32>
            %shift_right_arithmetic3A_677 = arith.constant 1 : i32
            %shift_right_arithmetic3A_678 = vector.broadcast %shift_right_arithmetic3A_677 : i32 to vector<16xi32>
            %shift_right_arithmetic3A_679 = arith.shrsi %bitcast_convert_type3A_676, %shift_right_arithmetic3A_678 : vector<16xi32>
            %sub3A_680 = arith.constant 1597463007 : i32
            %sub3A_681 = vector.broadcast %sub3A_680 : i32 to vector<16xi32>
            %sub3A_682 = arith.subi %sub3A_681, %shift_right_arithmetic3A_679 : vector<16xi32>
            %bitcast_convert_type3A_683 = tpu.bitcast %sub3A_682 : vector<16xi32> -> vector<16xf32>
            %mul3A_684 = arith.constant 5.000000e-01 : f32
            %mul3A_685 = vector.broadcast %mul3A_684 : f32 to vector<16xf32>
            %mul3A_686 = arith.mulf %mul3A_675, %mul3A_685 : vector<16xf32>
            %mul3A_687 = arith.mulf %mul3A_686, %bitcast_convert_type3A_683 : vector<16xf32>
            %mul3A_688 = arith.mulf %mul3A_687, %bitcast_convert_type3A_683 : vector<16xf32>
            %sub3A_689 = arith.constant 1.500000e+00 : f32
            %sub3A_690 = vector.broadcast %sub3A_689 : f32 to vector<16xf32>
            %sub3A_691 = arith.subf %sub3A_690, %mul3A_688 : vector<16xf32>
            %mul3A_692 = arith.mulf %bitcast_convert_type3A_683, %sub3A_691 : vector<16xf32>
            %mul3A_693 = arith.mulf %mul3A_686, %mul3A_692 : vector<16xf32>
            %mul3A_694 = arith.mulf %mul3A_693, %mul3A_692 : vector<16xf32>
            %sub3A_695 = arith.constant 1.500000e+00 : f32
            %sub3A_696 = vector.broadcast %sub3A_695 : f32 to vector<16xf32>
            %sub3A_697 = arith.subf %sub3A_696, %mul3A_694 : vector<16xf32>
            %mul3A_698 = arith.mulf %mul3A_692, %sub3A_697 : vector<16xf32>
            %mul3A_699 = arith.mulf %mul3A_675, %mul3A_698 : vector<16xf32>
            %add3A_700 = arith.addf %add3A_654, %add3A_674 : vector<16xf32>
            %mul3A_701 = arith.constant 2.000000e+00 : f32
            %mul3A_702 = vector.broadcast %mul3A_701 : f32 to vector<16xf32>
            %mul3A_703 = arith.mulf %mul3A_702, %mul3A_699 : vector<16xf32>
            %sub3A_704 = arith.subf %add3A_700, %mul3A_703 : vector<16xf32>
            %lt3A_705 = arith.constant 5.760000e+00 : f32
            %lt3A_706 = vector.broadcast %lt3A_705 : f32 to vector<16xf32>
            %lt3A_707 = arith.cmpf olt, %add3A_674, %lt3A_706 : vector<16xf32>
            %jit3A_708 = arith.constant 1.000000e+00 : f32
            %jit3A_709 = arith.constant 0.000000e+00 : f32
            %broadcast_in_dim3A_710 = vector.broadcast %jit3A_708 : f32 to vector<16xf32>
            %broadcast_in_dim3A_711 = vector.broadcast %jit3A_709 : f32 to vector<16xf32>
            %select_n3A_712 = arith.select %lt3A_707, %broadcast_in_dim3A_710, %broadcast_in_dim3A_711 : vector<16xi1>, vector<16xf32>
            %mul3A_713 = arith.mulf %sub3A_704, %select_n3A_712 : vector<16xf32>
            %add3A_714 = arith.addf %while3A_267, %mul3A_713 : vector<16xf32>
            %add3A_715 = arith.addf %while3A_268, %select_n3A_712 : vector<16xf32>
            %mul3A_716 = arith.constant 8 : i32
            %mul3A_717 = arith.muli %while3A_258, %mul3A_716 : i32
            %add3A_718 = arith.constant 5 : i32
            %add3A_719 = arith.addi %mul3A_717, %add3A_718 : i32
            %mul3A_720 = arith.constant 16 : i32
            %mul3A_721 = arith.muli %add3A_719, %mul3A_720 : i32
            %get3A_722 = arith.index_cast %mul3A_721 : i32 to index
            %get3A_723 = tpu.vector_load %arg15[%get3A_722] {strides = array<i32>} : memref<4224xi32, #tpu.memory_space<vmem>>, vector<16xi32>,
            %gather3A_724 = arith.constant 0 : i32
            %gather3A_725 = tpu.memref_slice %arg13[%gather3A_724] : memref<24672xf32, #tpu.memory_space<vmem>> -> memref<4112xf32, #tpu.memory_space<vmem>>
            %gather3A_726 = tpu.vector_load_idx %gather3A_725[%get3A_723] : memref<4112xf32, #tpu.memory_space<vmem>>[vector<16xi32>], vector<16xf32>,
            %sub3A_727 = vector.broadcast %squeeze3A_191 : f32 to vector<16xf32>
            %sub3A_728 = arith.subf %gather3A_726, %sub3A_727 : vector<16xf32>
            %gather3A_729 = arith.constant 4112 : i32
            %gather3A_730 = tpu.memref_slice %arg13[%gather3A_729] : memref<24672xf32, #tpu.memory_space<vmem>> -> memref<4112xf32, #tpu.memory_space<vmem>>
            %gather3A_731 = tpu.vector_load_idx %gather3A_730[%get3A_723] : memref<4112xf32, #tpu.memory_space<vmem>>[vector<16xi32>], vector<16xf32>,
            %sub3A_732 = vector.broadcast %squeeze3A_197 : f32 to vector<16xf32>
            %sub3A_733 = arith.subf %gather3A_731, %sub3A_732 : vector<16xf32>
            %gather3A_734 = arith.constant 8224 : i32
            %gather3A_735 = tpu.memref_slice %arg13[%gather3A_734] : memref<24672xf32, #tpu.memory_space<vmem>> -> memref<4112xf32, #tpu.memory_space<vmem>>
            %gather3A_736 = tpu.vector_load_idx %gather3A_735[%get3A_723] : memref<4112xf32, #tpu.memory_space<vmem>>[vector<16xi32>], vector<16xf32>,
            %sub3A_737 = vector.broadcast %squeeze3A_203 : f32 to vector<16xf32>
            %sub3A_738 = arith.subf %gather3A_736, %sub3A_737 : vector<16xf32>
            %mul3A_739 = arith.mulf %sub3A_728, %sub3A_728 : vector<16xf32>
            %mul3A_740 = arith.mulf %sub3A_733, %sub3A_733 : vector<16xf32>
            %add3A_741 = arith.addf %mul3A_739, %mul3A_740 : vector<16xf32>
            %mul3A_742 = arith.mulf %sub3A_738, %sub3A_738 : vector<16xf32>
            %add3A_743 = arith.addf %add3A_741, %mul3A_742 : vector<16xf32>
            %gather3A_744 = arith.constant 12336 : i32
            %gather3A_745 = tpu.memref_slice %arg13[%gather3A_744] : memref<24672xf32, #tpu.memory_space<vmem>> -> memref<4112xf32, #tpu.memory_space<vmem>>
            %gather3A_746 = tpu.vector_load_idx %gather3A_745[%get3A_723] : memref<4112xf32, #tpu.memory_space<vmem>>[vector<16xi32>], vector<16xf32>,
            %sub3A_747 = vector.broadcast %squeeze3A_209 : f32 to vector<16xf32>
            %sub3A_748 = arith.subf %gather3A_746, %sub3A_747 : vector<16xf32>
            %gather3A_749 = arith.constant 16448 : i32
            %gather3A_750 = tpu.memref_slice %arg13[%gather3A_749] : memref<24672xf32, #tpu.memory_space<vmem>> -> memref<4112xf32, #tpu.memory_space<vmem>>
            %gather3A_751 = tpu.vector_load_idx %gather3A_750[%get3A_723] : memref<4112xf32, #tpu.memory_space<vmem>>[vector<16xi32>], vector<16xf32>,
            %sub3A_752 = vector.broadcast %squeeze3A_215 : f32 to vector<16xf32>
            %sub3A_753 = arith.subf %gather3A_751, %sub3A_752 : vector<16xf32>
            %gather3A_754 = arith.constant 20560 : i32
            %gather3A_755 = tpu.memref_slice %arg13[%gather3A_754] : memref<24672xf32, #tpu.memory_space<vmem>> -> memref<4112xf32, #tpu.memory_space<vmem>>
            %gather3A_756 = tpu.vector_load_idx %gather3A_755[%get3A_723] : memref<4112xf32, #tpu.memory_space<vmem>>[vector<16xi32>], vector<16xf32>,
            %sub3A_757 = vector.broadcast %squeeze3A_221 : f32 to vector<16xf32>
            %sub3A_758 = arith.subf %gather3A_756, %sub3A_757 : vector<16xf32>
            %mul3A_759 = arith.mulf %sub3A_748, %sub3A_748 : vector<16xf32>
            %mul3A_760 = arith.mulf %sub3A_753, %sub3A_753 : vector<16xf32>
            %add3A_761 = arith.addf %mul3A_759, %mul3A_760 : vector<16xf32>
            %mul3A_762 = arith.mulf %sub3A_758, %sub3A_758 : vector<16xf32>
            %add3A_763 = arith.addf %add3A_761, %mul3A_762 : vector<16xf32>
            %mul3A_764 = arith.mulf %add3A_743, %add3A_763 : vector<16xf32>
            %bitcast_convert_type3A_765 = tpu.bitcast %mul3A_764 : vector<16xf32> -> vector<16xi32>
            %shift_right_arithmetic3A_766 = arith.constant 1 : i32
            %shift_right_arithmetic3A_767 = vector.broadcast %shift_right_arithmetic3A_766 : i32 to vector<16xi32>
            %shift_right_arithmetic3A_768 = arith.shrsi %bitcast_convert_type3A_765, %shift_right_arithmetic3A_767 : vector<16xi32>
            %sub3A_769 = arith.constant 1597463007 : i32
            %sub3A_770 = vector.broadcast %sub3A_769 : i32 to vector<16xi32>
            %sub3A_771 = arith.subi %sub3A_770, %shift_right_arithmetic3A_768 : vector<16xi32>
            %bitcast_convert_type3A_772 = tpu.bitcast %sub3A_771 : vector<16xi32> -> vector<16xf32>
            %mul3A_773 = arith.constant 5.000000e-01 : f32
            %mul3A_774 = vector.broadcast %mul3A_773 : f32 to vector<16xf32>
            %mul3A_775 = arith.mulf %mul3A_764, %mul3A_774 : vector<16xf32>
            %mul3A_776 = arith.mulf %mul3A_775, %bitcast_convert_type3A_772 : vector<16xf32>
            %mul3A_777 = arith.mulf %mul3A_776, %bitcast_convert_type3A_772 : vector<16xf32>
            %sub3A_778 = arith.constant 1.500000e+00 : f32
            %sub3A_779 = vector.broadcast %sub3A_778 : f32 to vector<16xf32>
            %sub3A_780 = arith.subf %sub3A_779, %mul3A_777 : vector<16xf32>
            %mul3A_781 = arith.mulf %bitcast_convert_type3A_772, %sub3A_780 : vector<16xf32>
            %mul3A_782 = arith.mulf %mul3A_775, %mul3A_781 : vector<16xf32>
            %mul3A_783 = arith.mulf %mul3A_782, %mul3A_781 : vector<16xf32>
            %sub3A_784 = arith.constant 1.500000e+00 : f32
            %sub3A_785 = vector.broadcast %sub3A_784 : f32 to vector<16xf32>
            %sub3A_786 = arith.subf %sub3A_785, %mul3A_783 : vector<16xf32>
            %mul3A_787 = arith.mulf %mul3A_781, %sub3A_786 : vector<16xf32>
            %mul3A_788 = arith.mulf %mul3A_764, %mul3A_787 : vector<16xf32>
            %add3A_789 = arith.addf %add3A_743, %add3A_763 : vector<16xf32>
            %mul3A_790 = arith.constant 2.000000e+00 : f32
            %mul3A_791 = vector.broadcast %mul3A_790 : f32 to vector<16xf32>
            %mul3A_792 = arith.mulf %mul3A_791, %mul3A_788 : vector<16xf32>
            %sub3A_793 = arith.subf %add3A_789, %mul3A_792 : vector<16xf32>
            %lt3A_794 = arith.constant 5.760000e+00 : f32
            %lt3A_795 = vector.broadcast %lt3A_794 : f32 to vector<16xf32>
            %lt3A_796 = arith.cmpf olt, %add3A_763, %lt3A_795 : vector<16xf32>
            %jit3A_797 = arith.constant 1.000000e+00 : f32
            %jit3A_798 = arith.constant 0.000000e+00 : f32
            %broadcast_in_dim3A_799 = vector.broadcast %jit3A_797 : f32 to vector<16xf32>
            %broadcast_in_dim3A_800 = vector.broadcast %jit3A_798 : f32 to vector<16xf32>
            %select_n3A_801 = arith.select %lt3A_796, %broadcast_in_dim3A_799, %broadcast_in_dim3A_800 : vector<16xi1>, vector<16xf32>
            %mul3A_802 = arith.mulf %sub3A_793, %select_n3A_801 : vector<16xf32>
            %add3A_803 = arith.addf %while3A_269, %mul3A_802 : vector<16xf32>
            %add3A_804 = arith.addf %while3A_270, %select_n3A_801 : vector<16xf32>
            %mul3A_805 = arith.constant 8 : i32
            %mul3A_806 = arith.muli %while3A_258, %mul3A_805 : i32
            %add3A_807 = arith.constant 6 : i32
            %add3A_808 = arith.addi %mul3A_806, %add3A_807 : i32
            %mul3A_809 = arith.constant 16 : i32
            %mul3A_810 = arith.muli %add3A_808, %mul3A_809 : i32
            %get3A_811 = arith.index_cast %mul3A_810 : i32 to index
            %get3A_812 = tpu.vector_load %arg15[%get3A_811] {strides = array<i32>} : memref<4224xi32, #tpu.memory_space<vmem>>, vector<16xi32>,
            %gather3A_813 = arith.constant 0 : i32
            %gather3A_814 = tpu.memref_slice %arg13[%gather3A_813] : memref<24672xf32, #tpu.memory_space<vmem>> -> memref<4112xf32, #tpu.memory_space<vmem>>
            %gather3A_815 = tpu.vector_load_idx %gather3A_814[%get3A_812] : memref<4112xf32, #tpu.memory_space<vmem>>[vector<16xi32>], vector<16xf32>,
            %sub3A_816 = vector.broadcast %squeeze3A_191 : f32 to vector<16xf32>
            %sub3A_817 = arith.subf %gather3A_815, %sub3A_816 : vector<16xf32>
            %gather3A_818 = arith.constant 4112 : i32
            %gather3A_819 = tpu.memref_slice %arg13[%gather3A_818] : memref<24672xf32, #tpu.memory_space<vmem>> -> memref<4112xf32, #tpu.memory_space<vmem>>
            %gather3A_820 = tpu.vector_load_idx %gather3A_819[%get3A_812] : memref<4112xf32, #tpu.memory_space<vmem>>[vector<16xi32>], vector<16xf32>,
            %sub3A_821 = vector.broadcast %squeeze3A_197 : f32 to vector<16xf32>
            %sub3A_822 = arith.subf %gather3A_820, %sub3A_821 : vector<16xf32>
            %gather3A_823 = arith.constant 8224 : i32
            %gather3A_824 = tpu.memref_slice %arg13[%gather3A_823] : memref<24672xf32, #tpu.memory_space<vmem>> -> memref<4112xf32, #tpu.memory_space<vmem>>
            %gather3A_825 = tpu.vector_load_idx %gather3A_824[%get3A_812] : memref<4112xf32, #tpu.memory_space<vmem>>[vector<16xi32>], vector<16xf32>,
            %sub3A_826 = vector.broadcast %squeeze3A_203 : f32 to vector<16xf32>
            %sub3A_827 = arith.subf %gather3A_825, %sub3A_826 : vector<16xf32>
            %mul3A_828 = arith.mulf %sub3A_817, %sub3A_817 : vector<16xf32>
            %mul3A_829 = arith.mulf %sub3A_822, %sub3A_822 : vector<16xf32>
            %add3A_830 = arith.addf %mul3A_828, %mul3A_829 : vector<16xf32>
            %mul3A_831 = arith.mulf %sub3A_827, %sub3A_827 : vector<16xf32>
            %add3A_832 = arith.addf %add3A_830, %mul3A_831 : vector<16xf32>
            %gather3A_833 = arith.constant 12336 : i32
            %gather3A_834 = tpu.memref_slice %arg13[%gather3A_833] : memref<24672xf32, #tpu.memory_space<vmem>> -> memref<4112xf32, #tpu.memory_space<vmem>>
            %gather3A_835 = tpu.vector_load_idx %gather3A_834[%get3A_812] : memref<4112xf32, #tpu.memory_space<vmem>>[vector<16xi32>], vector<16xf32>,
            %sub3A_836 = vector.broadcast %squeeze3A_209 : f32 to vector<16xf32>
            %sub3A_837 = arith.subf %gather3A_835, %sub3A_836 : vector<16xf32>
            %gather3A_838 = arith.constant 16448 : i32
            %gather3A_839 = tpu.memref_slice %arg13[%gather3A_838] : memref<24672xf32, #tpu.memory_space<vmem>> -> memref<4112xf32, #tpu.memory_space<vmem>>
            %gather3A_840 = tpu.vector_load_idx %gather3A_839[%get3A_812] : memref<4112xf32, #tpu.memory_space<vmem>>[vector<16xi32>], vector<16xf32>,
            %sub3A_841 = vector.broadcast %squeeze3A_215 : f32 to vector<16xf32>
            %sub3A_842 = arith.subf %gather3A_840, %sub3A_841 : vector<16xf32>
            %gather3A_843 = arith.constant 20560 : i32
            %gather3A_844 = tpu.memref_slice %arg13[%gather3A_843] : memref<24672xf32, #tpu.memory_space<vmem>> -> memref<4112xf32, #tpu.memory_space<vmem>>
            %gather3A_845 = tpu.vector_load_idx %gather3A_844[%get3A_812] : memref<4112xf32, #tpu.memory_space<vmem>>[vector<16xi32>], vector<16xf32>,
            %sub3A_846 = vector.broadcast %squeeze3A_221 : f32 to vector<16xf32>
            %sub3A_847 = arith.subf %gather3A_845, %sub3A_846 : vector<16xf32>
            %mul3A_848 = arith.mulf %sub3A_837, %sub3A_837 : vector<16xf32>
            %mul3A_849 = arith.mulf %sub3A_842, %sub3A_842 : vector<16xf32>
            %add3A_850 = arith.addf %mul3A_848, %mul3A_849 : vector<16xf32>
            %mul3A_851 = arith.mulf %sub3A_847, %sub3A_847 : vector<16xf32>
            %add3A_852 = arith.addf %add3A_850, %mul3A_851 : vector<16xf32>
            %mul3A_853 = arith.mulf %add3A_832, %add3A_852 : vector<16xf32>
            %bitcast_convert_type3A_854 = tpu.bitcast %mul3A_853 : vector<16xf32> -> vector<16xi32>
            %shift_right_arithmetic3A_855 = arith.constant 1 : i32
            %shift_right_arithmetic3A_856 = vector.broadcast %shift_right_arithmetic3A_855 : i32 to vector<16xi32>
            %shift_right_arithmetic3A_857 = arith.shrsi %bitcast_convert_type3A_854, %shift_right_arithmetic3A_856 : vector<16xi32>
            %sub3A_858 = arith.constant 1597463007 : i32
            %sub3A_859 = vector.broadcast %sub3A_858 : i32 to vector<16xi32>
            %sub3A_860 = arith.subi %sub3A_859, %shift_right_arithmetic3A_857 : vector<16xi32>
            %bitcast_convert_type3A_861 = tpu.bitcast %sub3A_860 : vector<16xi32> -> vector<16xf32>
            %mul3A_862 = arith.constant 5.000000e-01 : f32
            %mul3A_863 = vector.broadcast %mul3A_862 : f32 to vector<16xf32>
            %mul3A_864 = arith.mulf %mul3A_853, %mul3A_863 : vector<16xf32>
            %mul3A_865 = arith.mulf %mul3A_864, %bitcast_convert_type3A_861 : vector<16xf32>
            %mul3A_866 = arith.mulf %mul3A_865, %bitcast_convert_type3A_861 : vector<16xf32>
            %sub3A_867 = arith.constant 1.500000e+00 : f32
            %sub3A_868 = vector.broadcast %sub3A_867 : f32 to vector<16xf32>
            %sub3A_869 = arith.subf %sub3A_868, %mul3A_866 : vector<16xf32>
            %mul3A_870 = arith.mulf %bitcast_convert_type3A_861, %sub3A_869 : vector<16xf32>
            %mul3A_871 = arith.mulf %mul3A_864, %mul3A_870 : vector<16xf32>
            %mul3A_872 = arith.mulf %mul3A_871, %mul3A_870 : vector<16xf32>
            %sub3A_873 = arith.constant 1.500000e+00 : f32
            %sub3A_874 = vector.broadcast %sub3A_873 : f32 to vector<16xf32>
            %sub3A_875 = arith.subf %sub3A_874, %mul3A_872 : vector<16xf32>
            %mul3A_876 = arith.mulf %mul3A_870, %sub3A_875 : vector<16xf32>
            %mul3A_877 = arith.mulf %mul3A_853, %mul3A_876 : vector<16xf32>
            %add3A_878 = arith.addf %add3A_832, %add3A_852 : vector<16xf32>
            %mul3A_879 = arith.constant 2.000000e+00 : f32
            %mul3A_880 = vector.broadcast %mul3A_879 : f32 to vector<16xf32>
            %mul3A_881 = arith.mulf %mul3A_880, %mul3A_877 : vector<16xf32>
            %sub3A_882 = arith.subf %add3A_878, %mul3A_881 : vector<16xf32>
            %lt3A_883 = arith.constant 5.760000e+00 : f32
            %lt3A_884 = vector.broadcast %lt3A_883 : f32 to vector<16xf32>
            %lt3A_885 = arith.cmpf olt, %add3A_852, %lt3A_884 : vector<16xf32>
            %jit3A_886 = arith.constant 1.000000e+00 : f32
            %jit3A_887 = arith.constant 0.000000e+00 : f32
            %broadcast_in_dim3A_888 = vector.broadcast %jit3A_886 : f32 to vector<16xf32>
            %broadcast_in_dim3A_889 = vector.broadcast %jit3A_887 : f32 to vector<16xf32>
            %select_n3A_890 = arith.select %lt3A_885, %broadcast_in_dim3A_888, %broadcast_in_dim3A_889 : vector<16xi1>, vector<16xf32>
            %mul3A_891 = arith.mulf %sub3A_882, %select_n3A_890 : vector<16xf32>
            %add3A_892 = arith.addf %while3A_271, %mul3A_891 : vector<16xf32>
            %add3A_893 = arith.addf %while3A_272, %select_n3A_890 : vector<16xf32>
            %mul3A_894 = arith.constant 8 : i32
            %mul3A_895 = arith.muli %while3A_258, %mul3A_894 : i32
            %add3A_896 = arith.constant 7 : i32
            %add3A_897 = arith.addi %mul3A_895, %add3A_896 : i32
            %mul3A_898 = arith.constant 16 : i32
            %mul3A_899 = arith.muli %add3A_897, %mul3A_898 : i32
            %get3A_900 = arith.index_cast %mul3A_899 : i32 to index
            %get3A_901 = tpu.vector_load %arg15[%get3A_900] {strides = array<i32>} : memref<4224xi32, #tpu.memory_space<vmem>>, vector<16xi32>,
            %gather3A_902 = arith.constant 0 : i32
            %gather3A_903 = tpu.memref_slice %arg13[%gather3A_902] : memref<24672xf32, #tpu.memory_space<vmem>> -> memref<4112xf32, #tpu.memory_space<vmem>>
            %gather3A_904 = tpu.vector_load_idx %gather3A_903[%get3A_901] : memref<4112xf32, #tpu.memory_space<vmem>>[vector<16xi32>], vector<16xf32>,
            %sub3A_905 = vector.broadcast %squeeze3A_191 : f32 to vector<16xf32>
            %sub3A_906 = arith.subf %gather3A_904, %sub3A_905 : vector<16xf32>
            %gather3A_907 = arith.constant 4112 : i32
            %gather3A_908 = tpu.memref_slice %arg13[%gather3A_907] : memref<24672xf32, #tpu.memory_space<vmem>> -> memref<4112xf32, #tpu.memory_space<vmem>>
            %gather3A_909 = tpu.vector_load_idx %gather3A_908[%get3A_901] : memref<4112xf32, #tpu.memory_space<vmem>>[vector<16xi32>], vector<16xf32>,
            %sub3A_910 = vector.broadcast %squeeze3A_197 : f32 to vector<16xf32>
            %sub3A_911 = arith.subf %gather3A_909, %sub3A_910 : vector<16xf32>
            %gather3A_912 = arith.constant 8224 : i32
            %gather3A_913 = tpu.memref_slice %arg13[%gather3A_912] : memref<24672xf32, #tpu.memory_space<vmem>> -> memref<4112xf32, #tpu.memory_space<vmem>>
            %gather3A_914 = tpu.vector_load_idx %gather3A_913[%get3A_901] : memref<4112xf32, #tpu.memory_space<vmem>>[vector<16xi32>], vector<16xf32>,
            %sub3A_915 = vector.broadcast %squeeze3A_203 : f32 to vector<16xf32>
            %sub3A_916 = arith.subf %gather3A_914, %sub3A_915 : vector<16xf32>
            %mul3A_917 = arith.mulf %sub3A_906, %sub3A_906 : vector<16xf32>
            %mul3A_918 = arith.mulf %sub3A_911, %sub3A_911 : vector<16xf32>
            %add3A_919 = arith.addf %mul3A_917, %mul3A_918 : vector<16xf32>
            %mul3A_920 = arith.mulf %sub3A_916, %sub3A_916 : vector<16xf32>
            %add3A_921 = arith.addf %add3A_919, %mul3A_920 : vector<16xf32>
            %gather3A_922 = arith.constant 12336 : i32
            %gather3A_923 = tpu.memref_slice %arg13[%gather3A_922] : memref<24672xf32, #tpu.memory_space<vmem>> -> memref<4112xf32, #tpu.memory_space<vmem>>
            %gather3A_924 = tpu.vector_load_idx %gather3A_923[%get3A_901] : memref<4112xf32, #tpu.memory_space<vmem>>[vector<16xi32>], vector<16xf32>,
            %sub3A_925 = vector.broadcast %squeeze3A_209 : f32 to vector<16xf32>
            %sub3A_926 = arith.subf %gather3A_924, %sub3A_925 : vector<16xf32>
            %gather3A_927 = arith.constant 16448 : i32
            %gather3A_928 = tpu.memref_slice %arg13[%gather3A_927] : memref<24672xf32, #tpu.memory_space<vmem>> -> memref<4112xf32, #tpu.memory_space<vmem>>
            %gather3A_929 = tpu.vector_load_idx %gather3A_928[%get3A_901] : memref<4112xf32, #tpu.memory_space<vmem>>[vector<16xi32>], vector<16xf32>,
            %sub3A_930 = vector.broadcast %squeeze3A_215 : f32 to vector<16xf32>
            %sub3A_931 = arith.subf %gather3A_929, %sub3A_930 : vector<16xf32>
            %gather3A_932 = arith.constant 20560 : i32
            %gather3A_933 = tpu.memref_slice %arg13[%gather3A_932] : memref<24672xf32, #tpu.memory_space<vmem>> -> memref<4112xf32, #tpu.memory_space<vmem>>
            %gather3A_934 = tpu.vector_load_idx %gather3A_933[%get3A_901] : memref<4112xf32, #tpu.memory_space<vmem>>[vector<16xi32>], vector<16xf32>,
            %sub3A_935 = vector.broadcast %squeeze3A_221 : f32 to vector<16xf32>
            %sub3A_936 = arith.subf %gather3A_934, %sub3A_935 : vector<16xf32>
            %mul3A_937 = arith.mulf %sub3A_926, %sub3A_926 : vector<16xf32>
            %mul3A_938 = arith.mulf %sub3A_931, %sub3A_931 : vector<16xf32>
            %add3A_939 = arith.addf %mul3A_937, %mul3A_938 : vector<16xf32>
            %mul3A_940 = arith.mulf %sub3A_936, %sub3A_936 : vector<16xf32>
            %add3A_941 = arith.addf %add3A_939, %mul3A_940 : vector<16xf32>
            %mul3A_942 = arith.mulf %add3A_921, %add3A_941 : vector<16xf32>
            %bitcast_convert_type3A_943 = tpu.bitcast %mul3A_942 : vector<16xf32> -> vector<16xi32>
            %shift_right_arithmetic3A_944 = arith.constant 1 : i32
            %shift_right_arithmetic3A_945 = vector.broadcast %shift_right_arithmetic3A_944 : i32 to vector<16xi32>
            %shift_right_arithmetic3A_946 = arith.shrsi %bitcast_convert_type3A_943, %shift_right_arithmetic3A_945 : vector<16xi32>
            %sub3A_947 = arith.constant 1597463007 : i32
            %sub3A_948 = vector.broadcast %sub3A_947 : i32 to vector<16xi32>
            %sub3A_949 = arith.subi %sub3A_948, %shift_right_arithmetic3A_946 : vector<16xi32>
            %bitcast_convert_type3A_950 = tpu.bitcast %sub3A_949 : vector<16xi32> -> vector<16xf32>
            %mul3A_951 = arith.constant 5.000000e-01 : f32
            %mul3A_952 = vector.broadcast %mul3A_951 : f32 to vector<16xf32>
            %mul3A_953 = arith.mulf %mul3A_942, %mul3A_952 : vector<16xf32>
            %mul3A_954 = arith.mulf %mul3A_953, %bitcast_convert_type3A_950 : vector<16xf32>
            %mul3A_955 = arith.mulf %mul3A_954, %bitcast_convert_type3A_950 : vector<16xf32>
            %sub3A_956 = arith.constant 1.500000e+00 : f32
            %sub3A_957 = vector.broadcast %sub3A_956 : f32 to vector<16xf32>
            %sub3A_958 = arith.subf %sub3A_957, %mul3A_955 : vector<16xf32>
            %mul3A_959 = arith.mulf %bitcast_convert_type3A_950, %sub3A_958 : vector<16xf32>
            %mul3A_960 = arith.mulf %mul3A_953, %mul3A_959 : vector<16xf32>
            %mul3A_961 = arith.mulf %mul3A_960, %mul3A_959 : vector<16xf32>
            %sub3A_962 = arith.constant 1.500000e+00 : f32
            %sub3A_963 = vector.broadcast %sub3A_962 : f32 to vector<16xf32>
            %sub3A_964 = arith.subf %sub3A_963, %mul3A_961 : vector<16xf32>
            %mul3A_965 = arith.mulf %mul3A_959, %sub3A_964 : vector<16xf32>
            %mul3A_966 = arith.mulf %mul3A_942, %mul3A_965 : vector<16xf32>
            %add3A_967 = arith.addf %add3A_921, %add3A_941 : vector<16xf32>
            %mul3A_968 = arith.constant 2.000000e+00 : f32
            %mul3A_969 = vector.broadcast %mul3A_968 : f32 to vector<16xf32>
            %mul3A_970 = arith.mulf %mul3A_969, %mul3A_966 : vector<16xf32>
            %sub3A_971 = arith.subf %add3A_967, %mul3A_970 : vector<16xf32>
            %lt3A_972 = arith.constant 5.760000e+00 : f32
            %lt3A_973 = vector.broadcast %lt3A_972 : f32 to vector<16xf32>
            %lt3A_974 = arith.cmpf olt, %add3A_941, %lt3A_973 : vector<16xf32>
            %jit3A_975 = arith.constant 1.000000e+00 : f32
            %jit3A_976 = arith.constant 0.000000e+00 : f32
            %broadcast_in_dim3A_977 = vector.broadcast %jit3A_975 : f32 to vector<16xf32>
            %broadcast_in_dim3A_978 = vector.broadcast %jit3A_976 : f32 to vector<16xf32>
            %select_n3A_979 = arith.select %lt3A_974, %broadcast_in_dim3A_977, %broadcast_in_dim3A_978 : vector<16xi1>, vector<16xf32>
            %mul3A_980 = arith.mulf %sub3A_971, %select_n3A_979 : vector<16xf32>
            %add3A_981 = arith.addf %while3A_273, %mul3A_980 : vector<16xf32>
            %add3A_982 = arith.addf %while3A_274, %select_n3A_979 : vector<16xf32>
            scf.yield %add3A_358, %add3A_359, %add3A_447, %add3A_448, %add3A_536, %add3A_537, %add3A_625, %add3A_626, %add3A_714, %add3A_715, %add3A_803, %add3A_804, %add3A_892, %add3A_893, %add3A_981, %add3A_982 : vector<16xf32>, vector<16xf32>, vector<16xf32>, vector<16xf32>, vector<16xf32>, vector<16xf32>, vector<16xf32>, vector<16xf32>, vector<16xf32>, vector<16xf32>, vector<16xf32>, vector<16xf32>, vector<16xf32>, vector<16xf32>, vector<16xf32>, vector<16xf32>
          }
          %while3A_256 = arith.constant 1 : i32
          %while3A_257:16 = scf.for %while3A_258 = %while3A_253 to %while3A_249 step %while3A_256 iter_args(%while3A_259 = %while3A_255#0, %while3A_260 = %while3A_255#1, %while3A_261 = %while3A_255#2, %while3A_262 = %while3A_255#3, %while3A_263 = %while3A_255#4, %while3A_264 = %while3A_255#5, %while3A_265 = %while3A_255#6, %while3A_266 = %while3A_255#7, %while3A_267 = %while3A_255#8, %while3A_268 = %while3A_255#9, %while3A_269 = %while3A_255#10, %while3A_270 = %while3A_255#11, %while3A_271 = %while3A_255#12, %while3A_272 = %while3A_255#13, %while3A_273 = %while3A_255#14, %while3A_274 = %while3A_255#15) -> (vector<16xf32>, vector<16xf32>, vector<16xf32>, vector<16xf32>, vector<16xf32>, vector<16xf32>, vector<16xf32>, vector<16xf32>, vector<16xf32>, vector<16xf32>, vector<16xf32>, vector<16xf32>, vector<16xf32>, vector<16xf32>, vector<16xf32>, vector<16xf32>)  : i32 {
            %mul3A_275 = arith.constant 8 : i32
            %mul3A_276 = arith.muli %while3A_258, %mul3A_275 : i32
            %add3A_277 = arith.constant 0 : i32
            %add3A_278 = arith.addi %mul3A_276, %add3A_277 : i32
            %mul3A_279 = arith.constant 16 : i32
            %mul3A_280 = arith.muli %add3A_278, %mul3A_279 : i32
            %get3A_281 = arith.index_cast %mul3A_280 : i32 to index
            %get3A_282 = tpu.vector_load %arg15[%get3A_281] {strides = array<i32>} : memref<4224xi32, #tpu.memory_space<vmem>>, vector<16xi32>,
            %gather3A = arith.constant 0 : i32
            %gather3A_283 = tpu.memref_slice %arg13[%gather3A] : memref<24672xf32, #tpu.memory_space<vmem>> -> memref<4112xf32, #tpu.memory_space<vmem>>
            %gather3A_284 = tpu.vector_load_idx %gather3A_283[%get3A_282] : memref<4112xf32, #tpu.memory_space<vmem>>[vector<16xi32>], vector<16xf32>,
            %sub3A_285 = vector.broadcast %squeeze3A_191 : f32 to vector<16xf32>
            %sub3A_286 = arith.subf %gather3A_284, %sub3A_285 : vector<16xf32>
            %gather3A_287 = arith.constant 4112 : i32
            %gather3A_288 = tpu.memref_slice %arg13[%gather3A_287] : memref<24672xf32, #tpu.memory_space<vmem>> -> memref<4112xf32, #tpu.memory_space<vmem>>
            %gather3A_289 = tpu.vector_load_idx %gather3A_288[%get3A_282] : memref<4112xf32, #tpu.memory_space<vmem>>[vector<16xi32>], vector<16xf32>,
            %sub3A_290 = vector.broadcast %squeeze3A_197 : f32 to vector<16xf32>
            %sub3A_291 = arith.subf %gather3A_289, %sub3A_290 : vector<16xf32>
            %gather3A_292 = arith.constant 8224 : i32
            %gather3A_293 = tpu.memref_slice %arg13[%gather3A_292] : memref<24672xf32, #tpu.memory_space<vmem>> -> memref<4112xf32, #tpu.memory_space<vmem>>
            %gather3A_294 = tpu.vector_load_idx %gather3A_293[%get3A_282] : memref<4112xf32, #tpu.memory_space<vmem>>[vector<16xi32>], vector<16xf32>,
            %sub3A_295 = vector.broadcast %squeeze3A_203 : f32 to vector<16xf32>
            %sub3A_296 = arith.subf %gather3A_294, %sub3A_295 : vector<16xf32>
            %mul3A_297 = arith.mulf %sub3A_286, %sub3A_286 : vector<16xf32>
            %mul3A_298 = arith.mulf %sub3A_291, %sub3A_291 : vector<16xf32>
            %add3A_299 = arith.addf %mul3A_297, %mul3A_298 : vector<16xf32>
            %mul3A_300 = arith.mulf %sub3A_296, %sub3A_296 : vector<16xf32>
            %add3A_301 = arith.addf %add3A_299, %mul3A_300 : vector<16xf32>
            %gather3A_302 = arith.constant 12336 : i32
            %gather3A_303 = tpu.memref_slice %arg13[%gather3A_302] : memref<24672xf32, #tpu.memory_space<vmem>> -> memref<4112xf32, #tpu.memory_space<vmem>>
            %gather3A_304 = tpu.vector_load_idx %gather3A_303[%get3A_282] : memref<4112xf32, #tpu.memory_space<vmem>>[vector<16xi32>], vector<16xf32>,
            %sub3A_305 = vector.broadcast %squeeze3A_209 : f32 to vector<16xf32>
            %sub3A_306 = arith.subf %gather3A_304, %sub3A_305 : vector<16xf32>
            %gather3A_307 = arith.constant 16448 : i32
            %gather3A_308 = tpu.memref_slice %arg13[%gather3A_307] : memref<24672xf32, #tpu.memory_space<vmem>> -> memref<4112xf32, #tpu.memory_space<vmem>>
            %gather3A_309 = tpu.vector_load_idx %gather3A_308[%get3A_282] : memref<4112xf32, #tpu.memory_space<vmem>>[vector<16xi32>], vector<16xf32>,
            %sub3A_310 = vector.broadcast %squeeze3A_215 : f32 to vector<16xf32>
            %sub3A_311 = arith.subf %gather3A_309, %sub3A_310 : vector<16xf32>
            %gather3A_312 = arith.constant 20560 : i32
            %gather3A_313 = tpu.memref_slice %arg13[%gather3A_312] : memref<24672xf32, #tpu.memory_space<vmem>> -> memref<4112xf32, #tpu.memory_space<vmem>>
            %gather3A_314 = tpu.vector_load_idx %gather3A_313[%get3A_282] : memref<4112xf32, #tpu.memory_space<vmem>>[vector<16xi32>], vector<16xf32>,
            %sub3A_315 = vector.broadcast %squeeze3A_221 : f32 to vector<16xf32>
            %sub3A_316 = arith.subf %gather3A_314, %sub3A_315 : vector<16xf32>
            %mul3A_317 = arith.mulf %sub3A_306, %sub3A_306 : vector<16xf32>
            %mul3A_318 = arith.mulf %sub3A_311, %sub3A_311 : vector<16xf32>
            %add3A_319 = arith.addf %mul3A_317, %mul3A_318 : vector<16xf32>
            %mul3A_320 = arith.mulf %sub3A_316, %sub3A_316 : vector<16xf32>
            %add3A_321 = arith.addf %add3A_319, %mul3A_320 : vector<16xf32>
            %mul3A_322 = arith.mulf %add3A_301, %add3A_321 : vector<16xf32>
            %bitcast_convert_type3A = tpu.bitcast %mul3A_322 : vector<16xf32> -> vector<16xi32>
            %shift_right_arithmetic3A = arith.constant 1 : i32
            %shift_right_arithmetic3A_323 = vector.broadcast %shift_right_arithmetic3A : i32 to vector<16xi32>
            %shift_right_arithmetic3A_324 = arith.shrsi %bitcast_convert_type3A, %shift_right_arithmetic3A_323 : vector<16xi32>
            %sub3A_325 = arith.constant 1597463007 : i32
            %sub3A_326 = vector.broadcast %sub3A_325 : i32 to vector<16xi32>
            %sub3A_327 = arith.subi %sub3A_326, %shift_right_arithmetic3A_324 : vector<16xi32>
            %bitcast_convert_type3A_328 = tpu.bitcast %sub3A_327 : vector<16xi32> -> vector<16xf32>
            %mul3A_329 = arith.constant 5.000000e-01 : f32
            %mul3A_330 = vector.broadcast %mul3A_329 : f32 to vector<16xf32>
            %mul3A_331 = arith.mulf %mul3A_322, %mul3A_330 : vector<16xf32>
            %mul3A_332 = arith.mulf %mul3A_331, %bitcast_convert_type3A_328 : vector<16xf32>
            %mul3A_333 = arith.mulf %mul3A_332, %bitcast_convert_type3A_328 : vector<16xf32>
            %sub3A_334 = arith.constant 1.500000e+00 : f32
            %sub3A_335 = vector.broadcast %sub3A_334 : f32 to vector<16xf32>
            %sub3A_336 = arith.subf %sub3A_335, %mul3A_333 : vector<16xf32>
            %mul3A_337 = arith.mulf %bitcast_convert_type3A_328, %sub3A_336 : vector<16xf32>
            %mul3A_338 = arith.mulf %mul3A_331, %mul3A_337 : vector<16xf32>
            %mul3A_339 = arith.mulf %mul3A_338, %mul3A_337 : vector<16xf32>
            %sub3A_340 = arith.constant 1.500000e+00 : f32
            %sub3A_341 = vector.broadcast %sub3A_340 : f32 to vector<16xf32>
            %sub3A_342 = arith.subf %sub3A_341, %mul3A_339 : vector<16xf32>
            %mul3A_343 = arith.mulf %mul3A_337, %sub3A_342 : vector<16xf32>
            %mul3A_344 = arith.mulf %mul3A_322, %mul3A_343 : vector<16xf32>
            %add3A_345 = arith.addf %add3A_301, %add3A_321 : vector<16xf32>
            %mul3A_346 = arith.constant 2.000000e+00 : f32
            %mul3A_347 = vector.broadcast %mul3A_346 : f32 to vector<16xf32>
            %mul3A_348 = arith.mulf %mul3A_347, %mul3A_344 : vector<16xf32>
            %sub3A_349 = arith.subf %add3A_345, %mul3A_348 : vector<16xf32>
            %lt3A = arith.constant 5.760000e+00 : f32
            %lt3A_350 = vector.broadcast %lt3A : f32 to vector<16xf32>
            %lt3A_351 = arith.cmpf olt, %add3A_321, %lt3A_350 : vector<16xf32>
            %jit3A_352 = arith.constant 1.000000e+00 : f32
            %jit3A_353 = arith.constant 0.000000e+00 : f32
            %broadcast_in_dim3A_354 = vector.broadcast %jit3A_352 : f32 to vector<16xf32>
            %broadcast_in_dim3A_355 = vector.broadcast %jit3A_353 : f32 to vector<16xf32>
            %select_n3A_356 = arith.select %lt3A_351, %broadcast_in_dim3A_354, %broadcast_in_dim3A_355 : vector<16xi1>, vector<16xf32>
            %mul3A_357 = arith.mulf %sub3A_349, %select_n3A_356 : vector<16xf32>
            %add3A_358 = arith.addf %while3A_259, %mul3A_357 : vector<16xf32>
            %add3A_359 = arith.addf %while3A_260, %select_n3A_356 : vector<16xf32>
            %mul3A_360 = arith.constant 8 : i32
            %mul3A_361 = arith.muli %while3A_258, %mul3A_360 : i32
            %add3A_362 = arith.constant 1 : i32
            %add3A_363 = arith.addi %mul3A_361, %add3A_362 : i32
            %mul3A_364 = arith.constant 16 : i32
            %mul3A_365 = arith.muli %add3A_363, %mul3A_364 : i32
            %get3A_366 = arith.index_cast %mul3A_365 : i32 to index
            %get3A_367 = tpu.vector_load %arg15[%get3A_366] {strides = array<i32>} : memref<4224xi32, #tpu.memory_space<vmem>>, vector<16xi32>,
            %gather3A_368 = arith.constant 0 : i32
            %gather3A_369 = tpu.memref_slice %arg13[%gather3A_368] : memref<24672xf32, #tpu.memory_space<vmem>> -> memref<4112xf32, #tpu.memory_space<vmem>>
            %gather3A_370 = tpu.vector_load_idx %gather3A_369[%get3A_367] : memref<4112xf32, #tpu.memory_space<vmem>>[vector<16xi32>], vector<16xf32>,
            %sub3A_371 = vector.broadcast %squeeze3A_191 : f32 to vector<16xf32>
            %sub3A_372 = arith.subf %gather3A_370, %sub3A_371 : vector<16xf32>
            %gather3A_373 = arith.constant 4112 : i32
            %gather3A_374 = tpu.memref_slice %arg13[%gather3A_373] : memref<24672xf32, #tpu.memory_space<vmem>> -> memref<4112xf32, #tpu.memory_space<vmem>>
            %gather3A_375 = tpu.vector_load_idx %gather3A_374[%get3A_367] : memref<4112xf32, #tpu.memory_space<vmem>>[vector<16xi32>], vector<16xf32>,
            %sub3A_376 = vector.broadcast %squeeze3A_197 : f32 to vector<16xf32>
            %sub3A_377 = arith.subf %gather3A_375, %sub3A_376 : vector<16xf32>
            %gather3A_378 = arith.constant 8224 : i32
            %gather3A_379 = tpu.memref_slice %arg13[%gather3A_378] : memref<24672xf32, #tpu.memory_space<vmem>> -> memref<4112xf32, #tpu.memory_space<vmem>>
            %gather3A_380 = tpu.vector_load_idx %gather3A_379[%get3A_367] : memref<4112xf32, #tpu.memory_space<vmem>>[vector<16xi32>], vector<16xf32>,
            %sub3A_381 = vector.broadcast %squeeze3A_203 : f32 to vector<16xf32>
            %sub3A_382 = arith.subf %gather3A_380, %sub3A_381 : vector<16xf32>
            %mul3A_383 = arith.mulf %sub3A_372, %sub3A_372 : vector<16xf32>
            %mul3A_384 = arith.mulf %sub3A_377, %sub3A_377 : vector<16xf32>
            %add3A_385 = arith.addf %mul3A_383, %mul3A_384 : vector<16xf32>
            %mul3A_386 = arith.mulf %sub3A_382, %sub3A_382 : vector<16xf32>
            %add3A_387 = arith.addf %add3A_385, %mul3A_386 : vector<16xf32>
            %gather3A_388 = arith.constant 12336 : i32
            %gather3A_389 = tpu.memref_slice %arg13[%gather3A_388] : memref<24672xf32, #tpu.memory_space<vmem>> -> memref<4112xf32, #tpu.memory_space<vmem>>
            %gather3A_390 = tpu.vector_load_idx %gather3A_389[%get3A_367] : memref<4112xf32, #tpu.memory_space<vmem>>[vector<16xi32>], vector<16xf32>,
            %sub3A_391 = vector.broadcast %squeeze3A_209 : f32 to vector<16xf32>
            %sub3A_392 = arith.subf %gather3A_390, %sub3A_391 : vector<16xf32>
            %gather3A_393 = arith.constant 16448 : i32
            %gather3A_394 = tpu.memref_slice %arg13[%gather3A_393] : memref<24672xf32, #tpu.memory_space<vmem>> -> memref<4112xf32, #tpu.memory_space<vmem>>
            %gather3A_395 = tpu.vector_load_idx %gather3A_394[%get3A_367] : memref<4112xf32, #tpu.memory_space<vmem>>[vector<16xi32>], vector<16xf32>,
            %sub3A_396 = vector.broadcast %squeeze3A_215 : f32 to vector<16xf32>
            %sub3A_397 = arith.subf %gather3A_395, %sub3A_396 : vector<16xf32>
            %gather3A_398 = arith.constant 20560 : i32
            %gather3A_399 = tpu.memref_slice %arg13[%gather3A_398] : memref<24672xf32, #tpu.memory_space<vmem>> -> memref<4112xf32, #tpu.memory_space<vmem>>
            %gather3A_400 = tpu.vector_load_idx %gather3A_399[%get3A_367] : memref<4112xf32, #tpu.memory_space<vmem>>[vector<16xi32>], vector<16xf32>,
            %sub3A_401 = vector.broadcast %squeeze3A_221 : f32 to vector<16xf32>
            %sub3A_402 = arith.subf %gather3A_400, %sub3A_401 : vector<16xf32>
            %mul3A_403 = arith.mulf %sub3A_392, %sub3A_392 : vector<16xf32>
            %mul3A_404 = arith.mulf %sub3A_397, %sub3A_397 : vector<16xf32>
            %add3A_405 = arith.addf %mul3A_403, %mul3A_404 : vector<16xf32>
            %mul3A_406 = arith.mulf %sub3A_402, %sub3A_402 : vector<16xf32>
            %add3A_407 = arith.addf %add3A_405, %mul3A_406 : vector<16xf32>
            %mul3A_408 = arith.mulf %add3A_387, %add3A_407 : vector<16xf32>
            %bitcast_convert_type3A_409 = tpu.bitcast %mul3A_408 : vector<16xf32> -> vector<16xi32>
            %shift_right_arithmetic3A_410 = arith.constant 1 : i32
            %shift_right_arithmetic3A_411 = vector.broadcast %shift_right_arithmetic3A_410 : i32 to vector<16xi32>
            %shift_right_arithmetic3A_412 = arith.shrsi %bitcast_convert_type3A_409, %shift_right_arithmetic3A_411 : vector<16xi32>
            %sub3A_413 = arith.constant 1597463007 : i32
            %sub3A_414 = vector.broadcast %sub3A_413 : i32 to vector<16xi32>
            %sub3A_415 = arith.subi %sub3A_414, %shift_right_arithmetic3A_412 : vector<16xi32>
            %bitcast_convert_type3A_416 = tpu.bitcast %sub3A_415 : vector<16xi32> -> vector<16xf32>
            %mul3A_417 = arith.constant 5.000000e-01 : f32
            %mul3A_418 = vector.broadcast %mul3A_417 : f32 to vector<16xf32>
            %mul3A_419 = arith.mulf %mul3A_408, %mul3A_418 : vector<16xf32>
            %mul3A_420 = arith.mulf %mul3A_419, %bitcast_convert_type3A_416 : vector<16xf32>
            %mul3A_421 = arith.mulf %mul3A_420, %bitcast_convert_type3A_416 : vector<16xf32>
            %sub3A_422 = arith.constant 1.500000e+00 : f32
            %sub3A_423 = vector.broadcast %sub3A_422 : f32 to vector<16xf32>
            %sub3A_424 = arith.subf %sub3A_423, %mul3A_421 : vector<16xf32>
            %mul3A_425 = arith.mulf %bitcast_convert_type3A_416, %sub3A_424 : vector<16xf32>
            %mul3A_426 = arith.mulf %mul3A_419, %mul3A_425 : vector<16xf32>
            %mul3A_427 = arith.mulf %mul3A_426, %mul3A_425 : vector<16xf32>
            %sub3A_428 = arith.constant 1.500000e+00 : f32
            %sub3A_429 = vector.broadcast %sub3A_428 : f32 to vector<16xf32>
            %sub3A_430 = arith.subf %sub3A_429, %mul3A_427 : vector<16xf32>
            %mul3A_431 = arith.mulf %mul3A_425, %sub3A_430 : vector<16xf32>
            %mul3A_432 = arith.mulf %mul3A_408, %mul3A_431 : vector<16xf32>
            %add3A_433 = arith.addf %add3A_387, %add3A_407 : vector<16xf32>
            %mul3A_434 = arith.constant 2.000000e+00 : f32
            %mul3A_435 = vector.broadcast %mul3A_434 : f32 to vector<16xf32>
            %mul3A_436 = arith.mulf %mul3A_435, %mul3A_432 : vector<16xf32>
            %sub3A_437 = arith.subf %add3A_433, %mul3A_436 : vector<16xf32>
            %lt3A_438 = arith.constant 5.760000e+00 : f32
            %lt3A_439 = vector.broadcast %lt3A_438 : f32 to vector<16xf32>
            %lt3A_440 = arith.cmpf olt, %add3A_407, %lt3A_439 : vector<16xf32>
            %jit3A_441 = arith.constant 1.000000e+00 : f32
            %jit3A_442 = arith.constant 0.000000e+00 : f32
            %broadcast_in_dim3A_443 = vector.broadcast %jit3A_441 : f32 to vector<16xf32>
            %broadcast_in_dim3A_444 = vector.broadcast %jit3A_442 : f32 to vector<16xf32>
            %select_n3A_445 = arith.select %lt3A_440, %broadcast_in_dim3A_443, %broadcast_in_dim3A_444 : vector<16xi1>, vector<16xf32>
            %mul3A_446 = arith.mulf %sub3A_437, %select_n3A_445 : vector<16xf32>
            %add3A_447 = arith.addf %while3A_261, %mul3A_446 : vector<16xf32>
            %add3A_448 = arith.addf %while3A_262, %select_n3A_445 : vector<16xf32>
            %mul3A_449 = arith.constant 8 : i32
            %mul3A_450 = arith.muli %while3A_258, %mul3A_449 : i32
            %add3A_451 = arith.constant 2 : i32
            %add3A_452 = arith.addi %mul3A_450, %add3A_451 : i32
            %mul3A_453 = arith.constant 16 : i32
            %mul3A_454 = arith.muli %add3A_452, %mul3A_453 : i32
            %get3A_455 = arith.index_cast %mul3A_454 : i32 to index
            %get3A_456 = tpu.vector_load %arg15[%get3A_455] {strides = array<i32>} : memref<4224xi32, #tpu.memory_space<vmem>>, vector<16xi32>,
            %gather3A_457 = arith.constant 0 : i32
            %gather3A_458 = tpu.memref_slice %arg13[%gather3A_457] : memref<24672xf32, #tpu.memory_space<vmem>> -> memref<4112xf32, #tpu.memory_space<vmem>>
            %gather3A_459 = tpu.vector_load_idx %gather3A_458[%get3A_456] : memref<4112xf32, #tpu.memory_space<vmem>>[vector<16xi32>], vector<16xf32>,
            %sub3A_460 = vector.broadcast %squeeze3A_191 : f32 to vector<16xf32>
            %sub3A_461 = arith.subf %gather3A_459, %sub3A_460 : vector<16xf32>
            %gather3A_462 = arith.constant 4112 : i32
            %gather3A_463 = tpu.memref_slice %arg13[%gather3A_462] : memref<24672xf32, #tpu.memory_space<vmem>> -> memref<4112xf32, #tpu.memory_space<vmem>>
            %gather3A_464 = tpu.vector_load_idx %gather3A_463[%get3A_456] : memref<4112xf32, #tpu.memory_space<vmem>>[vector<16xi32>], vector<16xf32>,
            %sub3A_465 = vector.broadcast %squeeze3A_197 : f32 to vector<16xf32>
            %sub3A_466 = arith.subf %gather3A_464, %sub3A_465 : vector<16xf32>
            %gather3A_467 = arith.constant 8224 : i32
            %gather3A_468 = tpu.memref_slice %arg13[%gather3A_467] : memref<24672xf32, #tpu.memory_space<vmem>> -> memref<4112xf32, #tpu.memory_space<vmem>>
            %gather3A_469 = tpu.vector_load_idx %gather3A_468[%get3A_456] : memref<4112xf32, #tpu.memory_space<vmem>>[vector<16xi32>], vector<16xf32>,
            %sub3A_470 = vector.broadcast %squeeze3A_203 : f32 to vector<16xf32>
            %sub3A_471 = arith.subf %gather3A_469, %sub3A_470 : vector<16xf32>
            %mul3A_472 = arith.mulf %sub3A_461, %sub3A_461 : vector<16xf32>
            %mul3A_473 = arith.mulf %sub3A_466, %sub3A_466 : vector<16xf32>
            %add3A_474 = arith.addf %mul3A_472, %mul3A_473 : vector<16xf32>
            %mul3A_475 = arith.mulf %sub3A_471, %sub3A_471 : vector<16xf32>
            %add3A_476 = arith.addf %add3A_474, %mul3A_475 : vector<16xf32>
            %gather3A_477 = arith.constant 12336 : i32
            %gather3A_478 = tpu.memref_slice %arg13[%gather3A_477] : memref<24672xf32, #tpu.memory_space<vmem>> -> memref<4112xf32, #tpu.memory_space<vmem>>
            %gather3A_479 = tpu.vector_load_idx %gather3A_478[%get3A_456] : memref<4112xf32, #tpu.memory_space<vmem>>[vector<16xi32>], vector<16xf32>,
            %sub3A_480 = vector.broadcast %squeeze3A_209 : f32 to vector<16xf32>
            %sub3A_481 = arith.subf %gather3A_479, %sub3A_480 : vector<16xf32>
            %gather3A_482 = arith.constant 16448 : i32
            %gather3A_483 = tpu.memref_slice %arg13[%gather3A_482] : memref<24672xf32, #tpu.memory_space<vmem>> -> memref<4112xf32, #tpu.memory_space<vmem>>
            %gather3A_484 = tpu.vector_load_idx %gather3A_483[%get3A_456] : memref<4112xf32, #tpu.memory_space<vmem>>[vector<16xi32>], vector<16xf32>,
            %sub3A_485 = vector.broadcast %squeeze3A_215 : f32 to vector<16xf32>
            %sub3A_486 = arith.subf %gather3A_484, %sub3A_485 : vector<16xf32>
            %gather3A_487 = arith.constant 20560 : i32
            %gather3A_488 = tpu.memref_slice %arg13[%gather3A_487] : memref<24672xf32, #tpu.memory_space<vmem>> -> memref<4112xf32, #tpu.memory_space<vmem>>
            %gather3A_489 = tpu.vector_load_idx %gather3A_488[%get3A_456] : memref<4112xf32, #tpu.memory_space<vmem>>[vector<16xi32>], vector<16xf32>,
            %sub3A_490 = vector.broadcast %squeeze3A_221 : f32 to vector<16xf32>
            %sub3A_491 = arith.subf %gather3A_489, %sub3A_490 : vector<16xf32>
            %mul3A_492 = arith.mulf %sub3A_481, %sub3A_481 : vector<16xf32>
            %mul3A_493 = arith.mulf %sub3A_486, %sub3A_486 : vector<16xf32>
            %add3A_494 = arith.addf %mul3A_492, %mul3A_493 : vector<16xf32>
            %mul3A_495 = arith.mulf %sub3A_491, %sub3A_491 : vector<16xf32>
            %add3A_496 = arith.addf %add3A_494, %mul3A_495 : vector<16xf32>
            %mul3A_497 = arith.mulf %add3A_476, %add3A_496 : vector<16xf32>
            %bitcast_convert_type3A_498 = tpu.bitcast %mul3A_497 : vector<16xf32> -> vector<16xi32>
            %shift_right_arithmetic3A_499 = arith.constant 1 : i32
            %shift_right_arithmetic3A_500 = vector.broadcast %shift_right_arithmetic3A_499 : i32 to vector<16xi32>
            %shift_right_arithmetic3A_501 = arith.shrsi %bitcast_convert_type3A_498, %shift_right_arithmetic3A_500 : vector<16xi32>
            %sub3A_502 = arith.constant 1597463007 : i32
            %sub3A_503 = vector.broadcast %sub3A_502 : i32 to vector<16xi32>
            %sub3A_504 = arith.subi %sub3A_503, %shift_right_arithmetic3A_501 : vector<16xi32>
            %bitcast_convert_type3A_505 = tpu.bitcast %sub3A_504 : vector<16xi32> -> vector<16xf32>
            %mul3A_506 = arith.constant 5.000000e-01 : f32
            %mul3A_507 = vector.broadcast %mul3A_506 : f32 to vector<16xf32>
            %mul3A_508 = arith.mulf %mul3A_497, %mul3A_507 : vector<16xf32>
            %mul3A_509 = arith.mulf %mul3A_508, %bitcast_convert_type3A_505 : vector<16xf32>
            %mul3A_510 = arith.mulf %mul3A_509, %bitcast_convert_type3A_505 : vector<16xf32>
            %sub3A_511 = arith.constant 1.500000e+00 : f32
            %sub3A_512 = vector.broadcast %sub3A_511 : f32 to vector<16xf32>
            %sub3A_513 = arith.subf %sub3A_512, %mul3A_510 : vector<16xf32>
            %mul3A_514 = arith.mulf %bitcast_convert_type3A_505, %sub3A_513 : vector<16xf32>
            %mul3A_515 = arith.mulf %mul3A_508, %mul3A_514 : vector<16xf32>
            %mul3A_516 = arith.mulf %mul3A_515, %mul3A_514 : vector<16xf32>
            %sub3A_517 = arith.constant 1.500000e+00 : f32
            %sub3A_518 = vector.broadcast %sub3A_517 : f32 to vector<16xf32>
            %sub3A_519 = arith.subf %sub3A_518, %mul3A_516 : vector<16xf32>
            %mul3A_520 = arith.mulf %mul3A_514, %sub3A_519 : vector<16xf32>
            %mul3A_521 = arith.mulf %mul3A_497, %mul3A_520 : vector<16xf32>
            %add3A_522 = arith.addf %add3A_476, %add3A_496 : vector<16xf32>
            %mul3A_523 = arith.constant 2.000000e+00 : f32
            %mul3A_524 = vector.broadcast %mul3A_523 : f32 to vector<16xf32>
            %mul3A_525 = arith.mulf %mul3A_524, %mul3A_521 : vector<16xf32>
            %sub3A_526 = arith.subf %add3A_522, %mul3A_525 : vector<16xf32>
            %lt3A_527 = arith.constant 5.760000e+00 : f32
            %lt3A_528 = vector.broadcast %lt3A_527 : f32 to vector<16xf32>
            %lt3A_529 = arith.cmpf olt, %add3A_496, %lt3A_528 : vector<16xf32>
            %jit3A_530 = arith.constant 1.000000e+00 : f32
            %jit3A_531 = arith.constant 0.000000e+00 : f32
            %broadcast_in_dim3A_532 = vector.broadcast %jit3A_530 : f32 to vector<16xf32>
            %broadcast_in_dim3A_533 = vector.broadcast %jit3A_531 : f32 to vector<16xf32>
            %select_n3A_534 = arith.select %lt3A_529, %broadcast_in_dim3A_532, %broadcast_in_dim3A_533 : vector<16xi1>, vector<16xf32>
            %mul3A_535 = arith.mulf %sub3A_526, %select_n3A_534 : vector<16xf32>
            %add3A_536 = arith.addf %while3A_263, %mul3A_535 : vector<16xf32>
            %add3A_537 = arith.addf %while3A_264, %select_n3A_534 : vector<16xf32>
            %mul3A_538 = arith.constant 8 : i32
            %mul3A_539 = arith.muli %while3A_258, %mul3A_538 : i32
            %add3A_540 = arith.constant 3 : i32
            %add3A_541 = arith.addi %mul3A_539, %add3A_540 : i32
            %mul3A_542 = arith.constant 16 : i32
            %mul3A_543 = arith.muli %add3A_541, %mul3A_542 : i32
            %get3A_544 = arith.index_cast %mul3A_543 : i32 to index
            %get3A_545 = tpu.vector_load %arg15[%get3A_544] {strides = array<i32>} : memref<4224xi32, #tpu.memory_space<vmem>>, vector<16xi32>,
            %gather3A_546 = arith.constant 0 : i32
            %gather3A_547 = tpu.memref_slice %arg13[%gather3A_546] : memref<24672xf32, #tpu.memory_space<vmem>> -> memref<4112xf32, #tpu.memory_space<vmem>>
            %gather3A_548 = tpu.vector_load_idx %gather3A_547[%get3A_545] : memref<4112xf32, #tpu.memory_space<vmem>>[vector<16xi32>], vector<16xf32>,
            %sub3A_549 = vector.broadcast %squeeze3A_191 : f32 to vector<16xf32>
            %sub3A_550 = arith.subf %gather3A_548, %sub3A_549 : vector<16xf32>
            %gather3A_551 = arith.constant 4112 : i32
            %gather3A_552 = tpu.memref_slice %arg13[%gather3A_551] : memref<24672xf32, #tpu.memory_space<vmem>> -> memref<4112xf32, #tpu.memory_space<vmem>>
            %gather3A_553 = tpu.vector_load_idx %gather3A_552[%get3A_545] : memref<4112xf32, #tpu.memory_space<vmem>>[vector<16xi32>], vector<16xf32>,
            %sub3A_554 = vector.broadcast %squeeze3A_197 : f32 to vector<16xf32>
            %sub3A_555 = arith.subf %gather3A_553, %sub3A_554 : vector<16xf32>
            %gather3A_556 = arith.constant 8224 : i32
            %gather3A_557 = tpu.memref_slice %arg13[%gather3A_556] : memref<24672xf32, #tpu.memory_space<vmem>> -> memref<4112xf32, #tpu.memory_space<vmem>>
            %gather3A_558 = tpu.vector_load_idx %gather3A_557[%get3A_545] : memref<4112xf32, #tpu.memory_space<vmem>>[vector<16xi32>], vector<16xf32>,
            %sub3A_559 = vector.broadcast %squeeze3A_203 : f32 to vector<16xf32>
            %sub3A_560 = arith.subf %gather3A_558, %sub3A_559 : vector<16xf32>
            %mul3A_561 = arith.mulf %sub3A_550, %sub3A_550 : vector<16xf32>
            %mul3A_562 = arith.mulf %sub3A_555, %sub3A_555 : vector<16xf32>
            %add3A_563 = arith.addf %mul3A_561, %mul3A_562 : vector<16xf32>
            %mul3A_564 = arith.mulf %sub3A_560, %sub3A_560 : vector<16xf32>
            %add3A_565 = arith.addf %add3A_563, %mul3A_564 : vector<16xf32>
            %gather3A_566 = arith.constant 12336 : i32
            %gather3A_567 = tpu.memref_slice %arg13[%gather3A_566] : memref<24672xf32, #tpu.memory_space<vmem>> -> memref<4112xf32, #tpu.memory_space<vmem>>
            %gather3A_568 = tpu.vector_load_idx %gather3A_567[%get3A_545] : memref<4112xf32, #tpu.memory_space<vmem>>[vector<16xi32>], vector<16xf32>,
            %sub3A_569 = vector.broadcast %squeeze3A_209 : f32 to vector<16xf32>
            %sub3A_570 = arith.subf %gather3A_568, %sub3A_569 : vector<16xf32>
            %gather3A_571 = arith.constant 16448 : i32
            %gather3A_572 = tpu.memref_slice %arg13[%gather3A_571] : memref<24672xf32, #tpu.memory_space<vmem>> -> memref<4112xf32, #tpu.memory_space<vmem>>
            %gather3A_573 = tpu.vector_load_idx %gather3A_572[%get3A_545] : memref<4112xf32, #tpu.memory_space<vmem>>[vector<16xi32>], vector<16xf32>,
            %sub3A_574 = vector.broadcast %squeeze3A_215 : f32 to vector<16xf32>
            %sub3A_575 = arith.subf %gather3A_573, %sub3A_574 : vector<16xf32>
            %gather3A_576 = arith.constant 20560 : i32
            %gather3A_577 = tpu.memref_slice %arg13[%gather3A_576] : memref<24672xf32, #tpu.memory_space<vmem>> -> memref<4112xf32, #tpu.memory_space<vmem>>
            %gather3A_578 = tpu.vector_load_idx %gather3A_577[%get3A_545] : memref<4112xf32, #tpu.memory_space<vmem>>[vector<16xi32>], vector<16xf32>,
            %sub3A_579 = vector.broadcast %squeeze3A_221 : f32 to vector<16xf32>
            %sub3A_580 = arith.subf %gather3A_578, %sub3A_579 : vector<16xf32>
            %mul3A_581 = arith.mulf %sub3A_570, %sub3A_570 : vector<16xf32>
            %mul3A_582 = arith.mulf %sub3A_575, %sub3A_575 : vector<16xf32>
            %add3A_583 = arith.addf %mul3A_581, %mul3A_582 : vector<16xf32>
            %mul3A_584 = arith.mulf %sub3A_580, %sub3A_580 : vector<16xf32>
            %add3A_585 = arith.addf %add3A_583, %mul3A_584 : vector<16xf32>
            %mul3A_586 = arith.mulf %add3A_565, %add3A_585 : vector<16xf32>
            %bitcast_convert_type3A_587 = tpu.bitcast %mul3A_586 : vector<16xf32> -> vector<16xi32>
            %shift_right_arithmetic3A_588 = arith.constant 1 : i32
            %shift_right_arithmetic3A_589 = vector.broadcast %shift_right_arithmetic3A_588 : i32 to vector<16xi32>
            %shift_right_arithmetic3A_590 = arith.shrsi %bitcast_convert_type3A_587, %shift_right_arithmetic3A_589 : vector<16xi32>
            %sub3A_591 = arith.constant 1597463007 : i32
            %sub3A_592 = vector.broadcast %sub3A_591 : i32 to vector<16xi32>
            %sub3A_593 = arith.subi %sub3A_592, %shift_right_arithmetic3A_590 : vector<16xi32>
            %bitcast_convert_type3A_594 = tpu.bitcast %sub3A_593 : vector<16xi32> -> vector<16xf32>
            %mul3A_595 = arith.constant 5.000000e-01 : f32
            %mul3A_596 = vector.broadcast %mul3A_595 : f32 to vector<16xf32>
            %mul3A_597 = arith.mulf %mul3A_586, %mul3A_596 : vector<16xf32>
            %mul3A_598 = arith.mulf %mul3A_597, %bitcast_convert_type3A_594 : vector<16xf32>
            %mul3A_599 = arith.mulf %mul3A_598, %bitcast_convert_type3A_594 : vector<16xf32>
            %sub3A_600 = arith.constant 1.500000e+00 : f32
            %sub3A_601 = vector.broadcast %sub3A_600 : f32 to vector<16xf32>
            %sub3A_602 = arith.subf %sub3A_601, %mul3A_599 : vector<16xf32>
            %mul3A_603 = arith.mulf %bitcast_convert_type3A_594, %sub3A_602 : vector<16xf32>
            %mul3A_604 = arith.mulf %mul3A_597, %mul3A_603 : vector<16xf32>
            %mul3A_605 = arith.mulf %mul3A_604, %mul3A_603 : vector<16xf32>
            %sub3A_606 = arith.constant 1.500000e+00 : f32
            %sub3A_607 = vector.broadcast %sub3A_606 : f32 to vector<16xf32>
            %sub3A_608 = arith.subf %sub3A_607, %mul3A_605 : vector<16xf32>
            %mul3A_609 = arith.mulf %mul3A_603, %sub3A_608 : vector<16xf32>
            %mul3A_610 = arith.mulf %mul3A_586, %mul3A_609 : vector<16xf32>
            %add3A_611 = arith.addf %add3A_565, %add3A_585 : vector<16xf32>
            %mul3A_612 = arith.constant 2.000000e+00 : f32
            %mul3A_613 = vector.broadcast %mul3A_612 : f32 to vector<16xf32>
            %mul3A_614 = arith.mulf %mul3A_613, %mul3A_610 : vector<16xf32>
            %sub3A_615 = arith.subf %add3A_611, %mul3A_614 : vector<16xf32>
            %lt3A_616 = arith.constant 5.760000e+00 : f32
            %lt3A_617 = vector.broadcast %lt3A_616 : f32 to vector<16xf32>
            %lt3A_618 = arith.cmpf olt, %add3A_585, %lt3A_617 : vector<16xf32>
            %jit3A_619 = arith.constant 1.000000e+00 : f32
            %jit3A_620 = arith.constant 0.000000e+00 : f32
            %broadcast_in_dim3A_621 = vector.broadcast %jit3A_619 : f32 to vector<16xf32>
            %broadcast_in_dim3A_622 = vector.broadcast %jit3A_620 : f32 to vector<16xf32>
            %select_n3A_623 = arith.select %lt3A_618, %broadcast_in_dim3A_621, %broadcast_in_dim3A_622 : vector<16xi1>, vector<16xf32>
            %mul3A_624 = arith.mulf %sub3A_615, %select_n3A_623 : vector<16xf32>
            %add3A_625 = arith.addf %while3A_265, %mul3A_624 : vector<16xf32>
            %add3A_626 = arith.addf %while3A_266, %select_n3A_623 : vector<16xf32>
            %mul3A_627 = arith.constant 8 : i32
            %mul3A_628 = arith.muli %while3A_258, %mul3A_627 : i32
            %add3A_629 = arith.constant 4 : i32
            %add3A_630 = arith.addi %mul3A_628, %add3A_629 : i32
            %mul3A_631 = arith.constant 16 : i32
            %mul3A_632 = arith.muli %add3A_630, %mul3A_631 : i32
            %get3A_633 = arith.index_cast %mul3A_632 : i32 to index
            %get3A_634 = tpu.vector_load %arg15[%get3A_633] {strides = array<i32>} : memref<4224xi32, #tpu.memory_space<vmem>>, vector<16xi32>,
            %gather3A_635 = arith.constant 0 : i32
            %gather3A_636 = tpu.memref_slice %arg13[%gather3A_635] : memref<24672xf32, #tpu.memory_space<vmem>> -> memref<4112xf32, #tpu.memory_space<vmem>>
            %gather3A_637 = tpu.vector_load_idx %gather3A_636[%get3A_634] : memref<4112xf32, #tpu.memory_space<vmem>>[vector<16xi32>], vector<16xf32>,
            %sub3A_638 = vector.broadcast %squeeze3A_191 : f32 to vector<16xf32>
            %sub3A_639 = arith.subf %gather3A_637, %sub3A_638 : vector<16xf32>
            %gather3A_640 = arith.constant 4112 : i32
            %gather3A_641 = tpu.memref_slice %arg13[%gather3A_640] : memref<24672xf32, #tpu.memory_space<vmem>> -> memref<4112xf32, #tpu.memory_space<vmem>>
            %gather3A_642 = tpu.vector_load_idx %gather3A_641[%get3A_634] : memref<4112xf32, #tpu.memory_space<vmem>>[vector<16xi32>], vector<16xf32>,
            %sub3A_643 = vector.broadcast %squeeze3A_197 : f32 to vector<16xf32>
            %sub3A_644 = arith.subf %gather3A_642, %sub3A_643 : vector<16xf32>
            %gather3A_645 = arith.constant 8224 : i32
            %gather3A_646 = tpu.memref_slice %arg13[%gather3A_645] : memref<24672xf32, #tpu.memory_space<vmem>> -> memref<4112xf32, #tpu.memory_space<vmem>>
            %gather3A_647 = tpu.vector_load_idx %gather3A_646[%get3A_634] : memref<4112xf32, #tpu.memory_space<vmem>>[vector<16xi32>], vector<16xf32>,
            %sub3A_648 = vector.broadcast %squeeze3A_203 : f32 to vector<16xf32>
            %sub3A_649 = arith.subf %gather3A_647, %sub3A_648 : vector<16xf32>
            %mul3A_650 = arith.mulf %sub3A_639, %sub3A_639 : vector<16xf32>
            %mul3A_651 = arith.mulf %sub3A_644, %sub3A_644 : vector<16xf32>
            %add3A_652 = arith.addf %mul3A_650, %mul3A_651 : vector<16xf32>
            %mul3A_653 = arith.mulf %sub3A_649, %sub3A_649 : vector<16xf32>
            %add3A_654 = arith.addf %add3A_652, %mul3A_653 : vector<16xf32>
            %gather3A_655 = arith.constant 12336 : i32
            %gather3A_656 = tpu.memref_slice %arg13[%gather3A_655] : memref<24672xf32, #tpu.memory_space<vmem>> -> memref<4112xf32, #tpu.memory_space<vmem>>
            %gather3A_657 = tpu.vector_load_idx %gather3A_656[%get3A_634] : memref<4112xf32, #tpu.memory_space<vmem>>[vector<16xi32>], vector<16xf32>,
            %sub3A_658 = vector.broadcast %squeeze3A_209 : f32 to vector<16xf32>
            %sub3A_659 = arith.subf %gather3A_657, %sub3A_658 : vector<16xf32>
            %gather3A_660 = arith.constant 16448 : i32
            %gather3A_661 = tpu.memref_slice %arg13[%gather3A_660] : memref<24672xf32, #tpu.memory_space<vmem>> -> memref<4112xf32, #tpu.memory_space<vmem>>
            %gather3A_662 = tpu.vector_load_idx %gather3A_661[%get3A_634] : memref<4112xf32, #tpu.memory_space<vmem>>[vector<16xi32>], vector<16xf32>,
            %sub3A_663 = vector.broadcast %squeeze3A_215 : f32 to vector<16xf32>
            %sub3A_664 = arith.subf %gather3A_662, %sub3A_663 : vector<16xf32>
            %gather3A_665 = arith.constant 20560 : i32
            %gather3A_666 = tpu.memref_slice %arg13[%gather3A_665] : memref<24672xf32, #tpu.memory_space<vmem>> -> memref<4112xf32, #tpu.memory_space<vmem>>
            %gather3A_667 = tpu.vector_load_idx %gather3A_666[%get3A_634] : memref<4112xf32, #tpu.memory_space<vmem>>[vector<16xi32>], vector<16xf32>,
            %sub3A_668 = vector.broadcast %squeeze3A_221 : f32 to vector<16xf32>
            %sub3A_669 = arith.subf %gather3A_667, %sub3A_668 : vector<16xf32>
            %mul3A_670 = arith.mulf %sub3A_659, %sub3A_659 : vector<16xf32>
            %mul3A_671 = arith.mulf %sub3A_664, %sub3A_664 : vector<16xf32>
            %add3A_672 = arith.addf %mul3A_670, %mul3A_671 : vector<16xf32>
            %mul3A_673 = arith.mulf %sub3A_669, %sub3A_669 : vector<16xf32>
            %add3A_674 = arith.addf %add3A_672, %mul3A_673 : vector<16xf32>
            %mul3A_675 = arith.mulf %add3A_654, %add3A_674 : vector<16xf32>
            %bitcast_convert_type3A_676 = tpu.bitcast %mul3A_675 : vector<16xf32> -> vector<16xi32>
            %shift_right_arithmetic3A_677 = arith.constant 1 : i32
            %shift_right_arithmetic3A_678 = vector.broadcast %shift_right_arithmetic3A_677 : i32 to vector<16xi32>
            %shift_right_arithmetic3A_679 = arith.shrsi %bitcast_convert_type3A_676, %shift_right_arithmetic3A_678 : vector<16xi32>
            %sub3A_680 = arith.constant 1597463007 : i32
            %sub3A_681 = vector.broadcast %sub3A_680 : i32 to vector<16xi32>
            %sub3A_682 = arith.subi %sub3A_681, %shift_right_arithmetic3A_679 : vector<16xi32>
            %bitcast_convert_type3A_683 = tpu.bitcast %sub3A_682 : vector<16xi32> -> vector<16xf32>
            %mul3A_684 = arith.constant 5.000000e-01 : f32
            %mul3A_685 = vector.broadcast %mul3A_684 : f32 to vector<16xf32>
            %mul3A_686 = arith.mulf %mul3A_675, %mul3A_685 : vector<16xf32>
            %mul3A_687 = arith.mulf %mul3A_686, %bitcast_convert_type3A_683 : vector<16xf32>
            %mul3A_688 = arith.mulf %mul3A_687, %bitcast_convert_type3A_683 : vector<16xf32>
            %sub3A_689 = arith.constant 1.500000e+00 : f32
            %sub3A_690 = vector.broadcast %sub3A_689 : f32 to vector<16xf32>
            %sub3A_691 = arith.subf %sub3A_690, %mul3A_688 : vector<16xf32>
            %mul3A_692 = arith.mulf %bitcast_convert_type3A_683, %sub3A_691 : vector<16xf32>
            %mul3A_693 = arith.mulf %mul3A_686, %mul3A_692 : vector<16xf32>
            %mul3A_694 = arith.mulf %mul3A_693, %mul3A_692 : vector<16xf32>
            %sub3A_695 = arith.constant 1.500000e+00 : f32
            %sub3A_696 = vector.broadcast %sub3A_695 : f32 to vector<16xf32>
            %sub3A_697 = arith.subf %sub3A_696, %mul3A_694 : vector<16xf32>
            %mul3A_698 = arith.mulf %mul3A_692, %sub3A_697 : vector<16xf32>
            %mul3A_699 = arith.mulf %mul3A_675, %mul3A_698 : vector<16xf32>
            %add3A_700 = arith.addf %add3A_654, %add3A_674 : vector<16xf32>
            %mul3A_701 = arith.constant 2.000000e+00 : f32
            %mul3A_702 = vector.broadcast %mul3A_701 : f32 to vector<16xf32>
            %mul3A_703 = arith.mulf %mul3A_702, %mul3A_699 : vector<16xf32>
            %sub3A_704 = arith.subf %add3A_700, %mul3A_703 : vector<16xf32>
            %lt3A_705 = arith.constant 5.760000e+00 : f32
            %lt3A_706 = vector.broadcast %lt3A_705 : f32 to vector<16xf32>
            %lt3A_707 = arith.cmpf olt, %add3A_674, %lt3A_706 : vector<16xf32>
            %jit3A_708 = arith.constant 1.000000e+00 : f32
            %jit3A_709 = arith.constant 0.000000e+00 : f32
            %broadcast_in_dim3A_710 = vector.broadcast %jit3A_708 : f32 to vector<16xf32>
            %broadcast_in_dim3A_711 = vector.broadcast %jit3A_709 : f32 to vector<16xf32>
            %select_n3A_712 = arith.select %lt3A_707, %broadcast_in_dim3A_710, %broadcast_in_dim3A_711 : vector<16xi1>, vector<16xf32>
            %mul3A_713 = arith.mulf %sub3A_704, %select_n3A_712 : vector<16xf32>
            %add3A_714 = arith.addf %while3A_267, %mul3A_713 : vector<16xf32>
            %add3A_715 = arith.addf %while3A_268, %select_n3A_712 : vector<16xf32>
            %mul3A_716 = arith.constant 8 : i32
            %mul3A_717 = arith.muli %while3A_258, %mul3A_716 : i32
            %add3A_718 = arith.constant 5 : i32
            %add3A_719 = arith.addi %mul3A_717, %add3A_718 : i32
            %mul3A_720 = arith.constant 16 : i32
            %mul3A_721 = arith.muli %add3A_719, %mul3A_720 : i32
            %get3A_722 = arith.index_cast %mul3A_721 : i32 to index
            %get3A_723 = tpu.vector_load %arg15[%get3A_722] {strides = array<i32>} : memref<4224xi32, #tpu.memory_space<vmem>>, vector<16xi32>,
            %gather3A_724 = arith.constant 0 : i32
            %gather3A_725 = tpu.memref_slice %arg13[%gather3A_724] : memref<24672xf32, #tpu.memory_space<vmem>> -> memref<4112xf32, #tpu.memory_space<vmem>>
            %gather3A_726 = tpu.vector_load_idx %gather3A_725[%get3A_723] : memref<4112xf32, #tpu.memory_space<vmem>>[vector<16xi32>], vector<16xf32>,
            %sub3A_727 = vector.broadcast %squeeze3A_191 : f32 to vector<16xf32>
            %sub3A_728 = arith.subf %gather3A_726, %sub3A_727 : vector<16xf32>
            %gather3A_729 = arith.constant 4112 : i32
            %gather3A_730 = tpu.memref_slice %arg13[%gather3A_729] : memref<24672xf32, #tpu.memory_space<vmem>> -> memref<4112xf32, #tpu.memory_space<vmem>>
            %gather3A_731 = tpu.vector_load_idx %gather3A_730[%get3A_723] : memref<4112xf32, #tpu.memory_space<vmem>>[vector<16xi32>], vector<16xf32>,
            %sub3A_732 = vector.broadcast %squeeze3A_197 : f32 to vector<16xf32>
            %sub3A_733 = arith.subf %gather3A_731, %sub3A_732 : vector<16xf32>
            %gather3A_734 = arith.constant 8224 : i32
            %gather3A_735 = tpu.memref_slice %arg13[%gather3A_734] : memref<24672xf32, #tpu.memory_space<vmem>> -> memref<4112xf32, #tpu.memory_space<vmem>>
            %gather3A_736 = tpu.vector_load_idx %gather3A_735[%get3A_723] : memref<4112xf32, #tpu.memory_space<vmem>>[vector<16xi32>], vector<16xf32>,
            %sub3A_737 = vector.broadcast %squeeze3A_203 : f32 to vector<16xf32>
            %sub3A_738 = arith.subf %gather3A_736, %sub3A_737 : vector<16xf32>
            %mul3A_739 = arith.mulf %sub3A_728, %sub3A_728 : vector<16xf32>
            %mul3A_740 = arith.mulf %sub3A_733, %sub3A_733 : vector<16xf32>
            %add3A_741 = arith.addf %mul3A_739, %mul3A_740 : vector<16xf32>
            %mul3A_742 = arith.mulf %sub3A_738, %sub3A_738 : vector<16xf32>
            %add3A_743 = arith.addf %add3A_741, %mul3A_742 : vector<16xf32>
            %gather3A_744 = arith.constant 12336 : i32
            %gather3A_745 = tpu.memref_slice %arg13[%gather3A_744] : memref<24672xf32, #tpu.memory_space<vmem>> -> memref<4112xf32, #tpu.memory_space<vmem>>
            %gather3A_746 = tpu.vector_load_idx %gather3A_745[%get3A_723] : memref<4112xf32, #tpu.memory_space<vmem>>[vector<16xi32>], vector<16xf32>,
            %sub3A_747 = vector.broadcast %squeeze3A_209 : f32 to vector<16xf32>
            %sub3A_748 = arith.subf %gather3A_746, %sub3A_747 : vector<16xf32>
            %gather3A_749 = arith.constant 16448 : i32
            %gather3A_750 = tpu.memref_slice %arg13[%gather3A_749] : memref<24672xf32, #tpu.memory_space<vmem>> -> memref<4112xf32, #tpu.memory_space<vmem>>
            %gather3A_751 = tpu.vector_load_idx %gather3A_750[%get3A_723] : memref<4112xf32, #tpu.memory_space<vmem>>[vector<16xi32>], vector<16xf32>,
            %sub3A_752 = vector.broadcast %squeeze3A_215 : f32 to vector<16xf32>
            %sub3A_753 = arith.subf %gather3A_751, %sub3A_752 : vector<16xf32>
            %gather3A_754 = arith.constant 20560 : i32
            %gather3A_755 = tpu.memref_slice %arg13[%gather3A_754] : memref<24672xf32, #tpu.memory_space<vmem>> -> memref<4112xf32, #tpu.memory_space<vmem>>
            %gather3A_756 = tpu.vector_load_idx %gather3A_755[%get3A_723] : memref<4112xf32, #tpu.memory_space<vmem>>[vector<16xi32>], vector<16xf32>,
            %sub3A_757 = vector.broadcast %squeeze3A_221 : f32 to vector<16xf32>
            %sub3A_758 = arith.subf %gather3A_756, %sub3A_757 : vector<16xf32>
            %mul3A_759 = arith.mulf %sub3A_748, %sub3A_748 : vector<16xf32>
            %mul3A_760 = arith.mulf %sub3A_753, %sub3A_753 : vector<16xf32>
            %add3A_761 = arith.addf %mul3A_759, %mul3A_760 : vector<16xf32>
            %mul3A_762 = arith.mulf %sub3A_758, %sub3A_758 : vector<16xf32>
            %add3A_763 = arith.addf %add3A_761, %mul3A_762 : vector<16xf32>
            %mul3A_764 = arith.mulf %add3A_743, %add3A_763 : vector<16xf32>
            %bitcast_convert_type3A_765 = tpu.bitcast %mul3A_764 : vector<16xf32> -> vector<16xi32>
            %shift_right_arithmetic3A_766 = arith.constant 1 : i32
            %shift_right_arithmetic3A_767 = vector.broadcast %shift_right_arithmetic3A_766 : i32 to vector<16xi32>
            %shift_right_arithmetic3A_768 = arith.shrsi %bitcast_convert_type3A_765, %shift_right_arithmetic3A_767 : vector<16xi32>
            %sub3A_769 = arith.constant 1597463007 : i32
            %sub3A_770 = vector.broadcast %sub3A_769 : i32 to vector<16xi32>
            %sub3A_771 = arith.subi %sub3A_770, %shift_right_arithmetic3A_768 : vector<16xi32>
            %bitcast_convert_type3A_772 = tpu.bitcast %sub3A_771 : vector<16xi32> -> vector<16xf32>
            %mul3A_773 = arith.constant 5.000000e-01 : f32
            %mul3A_774 = vector.broadcast %mul3A_773 : f32 to vector<16xf32>
            %mul3A_775 = arith.mulf %mul3A_764, %mul3A_774 : vector<16xf32>
            %mul3A_776 = arith.mulf %mul3A_775, %bitcast_convert_type3A_772 : vector<16xf32>
            %mul3A_777 = arith.mulf %mul3A_776, %bitcast_convert_type3A_772 : vector<16xf32>
            %sub3A_778 = arith.constant 1.500000e+00 : f32
            %sub3A_779 = vector.broadcast %sub3A_778 : f32 to vector<16xf32>
            %sub3A_780 = arith.subf %sub3A_779, %mul3A_777 : vector<16xf32>
            %mul3A_781 = arith.mulf %bitcast_convert_type3A_772, %sub3A_780 : vector<16xf32>
            %mul3A_782 = arith.mulf %mul3A_775, %mul3A_781 : vector<16xf32>
            %mul3A_783 = arith.mulf %mul3A_782, %mul3A_781 : vector<16xf32>
            %sub3A_784 = arith.constant 1.500000e+00 : f32
            %sub3A_785 = vector.broadcast %sub3A_784 : f32 to vector<16xf32>
            %sub3A_786 = arith.subf %sub3A_785, %mul3A_783 : vector<16xf32>
            %mul3A_787 = arith.mulf %mul3A_781, %sub3A_786 : vector<16xf32>
            %mul3A_788 = arith.mulf %mul3A_764, %mul3A_787 : vector<16xf32>
            %add3A_789 = arith.addf %add3A_743, %add3A_763 : vector<16xf32>
            %mul3A_790 = arith.constant 2.000000e+00 : f32
            %mul3A_791 = vector.broadcast %mul3A_790 : f32 to vector<16xf32>
            %mul3A_792 = arith.mulf %mul3A_791, %mul3A_788 : vector<16xf32>
            %sub3A_793 = arith.subf %add3A_789, %mul3A_792 : vector<16xf32>
            %lt3A_794 = arith.constant 5.760000e+00 : f32
            %lt3A_795 = vector.broadcast %lt3A_794 : f32 to vector<16xf32>
            %lt3A_796 = arith.cmpf olt, %add3A_763, %lt3A_795 : vector<16xf32>
            %jit3A_797 = arith.constant 1.000000e+00 : f32
            %jit3A_798 = arith.constant 0.000000e+00 : f32
            %broadcast_in_dim3A_799 = vector.broadcast %jit3A_797 : f32 to vector<16xf32>
            %broadcast_in_dim3A_800 = vector.broadcast %jit3A_798 : f32 to vector<16xf32>
            %select_n3A_801 = arith.select %lt3A_796, %broadcast_in_dim3A_799, %broadcast_in_dim3A_800 : vector<16xi1>, vector<16xf32>
            %mul3A_802 = arith.mulf %sub3A_793, %select_n3A_801 : vector<16xf32>
            %add3A_803 = arith.addf %while3A_269, %mul3A_802 : vector<16xf32>
            %add3A_804 = arith.addf %while3A_270, %select_n3A_801 : vector<16xf32>
            %mul3A_805 = arith.constant 8 : i32
            %mul3A_806 = arith.muli %while3A_258, %mul3A_805 : i32
            %add3A_807 = arith.constant 6 : i32
            %add3A_808 = arith.addi %mul3A_806, %add3A_807 : i32
            %mul3A_809 = arith.constant 16 : i32
            %mul3A_810 = arith.muli %add3A_808, %mul3A_809 : i32
            %get3A_811 = arith.index_cast %mul3A_810 : i32 to index
            %get3A_812 = tpu.vector_load %arg15[%get3A_811] {strides = array<i32>} : memref<4224xi32, #tpu.memory_space<vmem>>, vector<16xi32>,
            %gather3A_813 = arith.constant 0 : i32
            %gather3A_814 = tpu.memref_slice %arg13[%gather3A_813] : memref<24672xf32, #tpu.memory_space<vmem>> -> memref<4112xf32, #tpu.memory_space<vmem>>
            %gather3A_815 = tpu.vector_load_idx %gather3A_814[%get3A_812] : memref<4112xf32, #tpu.memory_space<vmem>>[vector<16xi32>], vector<16xf32>,
            %sub3A_816 = vector.broadcast %squeeze3A_191 : f32 to vector<16xf32>
            %sub3A_817 = arith.subf %gather3A_815, %sub3A_816 : vector<16xf32>
            %gather3A_818 = arith.constant 4112 : i32
            %gather3A_819 = tpu.memref_slice %arg13[%gather3A_818] : memref<24672xf32, #tpu.memory_space<vmem>> -> memref<4112xf32, #tpu.memory_space<vmem>>
            %gather3A_820 = tpu.vector_load_idx %gather3A_819[%get3A_812] : memref<4112xf32, #tpu.memory_space<vmem>>[vector<16xi32>], vector<16xf32>,
            %sub3A_821 = vector.broadcast %squeeze3A_197 : f32 to vector<16xf32>
            %sub3A_822 = arith.subf %gather3A_820, %sub3A_821 : vector<16xf32>
            %gather3A_823 = arith.constant 8224 : i32
            %gather3A_824 = tpu.memref_slice %arg13[%gather3A_823] : memref<24672xf32, #tpu.memory_space<vmem>> -> memref<4112xf32, #tpu.memory_space<vmem>>
            %gather3A_825 = tpu.vector_load_idx %gather3A_824[%get3A_812] : memref<4112xf32, #tpu.memory_space<vmem>>[vector<16xi32>], vector<16xf32>,
            %sub3A_826 = vector.broadcast %squeeze3A_203 : f32 to vector<16xf32>
            %sub3A_827 = arith.subf %gather3A_825, %sub3A_826 : vector<16xf32>
            %mul3A_828 = arith.mulf %sub3A_817, %sub3A_817 : vector<16xf32>
            %mul3A_829 = arith.mulf %sub3A_822, %sub3A_822 : vector<16xf32>
            %add3A_830 = arith.addf %mul3A_828, %mul3A_829 : vector<16xf32>
            %mul3A_831 = arith.mulf %sub3A_827, %sub3A_827 : vector<16xf32>
            %add3A_832 = arith.addf %add3A_830, %mul3A_831 : vector<16xf32>
            %gather3A_833 = arith.constant 12336 : i32
            %gather3A_834 = tpu.memref_slice %arg13[%gather3A_833] : memref<24672xf32, #tpu.memory_space<vmem>> -> memref<4112xf32, #tpu.memory_space<vmem>>
            %gather3A_835 = tpu.vector_load_idx %gather3A_834[%get3A_812] : memref<4112xf32, #tpu.memory_space<vmem>>[vector<16xi32>], vector<16xf32>,
            %sub3A_836 = vector.broadcast %squeeze3A_209 : f32 to vector<16xf32>
            %sub3A_837 = arith.subf %gather3A_835, %sub3A_836 : vector<16xf32>
            %gather3A_838 = arith.constant 16448 : i32
            %gather3A_839 = tpu.memref_slice %arg13[%gather3A_838] : memref<24672xf32, #tpu.memory_space<vmem>> -> memref<4112xf32, #tpu.memory_space<vmem>>
            %gather3A_840 = tpu.vector_load_idx %gather3A_839[%get3A_812] : memref<4112xf32, #tpu.memory_space<vmem>>[vector<16xi32>], vector<16xf32>,
            %sub3A_841 = vector.broadcast %squeeze3A_215 : f32 to vector<16xf32>
            %sub3A_842 = arith.subf %gather3A_840, %sub3A_841 : vector<16xf32>
            %gather3A_843 = arith.constant 20560 : i32
            %gather3A_844 = tpu.memref_slice %arg13[%gather3A_843] : memref<24672xf32, #tpu.memory_space<vmem>> -> memref<4112xf32, #tpu.memory_space<vmem>>
            %gather3A_845 = tpu.vector_load_idx %gather3A_844[%get3A_812] : memref<4112xf32, #tpu.memory_space<vmem>>[vector<16xi32>], vector<16xf32>,
            %sub3A_846 = vector.broadcast %squeeze3A_221 : f32 to vector<16xf32>
            %sub3A_847 = arith.subf %gather3A_845, %sub3A_846 : vector<16xf32>
            %mul3A_848 = arith.mulf %sub3A_837, %sub3A_837 : vector<16xf32>
            %mul3A_849 = arith.mulf %sub3A_842, %sub3A_842 : vector<16xf32>
            %add3A_850 = arith.addf %mul3A_848, %mul3A_849 : vector<16xf32>
            %mul3A_851 = arith.mulf %sub3A_847, %sub3A_847 : vector<16xf32>
            %add3A_852 = arith.addf %add3A_850, %mul3A_851 : vector<16xf32>
            %mul3A_853 = arith.mulf %add3A_832, %add3A_852 : vector<16xf32>
            %bitcast_convert_type3A_854 = tpu.bitcast %mul3A_853 : vector<16xf32> -> vector<16xi32>
            %shift_right_arithmetic3A_855 = arith.constant 1 : i32
            %shift_right_arithmetic3A_856 = vector.broadcast %shift_right_arithmetic3A_855 : i32 to vector<16xi32>
            %shift_right_arithmetic3A_857 = arith.shrsi %bitcast_convert_type3A_854, %shift_right_arithmetic3A_856 : vector<16xi32>
            %sub3A_858 = arith.constant 1597463007 : i32
            %sub3A_859 = vector.broadcast %sub3A_858 : i32 to vector<16xi32>
            %sub3A_860 = arith.subi %sub3A_859, %shift_right_arithmetic3A_857 : vector<16xi32>
            %bitcast_convert_type3A_861 = tpu.bitcast %sub3A_860 : vector<16xi32> -> vector<16xf32>
            %mul3A_862 = arith.constant 5.000000e-01 : f32
            %mul3A_863 = vector.broadcast %mul3A_862 : f32 to vector<16xf32>
            %mul3A_864 = arith.mulf %mul3A_853, %mul3A_863 : vector<16xf32>
            %mul3A_865 = arith.mulf %mul3A_864, %bitcast_convert_type3A_861 : vector<16xf32>
            %mul3A_866 = arith.mulf %mul3A_865, %bitcast_convert_type3A_861 : vector<16xf32>
            %sub3A_867 = arith.constant 1.500000e+00 : f32
            %sub3A_868 = vector.broadcast %sub3A_867 : f32 to vector<16xf32>
            %sub3A_869 = arith.subf %sub3A_868, %mul3A_866 : vector<16xf32>
            %mul3A_870 = arith.mulf %bitcast_convert_type3A_861, %sub3A_869 : vector<16xf32>
            %mul3A_871 = arith.mulf %mul3A_864, %mul3A_870 : vector<16xf32>
            %mul3A_872 = arith.mulf %mul3A_871, %mul3A_870 : vector<16xf32>
            %sub3A_873 = arith.constant 1.500000e+00 : f32
            %sub3A_874 = vector.broadcast %sub3A_873 : f32 to vector<16xf32>
            %sub3A_875 = arith.subf %sub3A_874, %mul3A_872 : vector<16xf32>
            %mul3A_876 = arith.mulf %mul3A_870, %sub3A_875 : vector<16xf32>
            %mul3A_877 = arith.mulf %mul3A_853, %mul3A_876 : vector<16xf32>
            %add3A_878 = arith.addf %add3A_832, %add3A_852 : vector<16xf32>
            %mul3A_879 = arith.constant 2.000000e+00 : f32
            %mul3A_880 = vector.broadcast %mul3A_879 : f32 to vector<16xf32>
            %mul3A_881 = arith.mulf %mul3A_880, %mul3A_877 : vector<16xf32>
            %sub3A_882 = arith.subf %add3A_878, %mul3A_881 : vector<16xf32>
            %lt3A_883 = arith.constant 5.760000e+00 : f32
            %lt3A_884 = vector.broadcast %lt3A_883 : f32 to vector<16xf32>
            %lt3A_885 = arith.cmpf olt, %add3A_852, %lt3A_884 : vector<16xf32>
            %jit3A_886 = arith.constant 1.000000e+00 : f32
            %jit3A_887 = arith.constant 0.000000e+00 : f32
            %broadcast_in_dim3A_888 = vector.broadcast %jit3A_886 : f32 to vector<16xf32>
            %broadcast_in_dim3A_889 = vector.broadcast %jit3A_887 : f32 to vector<16xf32>
            %select_n3A_890 = arith.select %lt3A_885, %broadcast_in_dim3A_888, %broadcast_in_dim3A_889 : vector<16xi1>, vector<16xf32>
            %mul3A_891 = arith.mulf %sub3A_882, %select_n3A_890 : vector<16xf32>
            %add3A_892 = arith.addf %while3A_271, %mul3A_891 : vector<16xf32>
            %add3A_893 = arith.addf %while3A_272, %select_n3A_890 : vector<16xf32>
            %mul3A_894 = arith.constant 8 : i32
            %mul3A_895 = arith.muli %while3A_258, %mul3A_894 : i32
            %add3A_896 = arith.constant 7 : i32
            %add3A_897 = arith.addi %mul3A_895, %add3A_896 : i32
            %mul3A_898 = arith.constant 16 : i32
            %mul3A_899 = arith.muli %add3A_897, %mul3A_898 : i32
            %get3A_900 = arith.index_cast %mul3A_899 : i32 to index
            %get3A_901 = tpu.vector_load %arg15[%get3A_900] {strides = array<i32>} : memref<4224xi32, #tpu.memory_space<vmem>>, vector<16xi32>,
            %gather3A_902 = arith.constant 0 : i32
            %gather3A_903 = tpu.memref_slice %arg13[%gather3A_902] : memref<24672xf32, #tpu.memory_space<vmem>> -> memref<4112xf32, #tpu.memory_space<vmem>>
            %gather3A_904 = tpu.vector_load_idx %gather3A_903[%get3A_901] : memref<4112xf32, #tpu.memory_space<vmem>>[vector<16xi32>], vector<16xf32>,
            %sub3A_905 = vector.broadcast %squeeze3A_191 : f32 to vector<16xf32>
            %sub3A_906 = arith.subf %gather3A_904, %sub3A_905 : vector<16xf32>
            %gather3A_907 = arith.constant 4112 : i32
            %gather3A_908 = tpu.memref_slice %arg13[%gather3A_907] : memref<24672xf32, #tpu.memory_space<vmem>> -> memref<4112xf32, #tpu.memory_space<vmem>>
            %gather3A_909 = tpu.vector_load_idx %gather3A_908[%get3A_901] : memref<4112xf32, #tpu.memory_space<vmem>>[vector<16xi32>], vector<16xf32>,
            %sub3A_910 = vector.broadcast %squeeze3A_197 : f32 to vector<16xf32>
            %sub3A_911 = arith.subf %gather3A_909, %sub3A_910 : vector<16xf32>
            %gather3A_912 = arith.constant 8224 : i32
            %gather3A_913 = tpu.memref_slice %arg13[%gather3A_912] : memref<24672xf32, #tpu.memory_space<vmem>> -> memref<4112xf32, #tpu.memory_space<vmem>>
            %gather3A_914 = tpu.vector_load_idx %gather3A_913[%get3A_901] : memref<4112xf32, #tpu.memory_space<vmem>>[vector<16xi32>], vector<16xf32>,
            %sub3A_915 = vector.broadcast %squeeze3A_203 : f32 to vector<16xf32>
            %sub3A_916 = arith.subf %gather3A_914, %sub3A_915 : vector<16xf32>
            %mul3A_917 = arith.mulf %sub3A_906, %sub3A_906 : vector<16xf32>
            %mul3A_918 = arith.mulf %sub3A_911, %sub3A_911 : vector<16xf32>
            %add3A_919 = arith.addf %mul3A_917, %mul3A_918 : vector<16xf32>
            %mul3A_920 = arith.mulf %sub3A_916, %sub3A_916 : vector<16xf32>
            %add3A_921 = arith.addf %add3A_919, %mul3A_920 : vector<16xf32>
            %gather3A_922 = arith.constant 12336 : i32
            %gather3A_923 = tpu.memref_slice %arg13[%gather3A_922] : memref<24672xf32, #tpu.memory_space<vmem>> -> memref<4112xf32, #tpu.memory_space<vmem>>
            %gather3A_924 = tpu.vector_load_idx %gather3A_923[%get3A_901] : memref<4112xf32, #tpu.memory_space<vmem>>[vector<16xi32>], vector<16xf32>,
            %sub3A_925 = vector.broadcast %squeeze3A_209 : f32 to vector<16xf32>
            %sub3A_926 = arith.subf %gather3A_924, %sub3A_925 : vector<16xf32>
            %gather3A_927 = arith.constant 16448 : i32
            %gather3A_928 = tpu.memref_slice %arg13[%gather3A_927] : memref<24672xf32, #tpu.memory_space<vmem>> -> memref<4112xf32, #tpu.memory_space<vmem>>
            %gather3A_929 = tpu.vector_load_idx %gather3A_928[%get3A_901] : memref<4112xf32, #tpu.memory_space<vmem>>[vector<16xi32>], vector<16xf32>,
            %sub3A_930 = vector.broadcast %squeeze3A_215 : f32 to vector<16xf32>
            %sub3A_931 = arith.subf %gather3A_929, %sub3A_930 : vector<16xf32>
            %gather3A_932 = arith.constant 20560 : i32
            %gather3A_933 = tpu.memref_slice %arg13[%gather3A_932] : memref<24672xf32, #tpu.memory_space<vmem>> -> memref<4112xf32, #tpu.memory_space<vmem>>
            %gather3A_934 = tpu.vector_load_idx %gather3A_933[%get3A_901] : memref<4112xf32, #tpu.memory_space<vmem>>[vector<16xi32>], vector<16xf32>,
            %sub3A_935 = vector.broadcast %squeeze3A_221 : f32 to vector<16xf32>
            %sub3A_936 = arith.subf %gather3A_934, %sub3A_935 : vector<16xf32>
            %mul3A_937 = arith.mulf %sub3A_926, %sub3A_926 : vector<16xf32>
            %mul3A_938 = arith.mulf %sub3A_931, %sub3A_931 : vector<16xf32>
            %add3A_939 = arith.addf %mul3A_937, %mul3A_938 : vector<16xf32>
            %mul3A_940 = arith.mulf %sub3A_936, %sub3A_936 : vector<16xf32>
            %add3A_941 = arith.addf %add3A_939, %mul3A_940 : vector<16xf32>
            %mul3A_942 = arith.mulf %add3A_921, %add3A_941 : vector<16xf32>
            %bitcast_convert_type3A_943 = tpu.bitcast %mul3A_942 : vector<16xf32> -> vector<16xi32>
            %shift_right_arithmetic3A_944 = arith.constant 1 : i32
            %shift_right_arithmetic3A_945 = vector.broadcast %shift_right_arithmetic3A_944 : i32 to vector<16xi32>
            %shift_right_arithmetic3A_946 = arith.shrsi %bitcast_convert_type3A_943, %shift_right_arithmetic3A_945 : vector<16xi32>
            %sub3A_947 = arith.constant 1597463007 : i32
            %sub3A_948 = vector.broadcast %sub3A_947 : i32 to vector<16xi32>
            %sub3A_949 = arith.subi %sub3A_948, %shift_right_arithmetic3A_946 : vector<16xi32>
            %bitcast_convert_type3A_950 = tpu.bitcast %sub3A_949 : vector<16xi32> -> vector<16xf32>
            %mul3A_951 = arith.constant 5.000000e-01 : f32
            %mul3A_952 = vector.broadcast %mul3A_951 : f32 to vector<16xf32>
            %mul3A_953 = arith.mulf %mul3A_942, %mul3A_952 : vector<16xf32>
            %mul3A_954 = arith.mulf %mul3A_953, %bitcast_convert_type3A_950 : vector<16xf32>
            %mul3A_955 = arith.mulf %mul3A_954, %bitcast_convert_type3A_950 : vector<16xf32>
            %sub3A_956 = arith.constant 1.500000e+00 : f32
            %sub3A_957 = vector.broadcast %sub3A_956 : f32 to vector<16xf32>
            %sub3A_958 = arith.subf %sub3A_957, %mul3A_955 : vector<16xf32>
            %mul3A_959 = arith.mulf %bitcast_convert_type3A_950, %sub3A_958 : vector<16xf32>
            %mul3A_960 = arith.mulf %mul3A_953, %mul3A_959 : vector<16xf32>
            %mul3A_961 = arith.mulf %mul3A_960, %mul3A_959 : vector<16xf32>
            %sub3A_962 = arith.constant 1.500000e+00 : f32
            %sub3A_963 = vector.broadcast %sub3A_962 : f32 to vector<16xf32>
            %sub3A_964 = arith.subf %sub3A_963, %mul3A_961 : vector<16xf32>
            %mul3A_965 = arith.mulf %mul3A_959, %sub3A_964 : vector<16xf32>
            %mul3A_966 = arith.mulf %mul3A_942, %mul3A_965 : vector<16xf32>
            %add3A_967 = arith.addf %add3A_921, %add3A_941 : vector<16xf32>
            %mul3A_968 = arith.constant 2.000000e+00 : f32
            %mul3A_969 = vector.broadcast %mul3A_968 : f32 to vector<16xf32>
            %mul3A_970 = arith.mulf %mul3A_969, %mul3A_966 : vector<16xf32>
            %sub3A_971 = arith.subf %add3A_967, %mul3A_970 : vector<16xf32>
            %lt3A_972 = arith.constant 5.760000e+00 : f32
            %lt3A_973 = vector.broadcast %lt3A_972 : f32 to vector<16xf32>
            %lt3A_974 = arith.cmpf olt, %add3A_941, %lt3A_973 : vector<16xf32>
            %jit3A_975 = arith.constant 1.000000e+00 : f32
            %jit3A_976 = arith.constant 0.000000e+00 : f32
            %broadcast_in_dim3A_977 = vector.broadcast %jit3A_975 : f32 to vector<16xf32>
            %broadcast_in_dim3A_978 = vector.broadcast %jit3A_976 : f32 to vector<16xf32>
            %select_n3A_979 = arith.select %lt3A_974, %broadcast_in_dim3A_977, %broadcast_in_dim3A_978 : vector<16xi1>, vector<16xf32>
            %mul3A_980 = arith.mulf %sub3A_971, %select_n3A_979 : vector<16xf32>
            %add3A_981 = arith.addf %while3A_273, %mul3A_980 : vector<16xf32>
            %add3A_982 = arith.addf %while3A_274, %select_n3A_979 : vector<16xf32>
            scf.yield %add3A_358, %add3A_359, %add3A_447, %add3A_448, %add3A_536, %add3A_537, %add3A_625, %add3A_626, %add3A_714, %add3A_715, %add3A_803, %add3A_804, %add3A_892, %add3A_893, %add3A_981, %add3A_982 : vector<16xf32>, vector<16xf32>, vector<16xf32>, vector<16xf32>, vector<16xf32>, vector<16xf32>, vector<16xf32>, vector<16xf32>, vector<16xf32>, vector<16xf32>, vector<16xf32>, vector<16xf32>, vector<16xf32>, vector<16xf32>, vector<16xf32>, vector<16xf32>
          }
          scf.yield %while3A_257#0, %while3A_257#1, %while3A_257#2, %while3A_257#3, %while3A_257#4, %while3A_257#5, %while3A_257#6, %while3A_257#7, %while3A_257#8, %while3A_257#9, %while3A_257#10, %while3A_257#11, %while3A_257#12, %while3A_257#13, %while3A_257#14, %while3A_257#15, %squeeze3A_180, %cond3A_185 : vector<16xf32>, vector<16xf32>, vector<16xf32>, vector<16xf32>, vector<16xf32>, vector<16xf32>, vector<16xf32>, vector<16xf32>, vector<16xf32>, vector<16xf32>, vector<16xf32>, vector<16xf32>, vector<16xf32>, vector<16xf32>, vector<16xf32>, vector<16xf32>, i32, i32
        } else {
          scf.yield %scan3A_149, %scan3A_150, %scan3A_151, %scan3A_152, %scan3A_153, %scan3A_154, %scan3A_155, %scan3A_156, %scan3A_157, %scan3A_158, %scan3A_159, %scan3A_160, %scan3A_161, %scan3A_162, %scan3A_163, %scan3A_164, %scan3A_165, %scan3A_166 : vector<16xf32>, vector<16xf32>, vector<16xf32>, vector<16xf32>, vector<16xf32>, vector<16xf32>, vector<16xf32>, vector<16xf32>, vector<16xf32>, vector<16xf32>, vector<16xf32>, vector<16xf32>, vector<16xf32>, vector<16xf32>, vector<16xf32>, vector<16xf32>, i32, i32
        }
        scf.yield %cond3A_176#0, %cond3A_176#1, %cond3A_176#2, %cond3A_176#3, %cond3A_176#4, %cond3A_176#5, %cond3A_176#6, %cond3A_176#7, %cond3A_176#8, %cond3A_176#9, %cond3A_176#10, %cond3A_176#11, %cond3A_176#12, %cond3A_176#13, %cond3A_176#14, %cond3A_176#15, %cond3A_176#16, %cond3A_176#17 : vector<16xf32>, vector<16xf32>, vector<16xf32>, vector<16xf32>, vector<16xf32>, vector<16xf32>, vector<16xf32>, vector<16xf32>, vector<16xf32>, vector<16xf32>, vector<16xf32>, vector<16xf32>, vector<16xf32>, vector<16xf32>, vector<16xf32>, vector<16xf32>, i32, i32
      }
      %scan3A_147 = arith.constant 16 : i32
      scf.yield %scan3A_146#0, %scan3A_146#1, %scan3A_146#2, %scan3A_146#3, %scan3A_146#4, %scan3A_146#5, %scan3A_146#6, %scan3A_146#7, %scan3A_146#8, %scan3A_146#9, %scan3A_146#10, %scan3A_146#11, %scan3A_146#12, %scan3A_146#13, %scan3A_146#14, %scan3A_146#15, %scan3A_146#16, %scan3A_146#17 : vector<16xf32>, vector<16xf32>, vector<16xf32>, vector<16xf32>, vector<16xf32>, vector<16xf32>, vector<16xf32>, vector<16xf32>, vector<16xf32>, vector<16xf32>, vector<16xf32>, vector<16xf32>, vector<16xf32>, vector<16xf32>, vector<16xf32>, vector<16xf32>, i32, i32
    }
    %scan3A_104 = arith.constant 8 : i32
    %add3A_105 = arith.addf %scan3A_103#0, %scan3A_103#2 : vector<16xf32>
    %add3A_106 = arith.addf %scan3A_103#1, %scan3A_103#3 : vector<16xf32>
    %add3A_107 = arith.addf %add3A_105, %scan3A_103#4 : vector<16xf32>
    %add3A_108 = arith.addf %add3A_106, %scan3A_103#5 : vector<16xf32>
    %add3A_109 = arith.addf %add3A_107, %scan3A_103#6 : vector<16xf32>
    %add3A_110 = arith.addf %add3A_108, %scan3A_103#7 : vector<16xf32>
    %add3A_111 = arith.addf %add3A_109, %scan3A_103#8 : vector<16xf32>
    %add3A_112 = arith.addf %add3A_110, %scan3A_103#9 : vector<16xf32>
    %add3A_113 = arith.addf %add3A_111, %scan3A_103#10 : vector<16xf32>
    %add3A_114 = arith.addf %add3A_112, %scan3A_103#11 : vector<16xf32>
    %add3A_115 = arith.addf %add3A_113, %scan3A_103#12 : vector<16xf32>
    %add3A_116 = arith.addf %add3A_114, %scan3A_103#13 : vector<16xf32>
    %add3A_117 = arith.addf %add3A_115, %scan3A_103#14 : vector<16xf32>
    %add3A_118 = arith.addf %add3A_116, %scan3A_103#15 : vector<16xf32>
    %swap3A_119 = arith.constant 0 : index
    %swap3A_120 = tpu.vector_load %arg18[%swap3A_119] {strides = array<i32>} : memref<16xf32, #tpu.memory_space<vmem>>, vector<16xf32>,
    tpu.vector_store %arg18[%swap3A_119], %add3A_117 {strides = array<i32>} : memref<16xf32, #tpu.memory_space<vmem>>, vector<16xf32>,
    %swap3A_121 = arith.constant 0 : index
    %swap3A_122 = tpu.vector_load %arg19[%swap3A_121] {strides = array<i32>} : memref<16xf32, #tpu.memory_space<vmem>>, vector<16xf32>,
    tpu.vector_store %arg19[%swap3A_121], %add3A_118 {strides = array<i32>} : memref<16xf32, #tpu.memory_space<vmem>>, vector<16xf32>,
    "tpu.region"() ({
      %run_scoped3A = tpu.sem_alloc : memref<!tpu.dma_semaphore, #tpu.memory_space<semaphore_mem>>
      %dma_start3A = arith.constant 0 : i32
      %dma_start3A_123 = tpu.memref_slice %arg7[%add3A, %dma_start3A] : memref<32x16xf32, #tpu.memory_space<hbm>> -> memref<1x16xf32, #tpu.memory_space<hbm>>
      %dma_start3A_124 = tpu.memref_squeeze %dma_start3A_123 : memref<1x16xf32, #tpu.memory_space<hbm>> -> memref<16xf32, #tpu.memory_space<hbm>>
      %dma_start3A_125 = arith.constant 0 : i32
      %dma_start3A_126 = tpu.memref_slice %arg7[%add3A, %dma_start3A_125] : memref<32x16xf32, #tpu.memory_space<hbm>> -> memref<1x16xf32, #tpu.memory_space<hbm>>
      %dma_start3A_127 = tpu.memref_squeeze %dma_start3A_126 : memref<1x16xf32, #tpu.memory_space<hbm>> -> memref<16xf32, #tpu.memory_space<hbm>>
      tpu.enqueue_dma source(%arg18 : memref<16xf32, #tpu.memory_space<vmem>>) target(%dma_start3A_127 : memref<16xf32, #tpu.memory_space<hbm>>) target_semaphore(%run_scoped3A : memref<!tpu.dma_semaphore, #tpu.memory_space<semaphore_mem>>)
      %dma_wait3A = arith.constant 0 : i32
      %dma_wait3A_128 = tpu.memref_slice %arg7[%add3A, %dma_wait3A] : memref<32x16xf32, #tpu.memory_space<hbm>> -> memref<1x16xf32, #tpu.memory_space<hbm>>
      %dma_wait3A_129 = tpu.memref_squeeze %dma_wait3A_128 : memref<1x16xf32, #tpu.memory_space<hbm>> -> memref<16xf32, #tpu.memory_space<hbm>>
      %dma_wait3A_130 = arith.constant 0 : i32
      %dma_wait3A_131 = tpu.memref_slice %arg7[%add3A, %dma_wait3A_130] : memref<32x16xf32, #tpu.memory_space<hbm>> -> memref<1x16xf32, #tpu.memory_space<hbm>>
      %dma_wait3A_132 = tpu.memref_squeeze %dma_wait3A_131 : memref<1x16xf32, #tpu.memory_space<hbm>> -> memref<16xf32, #tpu.memory_space<hbm>>
      tpu.wait_dma2 semaphore(%run_scoped3A : memref<!tpu.dma_semaphore, #tpu.memory_space<semaphore_mem>>) src(%arg18 : memref<16xf32, #tpu.memory_space<vmem>>) dst(%dma_wait3A_132 : memref<16xf32, #tpu.memory_space<hbm>>)
      tpu.yield
    }) : () -> ()
    "tpu.region"() ({
      %run_scoped3A = tpu.sem_alloc : memref<!tpu.dma_semaphore, #tpu.memory_space<semaphore_mem>>
      %dma_start3A = arith.constant 0 : i32
      %dma_start3A_123 = tpu.memref_slice %arg8[%add3A, %dma_start3A] : memref<32x16xf32, #tpu.memory_space<hbm>> -> memref<1x16xf32, #tpu.memory_space<hbm>>
      %dma_start3A_124 = tpu.memref_squeeze %dma_start3A_123 : memref<1x16xf32, #tpu.memory_space<hbm>> -> memref<16xf32, #tpu.memory_space<hbm>>
      %dma_start3A_125 = arith.constant 0 : i32
      %dma_start3A_126 = tpu.memref_slice %arg8[%add3A, %dma_start3A_125] : memref<32x16xf32, #tpu.memory_space<hbm>> -> memref<1x16xf32, #tpu.memory_space<hbm>>
      %dma_start3A_127 = tpu.memref_squeeze %dma_start3A_126 : memref<1x16xf32, #tpu.memory_space<hbm>> -> memref<16xf32, #tpu.memory_space<hbm>>
      tpu.enqueue_dma source(%arg19 : memref<16xf32, #tpu.memory_space<vmem>>) target(%dma_start3A_127 : memref<16xf32, #tpu.memory_space<hbm>>) target_semaphore(%run_scoped3A : memref<!tpu.dma_semaphore, #tpu.memory_space<semaphore_mem>>)
      %dma_wait3A = arith.constant 0 : i32
      %dma_wait3A_128 = tpu.memref_slice %arg8[%add3A, %dma_wait3A] : memref<32x16xf32, #tpu.memory_space<hbm>> -> memref<1x16xf32, #tpu.memory_space<hbm>>
      %dma_wait3A_129 = tpu.memref_squeeze %dma_wait3A_128 : memref<1x16xf32, #tpu.memory_space<hbm>> -> memref<16xf32, #tpu.memory_space<hbm>>
      %dma_wait3A_130 = arith.constant 0 : i32
      %dma_wait3A_131 = tpu.memref_slice %arg8[%add3A, %dma_wait3A_130] : memref<32x16xf32, #tpu.memory_space<hbm>> -> memref<1x16xf32, #tpu.memory_space<hbm>>
      %dma_wait3A_132 = tpu.memref_squeeze %dma_wait3A_131 : memref<1x16xf32, #tpu.memory_space<hbm>> -> memref<16xf32, #tpu.memory_space<hbm>>
      tpu.wait_dma2 semaphore(%run_scoped3A : memref<!tpu.dma_semaphore, #tpu.memory_space<semaphore_mem>>) src(%arg19 : memref<16xf32, #tpu.memory_space<vmem>>) dst(%dma_wait3A_132 : memref<16xf32, #tpu.memory_space<hbm>>)
      tpu.yield
    }) : () -> ()
    return
  }
}

module attributes {stable_mosaic.version = 14 : i64} {
  func.func @_reduce_body(%arg0: memref<32x16xf32, #tpu.memory_space<vmem>>, %arg1: memref<32x16xf32, #tpu.memory_space<vmem>>, %arg2: memref<1x1xf32, #tpu.memory_space<vmem>>, %arg3: memref<1x1xf32, #tpu.memory_space<vmem>>) attributes {dimension_semantics = [], scalar_prefetch = 0 : i64, scratch_operands = 0 : i64, tpu.core_type = #tpu.core_type<tc>} {
    %get3A = arith.constant 0 : index
    %get3A_0 = arith.constant 0 : index
    %get3A_1 = vector.load %arg0[%get3A, %get3A_0] : memref<32x16xf32, #tpu.memory_space<vmem>>, vector<32x16xf32>
    %reduce_sum3A = vector.shape_cast %get3A_1 : vector<32x16xf32> to vector<1x32x16xf32>
    %reduce_sum3A_2 = arith.constant dense<0.000000e+00> : vector<1xf32>
    %reduce_sum3A_3 = vector.multi_reduction <add>, %reduce_sum3A, %reduce_sum3A_2 [1, 2] : vector<1x32x16xf32> to vector<1xf32>
    %reduce_sum3A_4 = vector.shape_cast %reduce_sum3A_3 : vector<1xf32> to vector<1x1x1xf32>
    %reduce_sum3A_5 = vector.extract %reduce_sum3A_4[0, 0, 0] : f32 from vector<1x1x1xf32>
    %get3A_6 = arith.constant 0 : index
    %get3A_7 = arith.constant 0 : index
    %get3A_8 = vector.load %arg1[%get3A_6, %get3A_7] : memref<32x16xf32, #tpu.memory_space<vmem>>, vector<32x16xf32>
    %reduce_sum3A_9 = vector.shape_cast %get3A_8 : vector<32x16xf32> to vector<1x32x16xf32>
    %reduce_sum3A_10 = arith.constant dense<0.000000e+00> : vector<1xf32>
    %reduce_sum3A_11 = vector.multi_reduction <add>, %reduce_sum3A_9, %reduce_sum3A_10 [1, 2] : vector<1x32x16xf32> to vector<1xf32>
    %reduce_sum3A_12 = vector.shape_cast %reduce_sum3A_11 : vector<1xf32> to vector<1x1x1xf32>
    %reduce_sum3A_13 = vector.extract %reduce_sum3A_12[0, 0, 0] : f32 from vector<1x1x1xf32>
    %max3A = arith.constant 1.000000e+00 : f32
    %max3A_14 = arith.maximumf %reduce_sum3A_13, %max3A : f32
    %div3A = arith.divf %reduce_sum3A_5, %max3A_14 : f32
    %broadcast_in_dim3A = vector.broadcast %div3A : f32 to vector<1x1xf32>
    %swap3A = arith.constant 0 : index
    %swap3A_15 = arith.constant 0 : index
    %swap3A_16 = vector.load %arg2[%swap3A, %swap3A_15] : memref<1x1xf32, #tpu.memory_space<vmem>>, vector<1x1xf32>
    tpu.vector_store %arg2[%swap3A, %swap3A_15], %broadcast_in_dim3A {strides = array<i32>} : memref<1x1xf32, #tpu.memory_space<vmem>>, vector<1x1xf32>,
    %broadcast_in_dim3A_17 = vector.broadcast %div3A : f32 to vector<1x1xf32>
    %swap3A_18 = arith.constant 0 : index
    %swap3A_19 = arith.constant 0 : index
    %swap3A_20 = vector.load %arg3[%swap3A_18, %swap3A_19] : memref<1x1xf32, #tpu.memory_space<vmem>>, vector<1x1xf32>
    tpu.vector_store %arg3[%swap3A_18, %swap3A_19], %broadcast_in_dim3A_17 {strides = array<i32>} : memref<1x1xf32, #tpu.memory_space<vmem>>, vector<1x1xf32>,
    return
  }
}

</mosaic_0001>

<sc_bundles>
// kernel: kernel.4.cloned.1.call-start
scs
__scs_entry_jumppad:
0x0: {  	(pc) =	sbr.rel $0x88, $3  }
0x1: {  	(tag) =	ssettag $0x0;
	lr =	simm.s32 $0x1  }
0x2: {  	[smem:$0x3F9B] =	sst lr;
	_ =	strace $0xD0000000  }
0x3: {  	_ = 	snop  }
0x4: {  	_ = 	snop  }
0x5: {  	_ = 	snop  }
0x6: {  	_ = 	snop  }
0x7: {  	_ = 	snop  }
__scs_overlays_trampoline_lowered:
0x8: {  	[smem:$0x3FAA] =	sst s0  }
0x9: {  	[smem:$0x3FAB] =	sst s1  }
0xa: {  	[smem:$0x3FAC] =	sst s2  }
0xb: {  	[smem:$0x3FAD] =	sst s3  }
0xc: {  	[smem:$0x3FAE] =	sst s4  }
0xd: {  	[smem:$0x3FAF] =	sst s5  }
0xe: {  	[smem:$0x3FB0] =	sst s6  }
0xf: {  	[smem:$0x3FB1] =	sst s7  }
0x10: {  	[smem:$0x3FB2] =	sst s8  }
0x11: {  	[smem:$0x3FB3] =	sst s9;
	s0 =	simm.s32 @!p0 $0x0  }
0x12: {  	s1 =	sld [smem:$0x3F99];
	s0 =	simm.s32 @p0 $0x1  }
0x13: {  	[smem:$0x3FB4] =	sst s0;
	s0 =	simm.s32 @!p1 $0x0  }
0x14: {  	s2 =	sld [smem:$0x3F98];
	s0 =	simm.s32 @p1 $0x1  }
0x15: {  	[smem:$0x3FB5] =	sst s0;
	s0 =	simm.s32 @!p2 $0x0  }
0x16: {  	s3 =	sld [smem:$0x3FDB];
	s0 =	simm.s32 @p2 $0x1  }
0x17: {  	s4 =	simm.s32 $0x1BF5;
	[smem:$0x3FB7] =	sst s0  }
0x18: {  	s0 =	sld [smem:$0x3F9A];
	_ =	swait.ge [sflag:s4], $0x0  }
0x19: {  	s7 =	sld [smem:$0x3F9B]  }
0x1a: {  	s8 =	sadd.s32 $0xFFFFE003, lr  }
0x1b: {  	s9 =	sadd.s32 $0xFFFFFEF7, lr;
	s5 =	simm.s32 $0xFFFFFFFF;
	p2 =	slt.u32 s8, $0xFFFFF086  }
0x1c: {  	p1 =	slt.u32 s9, $0xF7A;
	s5 =	simm.s32 @!p2 $0x0  }
0x1d: {  	s5 =	simm.s32 @p1 $0x1;
	p0 =	seq.s32 s7, s2  }
0x1e: {  	s7 =	smul.u32 @!p0 $0xF7A, s2;
	p2 =	seq.s32 @!p0 s5, $0x0  }
0x1f: {  	s9 =	smul.u32 $0xF7A, s1;
	s8 =	simm.s32 @!p0 $0x1BF5;
	p2 =	por !p2, p0  }
0x20: {  	[sflag:s8] =	ssyncset.s32 @!p0 $0xFFFFF086;
	s6 =	sadd.s32 @!p0 s3, s7;
	s7 =	simm.s32 @!p0 $0x108  }
0x21: {  	s3 =	sadd.s32 s3, s9;
	s6 =	sadd.s32 @!p0 $0x88, s6;
	s7 =	simm.s32 @p2 $0x1082  }
0x22: {  	[simem:s7], [sflag:s8] =	dma.local @!p0 [hbm:s6], $0xF7A  }
0x23: {  	s9 =	sor.u32 $0xD0000000, s2;
	s6 =	simm.s32 $0x108;
	_ =	swait.ge @!p0 [sflag:s8], $0x0  }
0x24: {  	s3 =	sadd.s32 $0x88, s3;
	s6 =	simm.s32 @!p1 $0x1082;
	[sflag:s4] =	ssyncset.s32 $0xFFFFF086  }
0x25: {  	[simem:s6], [sflag:s4] =	dma.local [hbm:s3], $0xF7A  }
0x26: {  	[smem:$0x3F9B] =	sst s1;
	(tag) =	ssettag s2;
	_ =	strace s9  }
0x27: {  	s1 =	sld [smem:$0x3FAB]  }
0x28: {  	s2 =	sld [smem:$0x3FAC]  }
0x29: {  	s4 =	sld [smem:$0x3FAE]  }
0x2a: {  	p0 =	seq.s32 s5, $0x0;
	s5 =	sld [smem:$0x3FAF]  }
0x2b: {  	s6 =	sld [smem:$0x3FB0]  }
0x2c: {  	s7 =	sld [smem:$0x3FB1]  }
0x2d: {  	s3 =	simm.s32 $0x108;
	s8 =	sld [smem:$0x3FB2]  }
0x2e: {  	s3 =	simm.s32 @!p0 $0x1082;
	s9 =	sld [smem:$0x3FB3]  }
0x2f: {  	lr =	sadd.s32 s0, s3;
	s0 =	sld [smem:$0x3FAA]  }
0x30: {  	s3 =	sld [smem:$0x3FAD]  }
0x31: {  	[smem:$0x3FB6] =	sst s10  }
0x32: {  	s10 =	sld [smem:$0x3FB4];
	_ =	sdelay $0x3  }
0x33: {  	p0 =	seq.s32 s10, $0x1;
	s10 =	sld [smem:$0x3FB6];
	_ =	sdelay $0x3  }
0x34: {  	[smem:$0x3FB6] =	sst s10  }
0x35: {  	s10 =	sld [smem:$0x3FB5];
	_ =	sdelay $0x3  }
0x36: {  	p1 =	seq.s32 s10, $0x1;
	s10 =	sld [smem:$0x3FB6];
	_ =	sdelay $0x3  }
0x37: {  	[smem:$0x3FB6] =	sst s10  }
0x38: {  	s10 =	sld [smem:$0x3FB7]  }
0x39: {  	_ = 	snop;
	(pc) =	sbr.ind lr, $3  }
0x3a: {  	_ = 	snop  }
0x3b: {  	_ = 	snop  }
0x3c: {  	p2 =	seq.s32 s10, $0x1;
	s10 =	sld [smem:$0x3FB6]  }
0x3d: {  	_ =	shalt  }
0x3e: {  	_ =	shalt  }
0x3f: {  	_ =	shalt  }
0x40: {  	_ =	shalt  }
0x41: {  	_ =	shalt  }
0x42: {  	_ =	shalt  }
0x43: {  	_ =	shalt  }
0x44: {  	_ =	shalt  }
0x45: {  	_ =	shalt  }
0x46: {  	_ =	shalt  }
0x47: {  	_ =	shalt  }
0x48: {  	_ =	shalt  }
0x49: {  	_ =	shalt  }
0x4a: {  	_ =	shalt  }
0x4b: {  	_ =	shalt  }
0x4c: {  	_ =	shalt  }
0x4d: {  	_ =	shalt  }
0x4e: {  	_ =	shalt  }
0x4f: {  	_ =	shalt  }
0x50: {  	_ =	shalt  }
0x51: {  	_ =	shalt  }
0x52: {  	_ =	shalt  }
0x53: {  	_ =	shalt  }
0x54: {  	_ =	shalt  }
0x55: {  	_ =	shalt  }
0x56: {  	_ =	shalt  }
0x57: {  	_ =	shalt  }
0x58: {  	_ =	shalt  }
0x59: {  	_ =	shalt  }
0x5a: {  	_ =	shalt  }
0x5b: {  	_ =	shalt  }
0x5c: {  	_ =	shalt  }
0x5d: {  	_ =	shalt  }
0x5e: {  	_ =	shalt  }
0x5f: {  	_ =	shalt  }
0x60: {  	_ =	shalt  }
0x61: {  	_ =	shalt  }
0x62: {  	_ =	shalt  }
0x63: {  	_ =	shalt  }
0x64: {  	_ =	shalt  }
0x65: {  	_ =	shalt  }
0x66: {  	_ =	shalt  }
0x67: {  	_ =	shalt  }
0x68: {  	_ =	shalt  }
0x69: {  	_ =	shalt  }
0x6a: {  	_ =	shalt  }
0x6b: {  	_ =	shalt  }
0x6c: {  	_ =	shalt  }
0x6d: {  	_ =	shalt  }
0x6e: {  	_ =	shalt  }
0x6f: {  	_ =	shalt  }
0x70: {  	_ =	shalt  }
0x71: {  	_ =	shalt  }
0x72: {  	_ =	shalt  }
0x73: {  	_ =	shalt  }
0x74: {  	_ =	shalt  }
0x75: {  	_ =	shalt  }
0x76: {  	_ =	shalt  }
0x77: {  	_ =	shalt  }
0x78: {  	_ =	shalt  }
0x79: {  	_ =	shalt  }
0x7a: {  	_ =	shalt  }
0x7b: {  	_ =	shalt  }
0x7c: {  	_ =	shalt  }
0x7d: {  	_ =	shalt  }
0x7e: {  	_ =	shalt  }
0x7f: {  	_ =	shalt  }
0x80: {  	_ =	shalt  }
0x81: {  	_ =	shalt  }
0x82: {  	_ =	shalt  }
0x83: {  	_ =	shalt  }
0x84: {  	_ =	shalt  }
0x85: {  	_ =	shalt  }
0x86: {  	_ =	shalt  }
0x87: {  	_ =	shalt  }
.Lfunc_end0:
.L_simem_size_0:
called_computation_lowered:
.L_overlay_start_0:
0x88: {  	s2 =	sld [smem:$0x3FD9]  }
0x89: {  	s3 =	sld [smem:$0x3FFE];
	_ =	sdelay $0x1  }
0x8a: {  	s1 =	srdreg.scid  }
0x8b: {  	s0 =	sand.u32 $0x1, s1  }
0x8c: {  	s17 =	sshll.u32 s0, $0xA;
	s2 =	sadd.s32 s3, s2  }
0x8d: {  	s2 =	sadd.s32 s2, s17  }
0x8e: {  	[smem:$0x3FC2] =	sst s2  }
0x8f: {  	_ = 	snop  }
0x90: {  	s2 =	sld [smem:$0x3FC7];
	(tm) =	ssettm $0x1  }
0x91: {  	s18 =	sld [smem:$0x3FFB];
	_ =	sdelay $0x3  }
0x92: {  	_ =	strace s18  }
0x93: {  	s3 =	sld [smem:$0x3FFC];
	_ =	sdelay $0x3  }
0x94: {  	_ =	strace s3  }
0x95: {  	s3 =	sld [smem:$0x3FFD];
	_ =	sdelay $0x3  }
0x96: {  	_ =	strace s3  }
0x97: {  	_ =	strace $0x8FFFFFFF  }
0x98: {  	s19 =	sld [smem:$0x3FDB];
	_ =	sdelay $0x1  }
0x99: {  	s4 =	simm.s32 $_scs_section_size  }
0x9a: {  	s5 =	simm.s32 $_size__tile_overlayer_lowered;
	s6 =	simm.s32 $_tile_overlayer_lowered  }
0x9b: {  	s22 =	simm.s32 $0x1BFF;
	s21 =	sshll.u32 s6, $0x1;
	s3 =	sadd.s32 s4, s19  }
0x9c: {  	s7 =	simm.s32 $0x0;
	s20 =	sshll.u32 s5, $0x1;
	s5 =	sadd.s32 s21, s3  }
0x9d: {  	[timem:s7], [sflag:s22] =	dma.local [hbm:s5], s20  }
0x9e: {  	_ =	swait.ge [sflag:s22], s20  }
0x9f: {  	s4 =	ssub.s32 $0x0, s20;
	[sflag:s22] =	ssyncset.done $0x0  }
0xa0: {  	[sflag:s22] =	ssyncadd.s32 s4;
	_ =	sdelay $0x1  }
0xa1: {  	s23 =	simm.s32 $0x1B8B  }
0xa2: {  	_ =	swait.ge [sflag:s23], $0x1  }
0xa3: {  	[sflag:s23] =	ssyncset.done $0x0  }
0xa4: {  	s25 =	simm.s32 $0x1B8E;
	s24 =	sld [smem:$0x3FFE];
	[sflag:s23] =	ssyncadd.s32 $0xFFFFFFFF  }
0xa5: {  	s26 =	simm.s32 $execute0_lowered;
	[smem:$0x3FD2] =	sst s25  }
0xa6: {  	s5 =	sshll.u32 s26, $0x1;
	_ =	strace $0x80000046;
	[dreg:$0x1] =	wrdreg $0xFFFFFFFF  }
0xa7: {  	s28 =	simm.s32 $_size_execute0_lowered;
	s3 =	sadd.s32 s3, s5;
	[dreg:$0x0] =	wrdreg $0x0  }
0xa8: {  	s5 =	sshll.u32 s28, $0x1;
	[dreg:$0x2] =	wrdreg s3  }
0xa9: {  	[dreg:$0x3] =	wrdreg s5  }
0xaa: {  	[dreg:$0x4] =	wrdreg $0xC0  }
0xab: {  	_ =	task [dreg:s7], $0x5FFFF  }
0xac: {  	[dreg:$0x1] =	wrdreg $0xFFFFFFFF  }
0xad: {  	[dreg:$0x0] =	wrdreg $0x60  }
0xae: {  	[dreg:$0x2] =	wrdreg s24  }
0xaf: {  	[dreg:$0x3] =	wrdreg s2  }
0xb0: {  	[dreg:$0x4] =	wrdreg $0x9  }
0xb1: {  	_ =	task.clear_ibuf [dreg:s7], $0x5FFFF;
	_ =	strace $0x90000046  }
0xb2: {  	s29 =	simm.s32 $0x9;
	_ =	strace $0x80000048  }
0xb3: {  	_ =	swait.ge [sflag:s29], $0x1  }
0xb4: {  	[sflag:s29] =	ssyncadd.s32 $0xFFFFFFFF  }
0xb5: {  	_ =	strace $0x90000048  }
0xb6: {  	_ =	sfence  }
0xb7: {  	s30 =	sld [smem:$0x0];
	_ =	sdelay $0x2  }
0xb8: {  	s31 =	sshll.u32 s1, $0xD;
	s1 =	sshrl.u32 s1, $0x2  }
0xb9: {  	s3 =	sand.u32 $0x4000, s31;
	s1 =	sadd.s32 s1, s30  }
0xba: {  	s0 =	sor.u32 s3, s0;
	s1 =	sshll.u32 s1, $0x11  }
0xbb: {  	s0 =	sor.u32 s1, s0  }
0xbc: {  	s0 =	sadd.s32 $0x8F2B, s0  }
0xbd: {  	[sflag:s0] =	ssyncadd.remote.s32 $0x1  }
0xbe: {  	_ =	sfence.sel $0xFFFF  }
0xbf: {  	[dreg:$0x0] =	wrdreg $0xFFFFFFFF;
	(pc) =	sbr.abs _section_cstart, $3  }
0xc0: {  	[dreg:$0x1] =	wrdreg $0xFFFFFFFF  }
0xc1: {  	_ =	task.clear_ibuf [dreg:s7], $0x2FFFF;
	_ =	strace $0x9FFFFFFF  }
0xc2: {  	(tm) =	ssettm $0x7FFFFFFF  }
0xc3: {  	_ =	shalt  }
tec
execute0_lowered:
.L_overlay_start_1:
0x0: {  	(tag) =	ssettag $0x1  }
0x1: {  	s0 =	rddreg [dreg:$0x0]  }
0x2: {  	s3 =	simm.s32 $0x0;
	s1 =	srdreg.scid;
	s2 =	stileid.u32  }
0x3: {  	s12 =	simm.s32 $0x1;
	s13 =	simm.s32 $0x2080;
	s14 =	simm.s32 $0x3300  }
0x4: {  	s15 =	simm.s32 $0x4310;
	s16 =	simm.s32 $0x5320;
	s17 =	simm.s32 $0x6330  }
0x5: {  	s18 =	simm.s32 $0x7340;
	s19 =	simm.s32 $0x8350;
	s20 =	simm.s32 $0x80  }
0x6: {  	s21 =	simm.s32 $0x400;
	s22 =	simm.s32 $0x9380;
	s25 =	simm.s32 $0x0  }
0x7: {  	[smem:$0x7FF] =	sst s3;
	s4 =	sadd.s32 $0x1A00, s0;
	s1 =	sand.u32 $0x1, s1  }
0x8: {  	s2 =	sshll.u32 s2, $0x1;
	s5 =	sadd.s32 $0x1600, s0;
	s30 =	sadd.s32 $0x1800, s0  }
.Ltmp0:
0x9: {  	s7 =	sadd.s32 $0x9A00, s0;
	_ =	strace $0x80000047;
	(pc) =	sbr.rel .LBB2_1-.Ltmp0, $4  }
0xa: {  	[dreg:$0x3] =	wrdreg s5;
	s2 =	sor.u32 s1, s2;
	s1 =	ssub.s32 $0x2, s1  }
0xb: {  	[dreg:$0x4] =	wrdreg s30;
	s31 =	sshll.u32 s2, $0x4;
	s8 =	sshrl.u32 s1, $0x1  }
0xc: {  	s0 =	sadd.s32 s31, s0;
	s1 =	ssub.s32 s1, s8;
	s8 =	sshll.u32 s2, $0x7  }
0xd: {  	v13 =	vimm.f32 $0.0e+00;
	v5 =	vlaneseq.u32;
	s9 =	sadd.s32 $0xA800, s0;
	s10 =	sadd.s32 $0xAA00, s0;
	s11 =	smax.u32 s1, $0x1  }
.LBB2_23:
0xe: {  	v0 =	vld [tilespmem:$0x1FFF0]  }
0xf: {  	v1 =	vld [tilespmem:$0x1FFD0]  }
0x10: {  	v63 =	vld [tilespmem:$0x1FFE0]  }
0x11: {  	v2 =	vld [tilespmem:$0x1FFC0];
	_ =	sdelay $0x2  }
0x12: {  	v0 =	vadd.f32 v1, v0  }
0x13: {  	v1 =	vadd.f32 v18, v63  }
0x14: {  	v0 =	vadd.f32 v2, v0  }
0x15: {  	v1 =	vadd.f32 v15, v1  }
0x16: {  	v0 =	vadd.f32 v22, v0  }
0x17: {  	v1 =	vadd.f32 v11, v1  }
0x18: {  	v0 =	vadd.f32 v17, v0  }
0x19: {  	v1 =	vadd.f32 v10, v1  }
0x1a: {  	v0 =	vadd.f32 v16, v0  }
0x1b: {  	v1 =	vadd.f32 v9, v1  }
0x1c: {  	v0 =	vadd.f32 v14, v0  }
0x1d: {  	v1 =	vadd.f32 v8, v1  }
0x1e: {  	v0 =	vadd.f32 v56, v0  }
0x1f: {  	v1 =	vadd.f32 v6, v1  }
0x20: {  	[tilespmem:$0xC780] =	vst v0  }
0x21: {  	s0 =	simm.s32 $0xC780;
	[tilespmem:$0xC800] =	vst v1  }
0x22: {  	[hbm4b:s9+s3] =	stream.linear.scatter [tilespmem:s0], [sflag:$0x1], $0x80, $0x38;
	[tilespmem:$0xC880] =	vst v63  }
0x23: {  	s25 =	sadd.s32 $0x1, s25;
	_ =	swait.ge [sflag:s12], $0x80  }
0x24: {  	p0 =	sne.s32 s25, s11;
	[sflag:s12] =	ssyncset.done $0x0  }
.Ltmp1:
0x25: {  	s31 =	simm.s32 $0xC800;
	[sflag:s12] =	ssyncadd.s32 $0xFFFFFF80;
	(pc) =	sbr.rel @!p0 .LBB2_24-.Ltmp1, $4  }
0x26: {  	[hbm4b:s10+s3] =	stream.linear.scatter [tilespmem:s31], [sflag:$0x1], $0x80, $0x38;
	[tilespmem:$0xC880] =	vst v63  }
0x27: {  	_ =	swait.ge [sflag:s12], $0x80  }
0x28: {  	[sflag:s12] =	ssyncset.done $0x0  }
0x29: {  	[sflag:s12] =	ssyncadd.s32 $0xFFFFFF80  }
.LBB2_1:
0x2a: {  	s0 =	rddreg [dreg:$0x1]  }
0x2b: {  	[tilespmem:s3], [sflag:$0x1] =	stream.linear.gather [hbm4b:s0+s3], $0x1000, $0x38;
	[tilespmem:$0xC880] =	vst v63  }
0x2c: {  	_ =	swait.ge [sflag:s12], $0x1000  }
0x2d: {  	[sflag:s12] =	ssyncset.done $0x0  }
0x2e: {  	s0 =	simm.s32 $0x1080;
	s1 =	rddreg [dreg:$0x4];
	[sflag:s12] =	ssyncadd.s32 $0xFFFFF000  }
0x2f: {  	[tilespmem:s0], [sflag:$0x1] =	stream.linear.gather [hbm4b:s1+s3], $0x1000, $0x38;
	[tilespmem:$0xC880] =	vst v63  }
0x30: {  	_ =	swait.ge [sflag:s12], $0x1000  }
0x31: {  	[sflag:s12] =	ssyncset.done $0x0  }
0x32: {  	s31 =	rddreg [dreg:$0x3];
	[sflag:s12] =	ssyncadd.s32 $0xFFFFF000  }
0x33: {  	[tilespmem:s13], [sflag:$0x1] =	stream.linear.gather [hbm4b:s31+s3], $0x200, $0x38;
	[tilespmem:$0xC880] =	vst v63  }
0x34: {  	_ =	swait.ge [sflag:s12], $0x200  }
0x35: {  	[sflag:s12] =	ssyncset.done $0x0  }
0x36: {  	[sflag:s12] =	ssyncadd.s32 $0xFFFFFE00  }
0x37: {  	[tilespmem:s14], [sflag:$0x1] =	stream.linear.gather [hbm4b:s7+s3], $0x6080, $0x38;
	[tilespmem:$0xC880] =	vst v63  }
0x38: {  	_ =	swait.ge [sflag:s12], $0x6080  }
0x39: {  	[sflag:s12] =	ssyncset.done $0x0  }
0x3a: {  	[sflag:s12] =	ssyncadd.s32 $0xFFFF9F80  }
0x3b: {  	[tilespmem:$0x9580] =	vst v13  }
0x3c: {  	v1 =	vld [tilespmem:s3+$0x0];
	_ =	sdelay $0x7  }
0x3d: {  	v2 =	vld.idx.msk [tilespmem:v1+s13+$0x0], $0xffff;
	_ =	sdelay $0x1  }
0x3e: {  	v3 =	vld [tilespmem:s0+$0x0];
	_ =	sdelay $0x2  }
0x3f: {  	v4 =	vsub.f32 $1.000000000e+00, v2;
	_ =	sdelay $0x1  }
0x40: {  	v2 =	vmul.f32 v3, v2;
	v3 =	vmul.f32 v3, v4  }
0x41: {  	s1 =	simm.s32 $0x2280  }
0x42: {  	[tilespmem:s1+$0x0] =	vst v2;
	v2 =	vor.u32 s3, v5;
	vm0 =	vgt.f32 v3, $0.0e+00  }
0x43: {  	[tilespmem:s3+$0xA680] =	vst.msk vm0, v2;
	v2 =	vmpcnt.ones.xlane vm0  }
0x44: {  	s2 =	simm.s32 $0x10;
	[tilespmem:s3+$0xB700] =	vst.msk vm0, v1  }
0x45: {  	s23 =	simm.s32 $0x20;
	s5 =	simm.s32 $0x0;
	s24 =	simm.s32 $0x10;
	v1 =	vld [tilespmem:s2+$0x0];
	(v2sf) =	vpush v2, $0x0  }
.LBB2_2:
0x46: {  	p0 =	sne.s32 s23, $0xFF0;
	_ =	sdelay $0x6  }
0x47: {  	v2 =	vld.idx.msk [tilespmem:v1+s13+$0x0], $0xffff;
	_ =	sdelay $0x1  }
0x48: {  	s0 =	sadd.s32 $0x10, s0  }
0x49: {  	v3 =	vld [tilespmem:s0+$0x0];
	_ =	sdelay $0x2  }
0x4a: {  	v4 =	vsub.f32 $1.000000000e+00, v2  }
0x4b: {  	s26 =	spop (v2sf)  }
0x4c: {  	v2 =	vmul.f32 v3, v2;
	v3 =	vmul.f32 v3, v4;
	s5 =	sadd.s32 s5, s26  }
.Ltmp2:
0x4d: {  	s1 =	sadd.s32 $0x10, s1;
	(pc) =	sbr.rel @p0 .LBB2_2-.Ltmp2, $4  }
0x4e: {  	[tilespmem:s1+$0x0] =	vst v2;
	vm0 =	vgt.f32 v3, $0.0e+00;
	v2 =	vor.u32 s2, v5;
	s2 =	smov.u32 s23  }
0x4f: {  	[tilespmem:s5+$0xA680] =	vst.msk vm0, v2;
	v2 =	vmpcnt.ones.xlane vm0  }
0x50: {  	s24 =	sadd.s32 $0x10, s24;
	[tilespmem:s5+$0xB700] =	vst.msk vm0, v1  }
0x51: {  	s23 =	sadd.s32 $0x10, s23;
	v1 =	vld [tilespmem:s24+$0x0];
	(v2sf) =	vpush v2, $0x0  }
0x52: {  	_ =	sdelay $0x7  }
0x53: {  	v2 =	vld.idx.msk [tilespmem:v1+s13+$0x0], $0xffff  }
0x54: {  	s0 =	sadd.s32 $0x10, s0  }
0x55: {  	v3 =	vld [tilespmem:s0+$0x0];
	_ =	sdelay $0x2  }
0x56: {  	v4 =	vsub.f32 $1.000000000e+00, v2;
	_ =	sdelay $0x1  }
0x57: {  	v4 =	vmul.f32 v3, v4;
	_ =	sdelay $0x1  }
0x58: {  	vm0 =	vgt.f32 v4, $0.0e+00  }
0x59: {  	v4 =	vmpcnt.ones.xlane vm0;
	_ =	sdelay $0x1  }
0x5a: {  	(v2sf) =	vpush v4, $0x0;
	_ =	sdelay $0x8  }
0x5b: {  	v60 =	vimm.f32 $0.0e+00  }
0x5c: {  	v61 =	vimm.f32 $0.0e+00;
	[tilespmem:$0x1FFC0] =	vst v60  }
0x5d: {  	v62 =	vimm.f32 $0.0e+00;
	[tilespmem:$0x1FFD0] =	vst v61  }
0x5e: {  	v63 =	vimm.f32 $0.0e+00;
	[tilespmem:$0x1FFE0] =	vst v62;
	v2 =	vmul.f32 v3, v2  }
0x5f: {  	s1 =	sadd.s32 $0x10, s1;
	[tilespmem:$0x1FFF0] =	vst v63;
	s24 =	spop (v2sf)  }
0x60: {  	v52 =	vor.u32 s2, v5;
	[tilespmem:s1+$0x0] =	vst v2;
	s0 =	sadd.s32 s5, s24  }
0x61: {  	[tilespmem:s0+$0xA680] =	vst.msk vm0, v52;
	s26 =	spop (v2sf)  }
0x62: {  	v0 =	vimm.s32 $0x200;
	[tilespmem:s0+$0xB700] =	vst.msk vm0, v1;
	s0 =	sadd.s32 s0, s26  }
0x63: {  	v53 =	vimm.s32 $0x0;
	[tilespmem:s0+$0xB700] =	vst v0  }
0x64: {  	[tilespmem:s0+$0xA680] =	vst v53  }
0x65: {  	[tilespmem:s0+$0xB710] =	vst v0  }
0x66: {  	[tilespmem:s0+$0xA690] =	vst v53  }
0x67: {  	[tilespmem:s0+$0xB720] =	vst v0  }
0x68: {  	[tilespmem:s0+$0xA6A0] =	vst v53  }
0x69: {  	[tilespmem:s0+$0xB730] =	vst v0  }
0x6a: {  	[tilespmem:s0+$0xA6B0] =	vst v53  }
0x6b: {  	[tilespmem:s0+$0xB740] =	vst v0;
	s1 =	sadd.s32 $0x7F, s0  }
0x6c: {  	[tilespmem:s0+$0xA6C0] =	vst v53;
	s29 =	sand.u32 $0x7F, s1  }
0x6d: {  	[tilespmem:s0+$0xB750] =	vst v0;
	s30 =	sshra.s32 s1, $0x1F;
	p0 =	slt.s32 s1, $0x1;
	p1 =	sne.s32 s29, $0x0  }
.Ltmp3:
0x6e: {  	[tilespmem:s0+$0xA6D0] =	vst v53;
	s31 =	sshrl.u32 s30, $0x19;
	p0 =	por !p0, !p1;
	(pc) =	sbr.rel .LBB2_4-.Ltmp3, $4  }
0x6f: {  	v6 =	vimm.f32 $0.0e+00;
	v56 =	vimm.f32 $0.0e+00;
	v8 =	vimm.f32 $0.0e+00;
	s2 =	simm.s32 $0x1;
	[tilespmem:s0+$0xB760] =	vst v0;
	s1 =	sadd.s32 s31, s1;
	p0 =	por !p0, !p0  }
0x70: {  	v14 =	vimm.f32 $0.0e+00;
	v9 =	vimm.f32 $0.0e+00;
	v16 =	vimm.f32 $0.0e+00;
	[tilespmem:s0+$0xA6E0] =	vst v53;
	s1 =	sshra.s32 s1, $0x7;
	s2 =	simm.s32 @!p0 $0x0  }
0x71: {  	v10 =	vimm.f32 $0.0e+00;
	v17 =	vimm.f32 $0.0e+00;
	v11 =	vimm.f32 $0.0e+00;
	s28 =	simm.s32 $0x0;
	[tilespmem:s0+$0xB770] =	vst v0;
	s26 =	ssub.s32 s1, s2  }
0x72: {  	v22 =	vimm.f32 $0.0e+00;
	v15 =	vimm.f32 $0.0e+00;
	v18 =	vimm.f32 $0.0e+00;
	[tilespmem:s0+$0xA6F0] =	vst v53;
	s0 =	simm.s32 $0x0;
	s2 =	simm.s32 $0xFFFFFFFF;
	p0 =	slt.s32 s26, $0x1  }
.LBB2_22:
0x73: {  	s28 =	sadd.s32 $0x1, s28  }
0x74: {  	p1 =	sne.s32 s28, $0x8  }
.Ltmp4:
0x75: {  	_ = 	snop;
	(pc) =	sbr.rel @!p1 .LBB2_23-.Ltmp4, $1  }
0x76: {  	_ =	sdelay $0x3  }
.LBB2_4:
.Ltmp5:
0x77: {  	(pc) =	sbr.rel .LBB2_5-.Ltmp5, $4  }
0x78: {  	s1 =	sshll.u32 s28, $0x4  }
0x79: {  	s29 =	sadd.s32 s8, s1  }
0x7a: {  	v7 =	vmov s29  }
0x7b: {  	s30 =	simm.s32 $0x0;
	[tilespmem:$0x1FFB0] =	vst v7  }
.LBB2_13:
0x7c: {  	s2 =	smov.u32 s31  }
.LBB2_21:
0x7d: {  	s30 =	sadd.s32 $0x1, s30  }
0x7e: {  	p1 =	sne.s32 s30, $0x10  }
.Ltmp6:
0x7f: {  	_ = 	snop;
	(pc) =	sbr.rel @!p1 .LBB2_22-.Ltmp6, $1  }
0x80: {  	_ =	sdelay $0x3  }
.LBB2_5:
0x81: {  	_ =	sdelay $0x3  }
0x82: {  	v1 =	vld.idx.msk [tilespmem:v7+s30+$0x2280 ss:$0x1], $0xffff;
	_ =	sdelay $0x4  }
0x83: {  	(v2sf) =	vpush v1, $0x0;
	_ =	sdelay $0xe  }
0x84: {  	s1 =	spop (v2sf)  }
0x85: {  	p1 =	sgt.f32 s1, $0.0e+00  }
.Ltmp7:
0x86: {  	_ = 	snop;
	(pc) =	sbr.rel @!p1 .LBB2_21-.Ltmp7, $2  }
0x87: {  	_ =	sdelay $0x2  }
0x88: {  	s1 =	sadd.s32 s29, s30  }
0x89: {  	v1 =	vld [tilespmem:s1+$0x0];
	_ =	sdelay $0x4  }
0x8a: {  	(v2sf) =	vpush v1, $0x0;
	_ =	sdelay $0xe  }
0x8b: {  	s31 =	spop (v2sf)  }
0x8c: {  	p1 =	seq.s32 s31, s2  }
.Ltmp8:
0x8d: {  	_ = 	snop;
	(pc) =	sbr.rel @p1 .LBB2_12-.Ltmp8, $1  }
0x8e: {  	_ =	sdelay $0x3  }
0x8f: {  	s0 =	sshll.u32 s31, $0x9;
	s2 =	sshll.u32 s31, $0x7  }
0x90: {  	s0 =	sand.u32 $0xFFFFF000, s0;
	s2 =	sand.u32 $0x380, s2  }
0x91: {  	s0 =	sor.u32 s2, s0  }
0x92: {  	s0 =	sshrl.u32 s0, $0x3  }
.Ltmp9:
0x93: {  	s0 =	sadd.s32 s4, s0;
	(pc) =	sbr.rel @p0 .LBB2_11-.Ltmp9, $4  }
0x94: {  	[tilespmem:s22], [sflag:$0x1] =	stream.strided.gather [hbm4b:s0+s20], $0x200, s21, s20, $0x38;
	[tilespmem:$0xC880] =	vst v63  }
0x95: {  	_ =	swait.ge [sflag:s12], $0x200  }
0x96: {  	[sflag:s12] =	ssyncset.done $0x0  }
0x97: {  	s0 =	simm.s32 $0x0;
	[sflag:s12] =	ssyncadd.s32 $0xFFFFFE00  }
0x98: {  	s23 =	simm.s32 $0xB740  }
0x99: {  	v1 =	vld [tilespmem:s23+$0xFFFFFFC0]  }
0x9a: {  	v2 =	vld [tilespmem:s23+$0xFFFFFFD0]  }
0x9b: {  	v3 =	vld [tilespmem:s23+$0xFFFFFFE0]  }
0x9c: {  	v4 =	vld [tilespmem:s23+$0xFFFFFFF0]  }
0x9d: {  	v24 =	vld [tilespmem:s23+$0x0]  }
0x9e: {  	v25 =	vld [tilespmem:s23+$0x10]  }
0x9f: {  	v26 =	vld [tilespmem:s23+$0x20]  }
0xa0: {  	v27 =	vld [tilespmem:s23+$0x30]  }
0xa1: {  	v1 =	vld.idx.msk [tilespmem:v1+s22+$0x0], $0xffff  }
0xa2: {  	v2 =	vld.idx.msk [tilespmem:v2+s22+$0x0], $0xffff  }
0xa3: {  	p1 =	sne.s32 s26, $0x1;
	v23 =	vld.idx.msk [tilespmem:v3+s22+$0x0], $0xffff  }
.Ltmp10:
0xa4: {  	v0 =	vmov v22;
	v22 =	vld.idx.msk [tilespmem:v4+s22+$0x0], $0xffff;
	(pc) =	sbr.rel @!p1 .LBB2_10-.Ltmp10, $4  }
0xa5: {  	v4 =	vld.idx.msk [tilespmem:v24+s22+$0x0], $0xffff  }
0xa6: {  	v3 =	vld.idx.msk [tilespmem:v25+s22+$0x0], $0xffff  }
0xa7: {  	vm1 =	vgt.f32 v1, $0.0e+00;
	v1 =	vld.idx.msk [tilespmem:v26+s22+$0x0], $0xffff  }
0xa8: {  	s2 =	simm.s32 $0xA6C0;
	s24 =	sadd.s32 $0xFFFFFFFF, s26;
	s5 =	simm.s32 $0xA6C0;
	vm0 =	vgt.f32 v2, $0.0e+00;
	v2 =	vld.idx.msk [tilespmem:v27+s22+$0x0], $0xffff;
	v24 =	vmpcnt.ones.xlane vm1  }
.LBB2_9:
0xa9: {  	p1 =	sne.s32 s24, $0x1;
	vm2 =	vgt.f32 v23, $0.0e+00;
	v23 =	vmpcnt.ones.xlane vm0;
	s23 =	sadd.s32 $0x80, s23;
	s5 =	sadd.s32 $0x80, s5  }
0xaa: {  	s24 =	sadd.s32 $0xFFFFFFFF, s24;
	vm3 =	vgt.f32 v22, $0.0e+00;
	v22 =	vmpcnt.ones.xlane vm2;
	(v2sf) =	vpush v24, $0x0  }
0xab: {  	vm4 =	vgt.f32 v4, $0.0e+00;
	v4 =	vmpcnt.ones.xlane vm3;
	(v2sf) =	vpush v23, $0x0  }
0xac: {  	vm5 =	vgt.f32 v3, $0.0e+00;
	v3 =	vmpcnt.ones.xlane vm4;
	(v2sf) =	vpush v22, $0x0  }
0xad: {  	vm6 =	vgt.f32 v1, $0.0e+00;
	v1 =	vmpcnt.ones.xlane vm5;
	(v2sf) =	vpush v4, $0x0  }
0xae: {  	vm7 =	vgt.f32 v2, $0.0e+00;
	v2 =	vmpcnt.ones.xlane vm6;
	(v2sf) =	vpush v3, $0x0  }
0xaf: {  	v3 =	vmpcnt.ones.xlane vm7;
	(v2sf) =	vpush v1, $0x0  }
0xb0: {  	(v2sf) =	vpush v2, $0x0  }
0xb1: {  	(v2sf) =	vpush v3, $0x0  }
0xb2: {  	v1 =	vld [tilespmem:s2+$0x30]  }
0xb3: {  	v2 =	vld [tilespmem:s2+$0x20]  }
0xb4: {  	v3 =	vld [tilespmem:s2+$0x10]  }
0xb5: {  	v4 =	vld [tilespmem:s2+$0xFFFFFFC0]  }
0xb6: {  	v22 =	vld [tilespmem:s2+$0xFFFFFFD0]  }
0xb7: {  	v23 =	vld [tilespmem:s2+$0xFFFFFFE0]  }
0xb8: {  	v24 =	vld [tilespmem:s2+$0xFFFFFFF0]  }
0xb9: {  	v25 =	vld [tilespmem:s2+$0x0];
	s6 =	spop (v2sf);
	s2 =	smov.u32 s5  }
0xba: {  	[tilespmem:s0+$0x9600] =	vst.msk vm1, v4;
	s0 =	sadd.s32 s0, s6;
	s6 =	spop (v2sf)  }
0xbb: {  	[tilespmem:s0+$0x9600] =	vst.msk vm0, v22;
	s0 =	sadd.s32 s0, s6;
	s6 =	spop (v2sf)  }
0xbc: {  	[tilespmem:s0+$0x9600] =	vst.msk vm2, v23;
	s0 =	sadd.s32 s0, s6;
	s6 =	spop (v2sf)  }
0xbd: {  	[tilespmem:s0+$0x9600] =	vst.msk vm3, v24;
	s0 =	sadd.s32 s0, s6;
	s6 =	spop (v2sf)  }
0xbe: {  	[tilespmem:s0+$0x9600] =	vst.msk vm4, v25;
	s0 =	sadd.s32 s0, s6;
	s6 =	spop (v2sf)  }
0xbf: {  	[tilespmem:s0+$0x9600] =	vst.msk vm5, v3;
	s0 =	sadd.s32 s0, s6;
	s6 =	spop (v2sf)  }
0xc0: {  	[tilespmem:s0+$0x9600] =	vst.msk vm6, v2;
	s0 =	sadd.s32 s0, s6;
	s6 =	spop (v2sf)  }
0xc1: {  	[tilespmem:s0+$0x9600] =	vst.msk vm7, v1;
	s0 =	sadd.s32 s0, s6  }
0xc2: {  	v1 =	vld [tilespmem:s23+$0xFFFFFFC0]  }
0xc3: {  	v2 =	vld [tilespmem:s23+$0xFFFFFFD0]  }
0xc4: {  	v3 =	vld [tilespmem:s23+$0xFFFFFFE0]  }
0xc5: {  	v4 =	vld [tilespmem:s23+$0xFFFFFFF0]  }
0xc6: {  	v24 =	vld [tilespmem:s23+$0x0]  }
0xc7: {  	v25 =	vld [tilespmem:s23+$0x10]  }
0xc8: {  	v26 =	vld [tilespmem:s23+$0x20]  }
0xc9: {  	v27 =	vld [tilespmem:s23+$0x30]  }
0xca: {  	v1 =	vld.idx.msk [tilespmem:v1+s22+$0x0], $0xffff  }
0xcb: {  	v2 =	vld.idx.msk [tilespmem:v2+s22+$0x0], $0xffff  }
0xcc: {  	v23 =	vld.idx.msk [tilespmem:v3+s22+$0x0], $0xffff  }
.Ltmp11:
0xcd: {  	v22 =	vld.idx.msk [tilespmem:v4+s22+$0x0], $0xffff;
	(pc) =	sbr.rel @p1 .LBB2_9-.Ltmp11, $4  }
0xce: {  	v4 =	vld.idx.msk [tilespmem:v24+s22+$0x0], $0xffff  }
0xcf: {  	v3 =	vld.idx.msk [tilespmem:v25+s22+$0x0], $0xffff  }
0xd0: {  	vm1 =	vgt.f32 v1, $0.0e+00;
	v1 =	vld.idx.msk [tilespmem:v26+s22+$0x0], $0xffff  }
0xd1: {  	vm0 =	vgt.f32 v2, $0.0e+00;
	v24 =	vmpcnt.ones.xlane vm1;
	v2 =	vld.idx.msk [tilespmem:v27+s22+$0x0], $0xffff  }
.LBB2_10:
0xd2: {  	vm7 =	vgt.f32 v23, $0.0e+00;
	v23 =	vmpcnt.ones.xlane vm0  }
0xd3: {  	vm2 =	vgt.f32 v22, $0.0e+00;
	v22 =	vmpcnt.ones.xlane vm7;
	(v2sf) =	vpush v24, $0x0  }
0xd4: {  	vm3 =	vgt.f32 v4, $0.0e+00;
	v4 =	vmpcnt.ones.xlane vm2;
	(v2sf) =	vpush v23, $0x0  }
0xd5: {  	vm4 =	vgt.f32 v3, $0.0e+00;
	v3 =	vmpcnt.ones.xlane vm3;
	(v2sf) =	vpush v22, $0x0  }
0xd6: {  	vm5 =	vgt.f32 v1, $0.0e+00;
	v59 =	vmpcnt.ones.xlane vm4;
	(v2sf) =	vpush v4, $0x0  }
0xd7: {  	vm6 =	vgt.f32 v2, $0.0e+00;
	v60 =	vmpcnt.ones.xlane vm5;
	(v2sf) =	vpush v3, $0x0  }
0xd8: {  	v3 =	vmpcnt.ones.xlane vm6;
	(v2sf) =	vpush v59, $0x0  }
0xd9: {  	(v2sf) =	vpush v60, $0x0  }
0xda: {  	(v2sf) =	vpush v3, $0x0;
	_ =	sdelay $0x1  }
0xdb: {  	v61 =	vld [tilespmem:s2+$0x30]  }
0xdc: {  	v62 =	vld [tilespmem:s2+$0x20]  }
0xdd: {  	v4 =	vld [tilespmem:s2+$0xFFFFFFC0]  }
0xde: {  	v22 =	vld [tilespmem:s2+$0xFFFFFFD0]  }
0xdf: {  	v23 =	vld [tilespmem:s2+$0xFFFFFFE0]  }
0xe0: {  	v63 =	vld [tilespmem:s2+$0xFFFFFFF0]  }
0xe1: {  	v25 =	vld [tilespmem:s2+$0x0];
	s24 =	spop (v2sf)  }
0xe2: {  	v3 =	vld [tilespmem:s2+$0x10];
	[tilespmem:s0+$0x9600] =	vst.msk vm1, v4;
	s5 =	sadd.s32 s0, s24;
	s6 =	spop (v2sf)  }
0xe3: {  	[tilespmem:s5+$0x9600] =	vst.msk vm0, v22;
	s0 =	sadd.s32 s5, s6;
	s23 =	spop (v2sf)  }
0xe4: {  	[tilespmem:s0+$0x9600] =	vst.msk vm7, v23;
	s0 =	sadd.s32 s0, s23;
	s24 =	spop (v2sf)  }
0xe5: {  	[tilespmem:s0+$0x9600] =	vst.msk vm2, v63;
	s0 =	sadd.s32 s0, s24;
	s5 =	spop (v2sf)  }
0xe6: {  	[tilespmem:s0+$0x9600] =	vst.msk vm3, v25;
	s0 =	sadd.s32 s0, s5;
	s6 =	spop (v2sf)  }
0xe7: {  	[tilespmem:s0+$0x9600] =	vst.msk vm4, v3;
	s0 =	sadd.s32 s0, s6;
	s23 =	spop (v2sf)  }
0xe8: {  	[tilespmem:s0+$0x9600] =	vst.msk vm5, v62;
	s0 =	sadd.s32 s0, s23;
	s24 =	spop (v2sf)  }
0xe9: {  	v22 =	vmov v0;
	[tilespmem:s0+$0x9600] =	vst.msk vm6, v61;
	s0 =	sadd.s32 s0, s24  }
.LBB2_11:
0xea: {  	v0 =	vimm.s32 $0x1000  }
0xeb: {  	[tilespmem:s0+$0x9600] =	vst v0  }
0xec: {  	[tilespmem:s0+$0x9610] =	vst v0  }
0xed: {  	[tilespmem:s0+$0x9620] =	vst v0  }
0xee: {  	[tilespmem:s0+$0x9630] =	vst v0  }
0xef: {  	[tilespmem:s0+$0x9640] =	vst v0  }
0xf0: {  	[tilespmem:s0+$0x9650] =	vst v0  }
0xf1: {  	[tilespmem:s0+$0x9660] =	vst v0  }
0xf2: {  	[tilespmem:s0+$0x9670] =	vst v0  }
.LBB2_12:
0xf3: {  	s2 =	sadd.s32 $0x7F, s0  }
0xf4: {  	s5 =	sand.u32 $0x7F, s2  }
0xf5: {  	s6 =	sshra.s32 s2, $0x1F;
	p1 =	slt.s32 s2, $0x1;
	p2 =	sne.s32 s5, $0x0  }
0xf6: {  	s24 =	sshrl.u32 s6, $0x19;
	p1 =	por !p1, !p2  }
0xf7: {  	s5 =	simm.s32 $0x1;
	s2 =	sadd.s32 s24, s2;
	p1 =	por !p1, !p1  }
0xf8: {  	s2 =	sshra.s32 s2, $0x7;
	s5 =	simm.s32 @!p1 $0x0  }
0xf9: {  	s5 =	ssub.s32 s2, s5  }
0xfa: {  	p1 =	slt.s32 s5, $0x1  }
.Ltmp12:
0xfb: {  	_ = 	snop;
	(pc) =	sbr.rel @p1 .LBB2_13-.Ltmp12, $1  }
0xfc: {  	_ =	sdelay $0x3  }
0xfd: {  	[tilespmem:$0x1FEF0] =	vst v56  }
0xfe: {  	[tilespmem:$0x1FF00] =	vst v6  }
0xff: {  	v27 =	vld.msk [tilespmem:s1+$0x3300 ss:$0x0], $0xffff;
	[tilespmem:$0x1FF10] =	vst v8  }
0x100: {  	v26 =	vld.msk [tilespmem:s1+$0x4310 ss:$0x0], $0xffff;
	[tilespmem:$0x1FF20] =	vst v9  }
0x101: {  	v19 =	vld.msk [tilespmem:s1+$0x5320 ss:$0x0], $0xffff;
	[tilespmem:$0x1FF30] =	vst v10  }
0x102: {  	v25 =	vld.msk [tilespmem:s1+$0x6330 ss:$0x0], $0xffff;
	[tilespmem:$0x1FF40] =	vst v14  }
0x103: {  	v24 =	vld.msk [tilespmem:s1+$0x7340 ss:$0x0], $0xffff;
	p2 =	sne.s32 s5, $0x1;
	[tilespmem:$0x1FF50] =	vst v16  }
.Ltmp13:
0x104: {  	v20 =	vld.msk [tilespmem:s1+$0x8350 ss:$0x0], $0xffff;
	s2 =	simm.s32 $0x9640;
	[tilespmem:$0x1FF60] =	vst v11;
	(pc) =	sbr.rel @!p2 .LBB2_15-.Ltmp13, $4  }
0x105: {  	[tilespmem:$0x1FF70] =	vst v17;
	v55 =	vld [tilespmem:s2+$0x30]  }
0x106: {  	[tilespmem:$0x1FF80] =	vst v22;
	v30 =	vld [tilespmem:s2+$0xFFFFFFD0]  }
0x107: {  	[tilespmem:$0x1FF90] =	vst v15;
	v29 =	vld [tilespmem:s2+$0xFFFFFFE0]  }
0x108: {  	s1 =	sadd.s32 $0xFFFFFFFF, s5;
	p1 =	por $0x0, $0x0;
	[tilespmem:$0x1FFA0] =	vst v18;
	v28 =	vld [tilespmem:s2+$0xFFFFFFF0]  }
0x109: {  	_ =	sdelay $0x1  }
0x10a: {  	v34 =	vld [tilespmem:s2+$0x0]  }
0x10b: {  	v33 =	vld [tilespmem:s2+$0x10]  }
0x10c: {  	v1 =	vld [tilespmem:s2+$0xFFFFFFC0]  }
0x10d: {  	v2 =	vld.idx.msk [tilespmem:v55+s14+$0x0], $0xffff  }
0x10e: {  	v3 =	vld.idx.msk [tilespmem:v55+s15+$0x0], $0xffff  }
0x10f: {  	v4 =	vld.idx.msk [tilespmem:v55+s17+$0x0], $0xffff  }
0x110: {  	v31 =	vld.idx.msk [tilespmem:v55+s18+$0x0], $0xffff  }
0x111: {  	v35 =	vld.idx.msk [tilespmem:v55+s16+$0x0], $0xffff  }
0x112: {  	v36 =	vld.idx.msk [tilespmem:v55+s19+$0x0], $0xffff  }
0x113: {  	v37 =	vld.idx.msk [tilespmem:v30+s14+$0x0], $0xffff  }
0x114: {  	v42 =	vld.idx.msk [tilespmem:v30+s15+$0x0], $0xffff  }
0x115: {  	v43 =	vld.idx.msk [tilespmem:v30+s17+$0x0], $0xffff  }
0x116: {  	v62 =	vld.idx.msk [tilespmem:v29+s14+$0x0], $0xffff  }
0x117: {  	v59 =	vld.idx.msk [tilespmem:v29+s17+$0x0], $0xffff  }
0x118: {  	v45 =	vld.idx.msk [tilespmem:v29+s18+$0x0], $0xffff;
	v2 =	vsub.f32 v2, v27  }
0x119: {  	v49 =	vld.idx.msk [tilespmem:v28+s15+$0x0], $0xffff;
	v3 =	vsub.f32 v3, v26;
	v4 =	vsub.f32 v4, v25  }
0x11a: {  	v52 =	vld.idx.msk [tilespmem:v28+s18+$0x0], $0xffff;
	v31 =	vsub.f32 v31, v24;
	v35 =	vsub.f32 v35, v19  }
0x11b: {  	v36 =	vsub.f32 v36, v20;
	v37 =	vsub.f32 v37, v27;
	v38 =	vld.idx.msk [tilespmem:v1+s14+$0x0], $0xffff  }
0x11c: {  	v42 =	vsub.f32 v42, v26;
	v39 =	vld.idx.msk [tilespmem:v1+s15+$0x0], $0xffff;
	v2 =	vmul.f32 v2, v2;
	v3 =	vmul.f32 v3, v3  }
0x11d: {  	v43 =	vsub.f32 v43, v25;
	v40 =	vld.idx.msk [tilespmem:v1+s17+$0x0], $0xffff;
	v4 =	vmul.f32 v4, v4;
	v31 =	vmul.f32 v31, v31  }
0x11e: {  	v41 =	vld.idx.msk [tilespmem:v1+s18+$0x0], $0xffff;
	v35 =	vmul.f32 v35, v35;
	v45 =	vsub.f32 v45, v24;
	v37 =	vmul.f32 v37, v37  }
0x11f: {  	v54 =	vld.idx.msk [tilespmem:v34+s15+$0x0], $0xffff;
	v42 =	vmul.f32 v42, v42;
	v49 =	vsub.f32 v49, v26;
	v2 =	vadd.f32 v3, v2  }
0x120: {  	v55 =	vld.idx.msk [tilespmem:v34+s18+$0x0], $0xffff;
	v52 =	vsub.f32 v52, v24;
	v3 =	vadd.f32 v31, v4;
	v4 =	vmul.f32 v36, v36  }
0x121: {  	v56 =	vld.idx.msk [tilespmem:v33+s18+$0x0], $0xffff;
	v37 =	vadd.f32 v42, v37;
	v2 =	vadd.f32 v35, v2  }
0x122: {  	v43 =	vmul.f32 v43, v43;
	v3 =	vadd.f32 v4, v3;
	v60 =	vsub.f32 v38, v27  }
0x123: {  	v46 =	vld.idx.msk [tilespmem:v28+s14+$0x0], $0xffff;
	v45 =	vmul.f32 v45, v45;
	v61 =	vsub.f32 v39, v26;
	v57 =	vsub.f32 v40, v25  }
0x124: {  	v31 =	vld.idx.msk [tilespmem:v30+s18+$0x0], $0xffff;
	v49 =	vmul.f32 v49, v49;
	v58 =	vsub.f32 v41, v24;
	v39 =	vsub.f32 v62, v27  }
0x125: {  	v50 =	vld.idx.msk [tilespmem:v28+s17+$0x0], $0xffff;
	v52 =	vmul.f32 v52, v52;
	v41 =	vsub.f32 v59, v25;
	v54 =	vsub.f32 v54, v26  }
0x126: {  	v32 =	vld [tilespmem:s2+$0x20];
	v55 =	vsub.f32 v55, v24;
	v56 =	vsub.f32 v56, v24;
	v44 =	vmul.f32 v3, v2  }
0x127: {  	v4 =	vld.idx.msk [tilespmem:v29+s15+$0x0], $0xffff;
	v2 =	vadd.f32 v3, v2;
	v63 =	vmul.f32 v60, v60;
	v38 =	vmul.f32 v61, v61  }
0x128: {  	v53 =	vld.idx.msk [tilespmem:v34+s14+$0x0], $0xffff;
	vm0 =	vlt.f32 v3, $5.760000230e+00;
	v36 =	vmul.f32 v57, v57;
	v40 =	vmul.f32 v58, v58  }
0x129: {  	v31 =	vsub.f32 v31, v24;
	v39 =	vmul.f32 v39, v39;
	v60 =	vsub.f32 v46, v27  }
0x12a: {  	v61 =	vsub.f32 v50, v25;
	v54 =	vmul.f32 v54, v54;
	v55 =	vmul.f32 v55, v55  }
0x12b: {  	v3 =	vld.idx.msk [tilespmem:v28+s19+$0x0], $0xffff;
	v21 =	vsel vm0, $0x3F800000, v13;
	v47 =	vshra.s32 v44, $0x1;
	v48 =	vmul.f32 $5.000000000e-01, v44  }
0x12c: {  	v46 =	vld.idx.msk [tilespmem:v34+s17+$0x0], $0xffff;
	v47 =	vsub.s32 $0x5F3759DF, v47;
	v4 =	vsub.f32 v4, v26;
	v31 =	vmul.f32 v31, v31  }
0x12d: {  	v62 =	vld.idx.msk [tilespmem:v33+s14+$0x0], $0xffff;
	v35 =	vadd.f32 v38, v63;
	v38 =	vmul.f32 v41, v41;
	v63 =	vsub.f32 v53, v27  }
0x12e: {  	v57 =	vld.idx.msk [tilespmem:v32+s15+$0x0], $0xffff;
	v36 =	vadd.f32 v40, v36;
	v40 =	vmul.f32 v60, v60;
	v51 =	vmul.f32 v47, v48  }
0x12f: {  	v41 =	vmul.f32 v61, v61;
	v60 =	vld.idx.msk [tilespmem:v33+s17+$0x0], $0xffff;
	v43 =	vadd.f32 v31, v43;
	v42 =	vmul.f32 v63, v63  }
0x130: {  	v38 =	vadd.f32 v45, v38;
	v63 =	vld.idx.msk [tilespmem:v1+s16+$0x0], $0xffff;
	v3 =	vsub.f32 v3, v20;
	v51 =	vmul.f32 v47, v51  }
0x131: {  	v4 =	vmul.f32 v4, v4;
	v1 =	vld.idx.msk [tilespmem:v1+s19+$0x0], $0xffff;
	v40 =	vadd.f32 v49, v40;
	v31 =	vsub.f32 v46, v25  }
0x132: {  	v41 =	vadd.f32 v52, v41;
	v46 =	vld.idx.msk [tilespmem:v30+s16+$0x0], $0xffff;
	v3 =	vmul.f32 v3, v3;
	v51 =	vsub.f32 $1.500000000e+00, v51  }
0x133: {  	v30 =	vld.idx.msk [tilespmem:v30+s19+$0x0], $0xffff;
	v4 =	vadd.f32 v4, v39;
	v39 =	vmul.f32 v31, v31;
	v31 =	vsub.f32 v62, v27  }
0x134: {  	v42 =	vadd.f32 v54, v42;
	v3 =	vadd.f32 v3, v41;
	v47 =	vmul.f32 v47, v51  }
0x135: {  	v58 =	vld.idx.msk [tilespmem:v32+s18+$0x0], $0xffff;
	v45 =	vmul.f32 v31, v31;
	v31 =	vsub.f32 v60, v25;
	v60 =	vsub.f32 v57, v26  }
0x136: {  	v49 =	vmul.f32 v56, v56;
	v51 =	vld.idx.msk [tilespmem:v33+s15+$0x0], $0xffff;
	v53 =	vsub.f32 v63, v19;
	v1 =	vsub.f32 v1, v20  }
0x137: {  	v63 =	vld.idx.msk [tilespmem:v28+s16+$0x0], $0xffff;
	v28 =	vsub.f32 v46, v19;
	v48 =	vmul.f32 v47, v48;
	v52 =	vmul.f32 v60, v60  }
0x138: {  	v61 =	vld.idx.msk [tilespmem:v32+s14+$0x0], $0xffff;
	v30 =	vsub.f32 v30, v20;
	v53 =	vmul.f32 v53, v53;
	v1 =	vmul.f32 v1, v1  }
0x139: {  	v39 =	vadd.f32 v55, v39;
	v60 =	vld.idx.msk [tilespmem:v34+s16+$0x0], $0xffff;
	v28 =	vmul.f32 v28, v28;
	v48 =	vmul.f32 v48, v47  }
0x13a: {  	v34 =	vld.idx.msk [tilespmem:v34+s19+$0x0], $0xffff;
	v30 =	vmul.f32 v30, v30;
	v35 =	vadd.f32 v53, v35;
	v1 =	vadd.f32 v1, v36  }
0x13b: {  	v62 =	vld.idx.msk [tilespmem:v32+s17+$0x0], $0xffff;
	vm4 =	vlt.f32 v3, $5.760000230e+00;
	v51 =	vsub.f32 v51, v26;
	v48 =	vsub.f32 $1.500000000e+00, v48  }
0x13c: {  	v28 =	vadd.f32 v28, v37;
	v30 =	vadd.f32 v30, v43;
	v37 =	vmul.f32 v1, v35  }
0x13d: {  	v35 =	vadd.f32 v1, v35;
	vm5 =	vlt.f32 v1, $5.760000230e+00;
	v47 =	vmul.f32 v48, v47  }
0x13e: {  	v51 =	vmul.f32 v51, v51;
	v48 =	vmul.f32 v31, v31;
	v31 =	vsub.f32 v61, v27  }
0x13f: {  	v46 =	vsub.f32 v60, v19;
	v34 =	vsub.f32 v34, v20;
	v61 =	vld.idx.msk [tilespmem:v29+s16+$0x0], $0xffff;
	v44 =	vmul.f32 v47, v44  }
0x140: {  	v29 =	vld.idx.msk [tilespmem:v29+s19+$0x0], $0xffff;
	v47 =	vmul.f32 v31, v31;
	v31 =	vsub.f32 v62, v25;
	v62 =	vsub.f32 v58, v24  }
0x141: {  	v45 =	vadd.f32 v51, v45;
	v46 =	vmul.f32 v46, v46;
	v34 =	vmul.f32 v34, v34  }
0x142: {  	v48 =	vadd.f32 v49, v48;
	v59 =	vmul.f32 v62, v62;
	v62 =	vsub.f32 v63, v19;
	v63 =	vld.idx.msk [tilespmem:v32+s16+$0x0], $0xffff  }
0x143: {  	vm6 =	vlt.f32 v30, $5.760000230e+00;
	v41 =	vadd.f32 v46, v42;
	v34 =	vadd.f32 v34, v39;
	v32 =	vld.idx.msk [tilespmem:v32+s19+$0x0], $0xffff  }
0x144: {  	v44 =	vadd.f32 v44, v44;
	v57 =	vmul.f32 v31, v31;
	v50 =	vsub.f32 v61, v19  }
0x145: {  	v60 =	vshra.s32 v37, $0x1;
	v47 =	vadd.f32 v52, v47;
	v61 =	vld.idx.msk [tilespmem:v33+s16+$0x0], $0xffff;
	v29 =	vsub.f32 v29, v20  }
0x146: {  	v33 =	vld.idx.msk [tilespmem:v33+s19+$0x0], $0xffff;
	v2 =	vsub.f32 v2, v44;
	v44 =	vadd.f32 v59, v57;
	v56 =	vmul.f32 v50, v50  }
0x147: {  	v12 =	vld [tilespmem:$0x1FEF0];
	v57 =	vmul.f32 v62, v62;
	v29 =	vmul.f32 v29, v29;
	v51 =	vsub.f32 v63, v19  }
0x148: {  	vm2 =	vlt.f32 v34, $5.760000230e+00;
	v32 =	vsub.f32 v32, v20;
	v4 =	vadd.f32 v56, v4  }
0x149: {  	v2 =	vmul.f32 v2, v21;
	v29 =	vadd.f32 v29, v38;
	v38 =	vadd.f32 v57, v40  }
0x14a: {  	v40 =	vmul.f32 v30, v28;
	v58 =	vsub.f32 v61, v19;
	v59 =	vmul.f32 v51, v51  }
0x14b: {  	v33 =	vsub.f32 v33, v20;
	v32 =	vmul.f32 v32, v32;
	v39 =	vmul.f32 v29, v4  }
0x14c: {  	v12 =	vadd.f32 v2, v12;
	v43 =	vmul.f32 v3, v38;
	v54 =	vmul.f32 $5.000000000e-01, v40  }
0x14d: {  	v61 =	vshra.s32 v40, $0x1;
	v52 =	vmul.f32 v58, v58;
	v33 =	vmul.f32 v33, v33  }
0x14e: {  	v36 =	vadd.f32 v59, v47;
	v32 =	vadd.f32 v32, v44;
	v44 =	vmul.f32 v34, v41  }
0x14f: {  	v62 =	vshra.s32 v39, $0x1;
	v55 =	vmul.f32 $5.000000000e-01, v39;
	v47 =	vsub.s32 $0x5F3759DF, v61  }
0x150: {  	v56 =	vmul.f32 $5.000000000e-01, v43;
	v42 =	vadd.f32 v52, v45;
	v33 =	vadd.f32 v33, v48  }
0x151: {  	v52 =	vmul.f32 $5.000000000e-01, v37;
	v48 =	vsub.s32 $0x5F3759DF, v62;
	v51 =	vmul.f32 v47, v54  }
0x152: {  	v45 =	vsub.s32 $0x5F3759DF, v60;
	v53 =	vmul.f32 v32, v36;
	v58 =	vmul.f32 v48, v55  }
0x153: {  	v49 =	vshra.s32 v43, $0x1;
	v59 =	vmul.f32 $5.000000000e-01, v44;
	v63 =	vmul.f32 v45, v52  }
0x154: {  	v49 =	vsub.s32 $0x5F3759DF, v49;
	v46 =	vmul.f32 v33, v42;
	v51 =	vmul.f32 v47, v51  }
0x155: {  	v57 =	vshra.s32 v44, $0x1;
	v58 =	vmul.f32 v48, v58;
	v50 =	vmul.f32 v45, v63  }
0x156: {  	v62 =	vshra.s32 v53, $0x1;
	v63 =	vmul.f32 $5.000000000e-01, v53;
	v51 =	vsub.f32 $1.500000000e+00, v51  }
0x157: {  	v61 =	vmul.f32 $5.000000000e-01, v46;
	v62 =	vsub.s32 $0x5F3759DF, v62;
	v50 =	vsub.f32 $1.500000000e+00, v50  }
0x158: {  	v57 =	vsub.s32 $0x5F3759DF, v57;
	v5 =	vmul.f32 v47, v51;
	v2 =	vmul.f32 v62, v63  }
0x159: {  	v47 =	vmul.f32 v57, v59;
	v45 =	vmul.f32 v45, v50;
	v50 =	vsub.f32 $1.500000000e+00, v58  }
0x15a: {  	v60 =	vshra.s32 v46, $0x1;
	v58 =	vmul.f32 v49, v56;
	v2 =	vmul.f32 v62, v2  }
0x15b: {  	v51 =	vsub.s32 $0x5F3759DF, v60;
	v1 =	vmul.f32 v5, v54;
	v60 =	vmul.f32 v48, v50  }
0x15c: {  	vm3 =	vlt.f32 v29, $5.760000230e+00;
	v48 =	vmul.f32 v51, v61;
	v50 =	vmul.f32 v49, v58  }
0x15d: {  	vm0 =	vlt.f32 v32, $5.760000230e+00;
	v58 =	vmul.f32 v57, v47;
	v2 =	vsub.f32 $1.500000000e+00, v2  }
0x15e: {  	v1 =	vmul.f32 v1, v5;
	v7 =	vmul.f32 v51, v48;
	v48 =	vsub.f32 $1.500000000e+00, v50  }
0x15f: {  	v47 =	vadd.f32 v30, v28;
	v28 =	vsub.f32 $1.500000000e+00, v58;
	v2 =	vmul.f32 v62, v2  }
0x160: {  	v1 =	vsub.f32 $1.500000000e+00, v1;
	v58 =	vmul.f32 v49, v48;
	v48 =	vadd.f32 v29, v4  }
0x161: {  	v4 =	vsub.f32 $1.500000000e+00, v7;
	v7 =	vmul.f32 v57, v28;
	v28 =	vmul.f32 v45, v52  }
0x162: {  	vm1 =	vlt.f32 v33, $5.760000230e+00;
	v57 =	vmul.f32 v60, v55;
	v1 =	vmul.f32 v1, v5  }
0x163: {  	v54 =	vsel vm6, $0x3F800000, v13;
	v4 =	vmul.f32 v51, v4;
	v30 =	vmul.f32 v58, v56  }
0x164: {  	v50 =	vadd.f32 v34, v41;
	v59 =	vmul.f32 v7, v59;
	v28 =	vmul.f32 v28, v45  }
0x165: {  	v49 =	vadd.f32 v3, v38;
	v3 =	vmul.f32 v57, v60;
	v1 =	vmul.f32 v1, v40  }
0x166: {  	v52 =	vadd.f32 v32, v36;
	v29 =	vmul.f32 v4, v61;
	v61 =	vmul.f32 v2, v63  }
0x167: {  	v51 =	vadd.f32 v33, v42;
	v30 =	vmul.f32 v30, v58;
	v62 =	vmul.f32 v59, v7  }
0x168: {  	v28 =	vsub.f32 $1.500000000e+00, v28;
	v3 =	vsub.f32 $1.500000000e+00, v3;
	v29 =	vmul.f32 v29, v4  }
0x169: {  	v63 =	vmul.f32 v61, v2;
	v30 =	vsub.f32 $1.500000000e+00, v30;
	v34 =	vsub.f32 $1.500000000e+00, v62  }
0x16a: {  	s2 =	simm.s32 $0x96C0;
	v28 =	vmul.f32 v28, v45;
	v3 =	vmul.f32 v3, v60;
	v5 =	vsub.f32 $1.500000000e+00, v29  }
0x16b: {  	v55 =	vld [tilespmem:s2+$0x30];
	v56 =	vsel vm3, $0x3F800000, v13;
	v30 =	vmul.f32 v30, v58;
	v7 =	vmul.f32 v34, v7  }
0x16c: {  	v45 =	vld [tilespmem:$0x1FFD0];
	v29 =	vsub.f32 $1.500000000e+00, v63;
	v3 =	vmul.f32 v3, v39;
	v4 =	vmul.f32 v5, v4  }
0x16d: {  	p2 =	sne.s32 s1, $0x1;
	v57 =	vsel vm4, $0x3F800000, v13;
	v5 =	vmul.f32 v28, v37;
	v28 =	vmul.f32 v30, v43;
	v30 =	vld [tilespmem:s2+$0xFFFFFFD0]  }
.Ltmp14:
0x16e: {  	v41 =	vmovc v9;
	v36 =	vmovc v22;
	v59 =	vsel vm5, $0x3F800000, v13;
	v61 =	vadd.f32 v1, v1;
	v2 =	vmul.f32 v29, v2;
	v29 =	vld [tilespmem:s2+$0xFFFFFFE0];
	(pc) =	sbr.rel @!p2 .LBB2_17-.Ltmp14, $4  }
0x16f: {  	v38 =	vmovc v6;
	v7 =	vmul.f32 v7, v44;
	v62 =	vadd.f32 v3, v3;
	v43 =	vld [tilespmem:$0x1FFE0];
	v1 =	vmul.f32 v4, v46  }
0x170: {  	v40 =	vmovc v10;
	v44 =	vld [tilespmem:$0x1FFF0];
	v5 =	vadd.f32 v5, v5;
	v4 =	vmul.f32 v2, v53;
	v63 =	vadd.f32 v28, v28  }
0x171: {  	v42 =	vmovc v8;
	v58 =	vsel vm2, $0x3F800000, v13;
	v39 =	vmovc v17;
	v2 =	vadd.f32 v7, v7;
	v28 =	vld [tilespmem:s2+$0xFFFFFFF0];
	v3 =	vadd.f32 v1, v1  }
0x172: {  	s1 =	sadd.s32 $0xFFFFFFFF, s1;
	p1 =	por $0x1, $0x1;
	v34 =	vmovc v18;
	v37 =	vmovc v11;
	v46 =	vld [tilespmem:$0x1FFC0];
	v1 =	vsub.f32 v35, v5;
	v4 =	vadd.f32 v4, v4;
	v35 =	vmov v15  }
.LBB2_18:
0x173: {  	_ =	sdelay $0x2  }
0x174: {  	v53 =	vld [tilespmem:s2+$0x0]  }
0x175: {  	v5 =	vsub.f32 v47, v61;
	v47 =	vld [tilespmem:s2+$0x20]  }
0x176: {  	v7 =	vsub.f32 v48, v62;
	v48 =	vld [tilespmem:s2+$0x10]  }
0x177: {  	v33 =	vsub.f32 v49, v63;
	v49 =	vld [tilespmem:s2+$0xFFFFFFC0]  }
0x178: {  	v5 =	vmul.f32 v5, v54;
	v9 =	vld.idx.msk [tilespmem:v55+s14+$0x0], $0xffff  }
0x179: {  	v10 =	vld.idx.msk [tilespmem:v55+s15+$0x0], $0xffff  }
0x17a: {  	v43 =	vadd.f32 v59, v43;
	v45 =	vadd.f32 v5, v45;
	v5 =	vld.idx.msk [tilespmem:v55+s17+$0x0], $0xffff  }
0x17b: {  	v34 =	vadd.f32 v54, v34;
	v4 =	vsub.f32 v52, v4;
	v61 =	vld.idx.msk [tilespmem:v30+s15+$0x0], $0xffff  }
0x17c: {  	v35 =	vadd.f32 v56, v35;
	v37 =	vadd.f32 v57, v37;
	v63 =	vsel vm0, $0x3F800000, v13;
	v62 =	vld.idx.msk [tilespmem:v30+s17+$0x0], $0xffff  }
0x17d: {  	v1 =	vmul.f32 v1, v59;
	v42 =	vadd.f32 v63, v42;
	v4 =	vmul.f32 v4, v63;
	v63 =	vld.idx.msk [tilespmem:v30+s18+$0x0], $0xffff  }
0x17e: {  	v60 =	vsel vm1, $0x3F800000, v13;
	v40 =	vadd.f32 v58, v40;
	v2 =	vsub.f32 v50, v2;
	v54 =	vld.idx.msk [tilespmem:v29+s18+$0x0], $0xffff  }
0x17f: {  	v3 =	vsub.f32 v51, v3;
	v44 =	vadd.f32 v1, v44;
	v1 =	vmul.f32 v33, v57;
	v59 =	vld.idx.msk [tilespmem:v28+s14+$0x0], $0xffff  }
0x180: {  	v38 =	vadd.f32 v21, v38;
	v7 =	vmul.f32 v7, v56;
	v2 =	vmul.f32 v2, v58;
	v8 =	vld.idx.msk [tilespmem:v28+s18+$0x0], $0xffff  }
0x181: {  	v41 =	vadd.f32 v60, v41;
	v3 =	vmul.f32 v3, v60;
	v36 =	vadd.f32 v1, v36;
	v1 =	vld.idx.msk [tilespmem:v55+s18+$0x0], $0xffff  }
0x182: {  	v46 =	vadd.f32 v7, v46;
	v39 =	vadd.f32 v2, v39;
	v2 =	vld.idx.msk [tilespmem:v55+s16+$0x0], $0xffff  }
0x183: {  	v16 =	vadd.f32 v3, v16;
	v14 =	vadd.f32 v4, v14;
	v3 =	vld.idx.msk [tilespmem:v55+s19+$0x0], $0xffff  }
0x184: {  	v4 =	vld.idx.msk [tilespmem:v30+s14+$0x0], $0xffff;
	v11 =	vsub.f32 v9, v27;
	v32 =	vsub.f32 v10, v26  }
0x185: {  	v13 =	vld.idx.msk [tilespmem:v53+s15+$0x0], $0xffff;
	v5 =	vsub.f32 v5, v25;
	v56 =	vsub.f32 v62, v25  }
0x186: {  	[tilespmem:$0x1FEE0] =	vst v14;
	v14 =	vld.idx.msk [tilespmem:v53+s18+$0x0], $0xffff;
	v57 =	vsub.f32 v63, v24;
	v54 =	vsub.f32 v54, v24  }
0x187: {  	[tilespmem:$0x1FED0] =	vst v16;
	v15 =	vld.idx.msk [tilespmem:v47+s15+$0x0], $0xffff;
	v8 =	vsub.f32 v8, v24;
	v1 =	vsub.f32 v1, v24  }
0x188: {  	v7 =	vld.idx.msk [tilespmem:v49+s14+$0x0], $0xffff;
	v2 =	vsub.f32 v2, v19;
	v3 =	vsub.f32 v3, v20;
	v50 =	vmul.f32 v11, v11  }
0x189: {  	v31 =	vld.idx.msk [tilespmem:v49+s15+$0x0], $0xffff;
	v4 =	vsub.f32 v4, v27;
	v51 =	vmul.f32 v32, v32;
	v5 =	vmul.f32 v5, v5  }
0x18a: {  	v33 =	vld.idx.msk [tilespmem:v49+s17+$0x0], $0xffff;
	v11 =	vsub.f32 v61, v26;
	v56 =	vmul.f32 v56, v56;
	v57 =	vmul.f32 v57, v57  }
0x18b: {  	v60 =	vld.idx.msk [tilespmem:v49+s18+$0x0], $0xffff;
	v54 =	vmul.f32 v54, v54;
	v1 =	vmul.f32 v1, v1;
	v50 =	vadd.f32 v51, v50  }
0x18c: {  	v9 =	vld.idx.msk [tilespmem:v29+s14+$0x0], $0xffff;
	v2 =	vmul.f32 v2, v2;
	v13 =	vsub.f32 v13, v26;
	v56 =	vadd.f32 v57, v56  }
0x18d: {  	v16 =	vld.idx.msk [tilespmem:v47+s18+$0x0], $0xffff;
	v3 =	vmul.f32 v3, v3;
	v1 =	vadd.f32 v1, v5;
	v5 =	vsub.f32 v7, v27  }
0x18e: {  	v10 =	vld.idx.msk [tilespmem:v29+s15+$0x0], $0xffff;
	v4 =	vmul.f32 v4, v4;
	v7 =	vsub.f32 v31, v26;
	v2 =	vadd.f32 v2, v50  }
0x18f: {  	v63 =	vld.idx.msk [tilespmem:v28+s17+$0x0], $0xffff;
	v52 =	vmul.f32 v11, v11;
	v31 =	vadd.f32 v3, v1;
	v3 =	vsub.f32 v33, v25  }
0x190: {  	v17 =	vld.idx.msk [tilespmem:v49+s16+$0x0], $0xffff;
	v1 =	vmul.f32 v5, v5;
	v5 =	vsub.f32 v60, v24;
	v7 =	vmul.f32 v7, v7  }
0x191: {  	v49 =	vld.idx.msk [tilespmem:v49+s19+$0x0], $0xffff;
	v51 =	vsub.f32 v9, v27;
	v55 =	vmul.f32 v31, v2;
	v3 =	vmul.f32 v3, v3  }
0x192: {  	v11 =	vld.idx.msk [tilespmem:v53+s14+$0x0], $0xffff;
	v5 =	vmul.f32 v5, v5;
	v50 =	vadd.f32 v7, v1;
	v7 =	vsub.f32 v59, v27  }
0x193: {  	v58 =	vsub.f32 v10, v26;
	v33 =	vld.idx.msk [tilespmem:v29+s17+$0x0], $0xffff;
	v10 =	vmul.f32 v51, v51;
	v32 =	vshra.s32 v55, $0x1  }
0x194: {  	v62 =	vmul.f32 $5.000000000e-01, v55;
	v51 =	vadd.f32 v5, v3;
	v3 =	vmul.f32 v7, v7;
	v7 =	vld.idx.msk [tilespmem:v48+s14+$0x0], $0xffff  }
0x195: {  	v14 =	vsub.f32 v14, v24;
	v15 =	vsub.f32 v15, v26;
	v61 =	vsub.s32 $0x5F3759DF, v32;
	v32 =	vld.idx.msk [tilespmem:v53+s17+$0x0], $0xffff  }
0x196: {  	v16 =	vsub.f32 v16, v24;
	v5 =	vsub.f32 v63, v25;
	v63 =	vld.idx.msk [tilespmem:v48+s15+$0x0], $0xffff;
	v9 =	vmul.f32 v61, v62  }
0x197: {  	v4 =	vadd.f32 v52, v4;
	v52 =	vld.idx.msk [tilespmem:v48+s17+$0x0], $0xffff;
	v58 =	vmul.f32 v58, v58;
	v11 =	vsub.f32 v11, v27  }
0x198: {  	v13 =	vmul.f32 v13, v13;
	v60 =	vld.idx.msk [tilespmem:v28+s15+$0x0], $0xffff;
	v33 =	vsub.f32 v33, v25;
	v9 =	vmul.f32 v61, v9  }
0x199: {  	v10 =	vadd.f32 v58, v10;
	v58 =	vld.idx.msk [tilespmem:v47+s17+$0x0], $0xffff;
	v11 =	vmul.f32 v11, v11;
	v7 =	vsub.f32 v7, v27  }
0x19a: {  	v1 =	vmul.f32 v33, v33;
	v9 =	vsub.f32 $1.500000000e+00, v9;
	v33 =	vsub.f32 v32, v25;
	v32 =	vld.idx.msk [tilespmem:v47+s14+$0x0], $0xffff  }
0x19b: {  	v8 =	vmul.f32 v8, v8;
	v11 =	vadd.f32 v13, v11;
	v13 =	vld.idx.msk [tilespmem:v53+s19+$0x0], $0xffff;
	v63 =	vsub.f32 v63, v26  }
0x19c: {  	v17 =	vsub.f32 v17, v19;
	v7 =	vmul.f32 v7, v7;
	v9 =	vmul.f32 v61, v9;
	v61 =	vld.idx.msk [tilespmem:v48+s18+$0x0], $0xffff  }
0x19d: {  	v1 =	vadd.f32 v54, v1;
	v54 =	vmul.f32 v63, v63;
	v57 =	vmul.f32 v33, v33;
	v33 =	vld.idx.msk [tilespmem:v30+s16+$0x0], $0xffff  }
0x19e: {  	v14 =	vmul.f32 v14, v14;
	v60 =	vsub.f32 v60, v26;
	v30 =	vld.idx.msk [tilespmem:v30+s19+$0x0], $0xffff;
	v62 =	vmul.f32 v9, v62  }
0x19f: {  	v5 =	vmul.f32 v5, v5;
	v7 =	vadd.f32 v54, v7;
	v54 =	vld.idx.msk [tilespmem:v47+s16+$0x0], $0xffff;
	v59 =	vsub.f32 v32, v27  }
0x1a0: {  	v49 =	vsub.f32 v49, v20;
	v60 =	vmul.f32 v60, v60;
	v47 =	vld.idx.msk [tilespmem:v47+s19+$0x0], $0xffff;
	v62 =	vmul.f32 v62, v9  }
0x1a1: {  	v5 =	vadd.f32 v8, v5;
	v61 =	vsub.f32 v61, v24;
	v8 =	vmul.f32 v59, v59;
	v59 =	vld.idx.msk [tilespmem:v28+s16+$0x0], $0xffff  }
0x1a2: {  	v16 =	vmul.f32 v16, v16;
	v58 =	vsub.f32 v58, v25;
	v28 =	vld.idx.msk [tilespmem:v28+s19+$0x0], $0xffff;
	v62 =	vsub.f32 $1.500000000e+00, v62  }
0x1a3: {  	v17 =	vmul.f32 v17, v17;
	v3 =	vadd.f32 v60, v3;
	v60 =	vmul.f32 v61, v61;
	v61 =	vld.idx.msk [tilespmem:v53+s16+$0x0], $0xffff  }
0x1a4: {  	v2 =	vadd.f32 v31, v2;
	v58 =	vmul.f32 v58, v58;
	v9 =	vmul.f32 v62, v9;
	v62 =	vld.idx.msk [tilespmem:v48+s16+$0x0], $0xffff  }
0x1a5: {  	v15 =	vmul.f32 v15, v15;
	v52 =	vsub.f32 v52, v25;
	v17 =	vadd.f32 v17, v50;
	v48 =	vld.idx.msk [tilespmem:v48+s19+$0x0], $0xffff  }
0x1a6: {  	v13 =	vsub.f32 v13, v20;
	v16 =	vadd.f32 v16, v58;
	v9 =	vmul.f32 v9, v55;
	v55 =	vld.idx.msk [tilespmem:v29+s16+$0x0], $0xffff  }
0x1a7: {  	v52 =	vmul.f32 v52, v52;
	v14 =	vadd.f32 v14, v57;
	v30 =	vsub.f32 v30, v20;
	v29 =	vld.idx.msk [tilespmem:v29+s19+$0x0], $0xffff  }
0x1a8: {  	v0 =	vimm.f32 $0.0e+00;
	v47 =	vsub.f32 v47, v20;
	v8 =	vadd.f32 v15, v8  }
0x1a9: {  	v49 =	vmul.f32 v49, v49;
	v52 =	vadd.f32 v60, v52;
	v9 =	vadd.f32 v9, v9  }
0x1aa: {  	vm0 =	vlt.f32 v31, $5.760000230e+00;
	v63 =	vsub.f32 v59, v19;
	v28 =	vsub.f32 v28, v20  }
0x1ab: {  	v13 =	vmul.f32 v13, v13;
	v61 =	vsub.f32 v61, v19;
	v2 =	vsub.f32 v2, v9  }
0x1ac: {  	v32 =	vsel vm0, $0x3F800000, v0;
	v48 =	vsub.f32 v48, v20;
	v29 =	vsub.f32 v29, v20  }
0x1ad: {  	v9 =	vsub.f32 v33, v19;
	v53 =	vsub.f32 v55, v19;
	v2 =	vmul.f32 v2, v32  }
0x1ae: {  	v15 =	vmul.f32 v29, v29;
	v29 =	vmul.f32 v28, v28;
	v28 =	vsub.f32 v62, v19  }
0x1af: {  	v53 =	vmul.f32 v53, v53;
	v33 =	vadd.f32 v2, v12;
	v2 =	vmul.f32 v9, v9  }
0x1b0: {  	v9 =	vmul.f32 v63, v63;
	v63 =	vmul.f32 v28, v28;
	v28 =	vsub.f32 v54, v19  }
0x1b1: {  	v30 =	vmul.f32 v30, v30;
	v54 =	vadd.f32 v49, v51;
	v10 =	vadd.f32 v53, v10  }
0x1b2: {  	v62 =	vmul.f32 v61, v61;
	v1 =	vadd.f32 v15, v1;
	v5 =	vadd.f32 v29, v5  }
0x1b3: {  	v48 =	vmul.f32 v48, v48;
	v2 =	vadd.f32 v2, v4;
	v4 =	vadd.f32 v30, v56  }
0x1b4: {  	v3 =	vadd.f32 v9, v3;
	v9 =	vadd.f32 v62, v11  }
0x1b5: {  	v15 =	vmul.f32 v47, v47;
	v11 =	vadd.f32 v13, v14;
	v13 =	vadd.f32 v48, v52  }
0x1b6: {  	v57 =	vmul.f32 v28, v28;
	v28 =	vmul.f32 v54, v17;
	v7 =	vadd.f32 v63, v7  }
0x1b7: {  	v30 =	vmul.f32 v1, v10;
	v14 =	vadd.f32 v15, v16;
	v17 =	vadd.f32 v54, v17  }
0x1b8: {  	vm5 =	vlt.f32 v54, $5.760000230e+00;
	vm3 =	vlt.f32 v1, $5.760000230e+00;
	v29 =	vmul.f32 v4, v2  }
0x1b9: {  	vm4 =	vlt.f32 v5, $5.760000230e+00;
	v53 =	vmul.f32 v5, v3;
	v55 =	vmul.f32 v11, v9  }
0x1ba: {  	vm6 =	vlt.f32 v4, $5.760000230e+00;
	v8 =	vadd.f32 v57, v8;
	v15 =	vshra.s32 v28, $0x1  }
0x1bb: {  	v56 =	vmul.f32 v13, v7;
	v16 =	vmul.f32 $5.000000000e-01, v28;
	v48 =	vshra.s32 v30, $0x1  }
0x1bc: {  	v59 =	vmul.f32 $5.000000000e-01, v30;
	v47 =	vshra.s32 v29, $0x1;
	v58 =	vmul.f32 $5.000000000e-01, v29  }
0x1bd: {  	v31 =	vmovc v26;
	v49 =	vshra.s32 v53, $0x1;
	v60 =	vmul.f32 $5.000000000e-01, v53;
	v50 =	vshra.s32 v55, $0x1  }
0x1be: {  	v26 =	vmovc v24;
	v24 =	vmovc v19;
	v61 =	vmul.f32 $5.000000000e-01, v55;
	v15 =	vsub.s32 $0x5F3759DF, v15;
	v19 =	vsub.s32 $0x5F3759DF, v48  }
0x1bf: {  	v23 =	vmovc v27;
	v48 =	vadd.f32 v1, v10;
	v57 =	vmul.f32 v14, v8;
	v51 =	vshra.s32 v56, $0x1  }
0x1c0: {  	v27 =	vmovc v25;
	v25 =	vmovc v20;
	v62 =	vmul.f32 $5.000000000e-01, v56;
	v18 =	vsub.s32 $0x5F3759DF, v47;
	v20 =	vsub.s32 $0x5F3759DF, v49  }
0x1c1: {  	v49 =	vmul.f32 v15, v16;
	v47 =	vadd.f32 v4, v2;
	v2 =	vmul.f32 v19, v59  }
0x1c2: {  	v21 =	vsub.s32 $0x5F3759DF, v50;
	v50 =	vmul.f32 v18, v58;
	v12 =	vmul.f32 v20, v60  }
0x1c3: {  	v51 =	vsub.s32 $0x5F3759DF, v51;
	v10 =	vmul.f32 v21, v61;
	v63 =	vmul.f32 $5.000000000e-01, v57  }
0x1c4: {  	v52 =	vshra.s32 v57, $0x1;
	v0 =	vmul.f32 v51, v62;
	v6 =	vmul.f32 v15, v49  }
0x1c5: {  	v49 =	vadd.f32 v5, v3;
	v2 =	vmul.f32 v19, v2;
	v52 =	vsub.s32 $0x5F3759DF, v52  }
0x1c6: {  	v22 =	vmul.f32 v18, v50;
	v50 =	vadd.f32 v11, v9;
	v9 =	vmul.f32 v20, v12  }
0x1c7: {  	v10 =	vmul.f32 v21, v10;
	v3 =	vmul.f32 v52, v63;
	v6 =	vsub.f32 $1.500000000e+00, v6  }
0x1c8: {  	v0 =	vmul.f32 v51, v0;
	v2 =	vsub.f32 $1.500000000e+00, v2;
	v12 =	vsub.f32 $1.500000000e+00, v22  }
0x1c9: {  	v9 =	vsub.f32 $1.500000000e+00, v9;
	v10 =	vsub.f32 $1.500000000e+00, v10;
	v3 =	vmul.f32 v52, v3  }
0x1ca: {  	v6 =	vmul.f32 v15, v6;
	v0 =	vsub.f32 $1.500000000e+00, v0;
	v2 =	vmul.f32 v19, v2  }
0x1cb: {  	vm2 =	vlt.f32 v11, $5.760000230e+00;
	v12 =	vmul.f32 v18, v12;
	v9 =	vmul.f32 v20, v9  }
0x1cc: {  	v10 =	vmul.f32 v21, v10;
	v3 =	vsub.f32 $1.500000000e+00, v3;
	v0 =	vmul.f32 v51, v0  }
0x1cd: {  	v51 =	vadd.f32 v13, v7;
	v7 =	vmul.f32 v6, v16;
	v15 =	vmul.f32 v2, v59  }
0x1ce: {  	vm1 =	vlt.f32 v13, $5.760000230e+00;
	v58 =	vmul.f32 v12, v58;
	v4 =	vmul.f32 v9, v60  }
0x1cf: {  	vm0 =	vlt.f32 v14, $5.760000230e+00;
	v16 =	vmul.f32 v10, v61;
	v3 =	vmul.f32 v52, v3  }
0x1d0: {  	v13 =	vimm.f32 $0.0e+00;
	v1 =	vmul.f32 v0, v62;
	v7 =	vmul.f32 v7, v6  }
0x1d1: {  	v52 =	vadd.f32 v14, v8;
	v5 =	vmul.f32 v15, v2;
	v8 =	vmul.f32 v58, v12  }
0x1d2: {  	v59 =	vsel vm5, $0x3F800000, v13;
	v4 =	vmul.f32 v4, v9;
	v62 =	vmul.f32 v16, v10  }
0x1d3: {  	v18 =	vmul.f32 v3, v63;
	v7 =	vsub.f32 $1.500000000e+00, v7;
	v5 =	vsub.f32 $1.500000000e+00, v5  }
0x1d4: {  	v1 =	vmul.f32 v1, v0;
	v8 =	vsub.f32 $1.500000000e+00, v8;
	v4 =	vsub.f32 $1.500000000e+00, v4  }
0x1d5: {  	v15 =	vmul.f32 v18, v3;
	v6 =	vmul.f32 v7, v6;
	v7 =	vsub.f32 $1.500000000e+00, v62  }
0x1d6: {  	v1 =	vsub.f32 $1.500000000e+00, v1;
	v2 =	vmul.f32 v5, v2;
	v8 =	vmul.f32 v8, v12  }
0x1d7: {  	v54 =	vsel vm6, $0x3F800000, v13;
	v4 =	vmul.f32 v4, v9;
	v5 =	vmul.f32 v7, v10  }
0x1d8: {  	v63 =	vsub.f32 $1.500000000e+00, v15;
	v0 =	vmul.f32 v1, v0;
	v1 =	vmul.f32 v6, v28  }
0x1d9: {  	p2 =	sne.s32 s1, $0x1;
	v19 =	vmovc v24;
	v14 =	vld [tilespmem:$0x1FEE0];
	v58 =	vsel vm2, $0x3F800000, v13;
	v2 =	vmul.f32 v2, v30;
	v6 =	vmul.f32 v8, v29  }
.Ltmp15:
0x1da: {  	s2 =	sadd.s32 $0x80, s2;
	v24 =	vmovc v26;
	v16 =	vld [tilespmem:$0x1FED0];
	v4 =	vmul.f32 v4, v53;
	v3 =	vmul.f32 v63, v3;
	v1 =	vadd.f32 v1, v1;
	(pc) =	sbr.rel @p2 .LBB2_18-.Ltmp15, $4  }
0x1db: {  	v26 =	vmovc v31;
	v30 =	vld [tilespmem:s2+$0xFFFFFFD0];
	v5 =	vmul.f32 v5, v55;
	v0 =	vmul.f32 v0, v56;
	v62 =	vadd.f32 v2, v2  }
0x1dc: {  	v20 =	vmovc v25;
	v28 =	vld [tilespmem:s2+$0xFFFFFFF0];
	v61 =	vadd.f32 v6, v6;
	v63 =	vadd.f32 v4, v4;
	v6 =	vmul.f32 v3, v57  }
0x1dd: {  	v25 =	vmovc v27;
	v27 =	vmovc v23;
	v29 =	vld [tilespmem:s2+$0xFFFFFFE0];
	v56 =	vsel vm3, $0x3F800000, v13;
	v2 =	vadd.f32 v5, v5;
	v3 =	vadd.f32 v0, v0  }
0x1de: {  	s1 =	sadd.s32 $0xFFFFFFFF, s1;
	v21 =	vmovc v32;
	v12 =	vmovc v33;
	v55 =	vld [tilespmem:s2+$0x30];
	v57 =	vsel vm4, $0x3F800000, v13;
	v1 =	vsub.f32 v17, v1;
	v4 =	vadd.f32 v6, v6  }
0x1df: {  	[tilespmem:$0x1FEF0] =	vst v12  }
.LBB2_20:
0x1e0: {  	_ =	sdelay $0x1  }
0x1e1: {  	v60 =	vld [tilespmem:s2+$0xFFFFFFC0]  }
0x1e2: {  	v53 =	vld [tilespmem:s2+$0x10]  }
0x1e3: {  	v4 =	vsub.f32 @p1 v52, v4;
	v52 =	vld [tilespmem:s2+$0x20]  }
0x1e4: {  	v5 =	vsub.f32 @p1 v47, v61;
	v61 =	vimm.f32 $0.0e+00;
	v17 =	vld.idx.msk [tilespmem:v28+s14+$0x0], $0xffff  }
0x1e5: {  	v8 =	vsel @p1 vm1, $0x3F800000, v13;
	v13 =	vsel @p1 vm0, $0x3F800000, v61;
	v18 =	vld.idx.msk [tilespmem:v28+s15+$0x0], $0xffff  }
0x1e6: {  	v7 =	vsub.f32 @p1 v48, v62;
	v4 =	vmul.f32 @p1 v4, v13;
	v32 =	vadd.f32 @p1 v13, v42;
	v13 =	vld.idx.msk [tilespmem:v29+s15+$0x0], $0xffff  }
0x1e7: {  	v9 =	vsub.f32 @p1 v49, v63;
	v2 =	vsub.f32 @p1 v50, v2;
	v0 =	vld.idx.msk [tilespmem:v55+s14+$0x0], $0xffff  }
0x1e8: {  	v3 =	vsub.f32 @p1 v51, v3;
	v43 =	vadd.f32 @p1 v59, v43;
	v6 =	vld.idx.msk [tilespmem:v55+s15+$0x0], $0xffff  }
0x1e9: {  	v1 =	vmul.f32 @p1 v1, v59;
	v49 =	vadd.f32 @p1 v56, v35;
	v35 =	vadd.f32 @p1 v57, v37;
	v10 =	vld.idx.msk [tilespmem:v55+s17+$0x0], $0xffff  }
0x1ea: {  	v33 =	vadd.f32 @p1 v58, v40;
	v5 =	vmul.f32 @p1 v5, v54;
	v9 =	vmul.f32 @p1 v9, v57;
	v11 =	vld.idx.msk [tilespmem:v55+s18+$0x0], $0xffff  }
0x1eb: {  	v31 =	vadd.f32 @p1 v21, v38;
	v44 =	vadd.f32 @p1 v1, v44;
	v2 =	vmul.f32 @p1 v2, v58;
	v12 =	vld.idx.msk [tilespmem:v55+s16+$0x0], $0xffff  }
0x1ec: {  	v7 =	vmul.f32 @p1 v7, v56;
	v62 =	vld.idx.msk [tilespmem:v55+s19+$0x0], $0xffff;
	v45 =	vadd.f32 @p1 v5, v45;
	v47 =	vadd.f32 @p1 v9, v36  }
0x1ed: {  	v3 =	vmul.f32 @p1 v3, v8;
	v36 =	vadd.f32 @p1 v2, v39;
	v39 =	vadd.f32 @p1 v54, v34;
	v54 =	vld.idx.msk [tilespmem:v30+s15+$0x0], $0xffff  }
0x1ee: {  	v46 =	vadd.f32 @p1 v7, v46;
	v50 =	vadd.f32 @p1 v4, v14;
	v4 =	vld.idx.msk [tilespmem:v30+s17+$0x0], $0xffff  }
0x1ef: {  	v48 =	vadd.f32 @p1 v3, v16;
	v34 =	vadd.f32 @p1 v8, v41;
	v14 =	vld.idx.msk [tilespmem:v29+s17+$0x0], $0xffff  }
0x1f0: {  	v16 =	vld.idx.msk [tilespmem:v29+s18+$0x0], $0xffff;
	v17 =	vsub.f32 v17, v27;
	v18 =	vsub.f32 v18, v26  }
0x1f1: {  	v13 =	vsub.f32 v13, v26;
	v7 =	vsub.f32 v11, v24;
	v11 =	vld.idx.msk [tilespmem:v30+s14+$0x0], $0xffff  }
0x1f2: {  	v0 =	vsub.f32 v0, v27;
	v5 =	vsub.f32 v6, v26;
	v63 =	vld.idx.msk [tilespmem:v60+s14+$0x0], $0xffff  }
0x1f3: {  	v6 =	vsub.f32 v10, v25;
	v10 =	vsub.f32 v12, v19;
	v3 =	vld.idx.msk [tilespmem:v60+s17+$0x0], $0xffff  }
0x1f4: {  	v1 =	vsub.f32 v62, v20;
	v22 =	vld.idx.msk [tilespmem:v52+s17+$0x0], $0xffff;
	v0 =	vmul.f32 v0, v0;
	v5 =	vmul.f32 v5, v5  }
0x1f5: {  	v57 =	vld.idx.msk [tilespmem:v53+s18+$0x0], $0xffff;
	v4 =	vsub.f32 v4, v25;
	v6 =	vmul.f32 v6, v6;
	v7 =	vmul.f32 v7, v7  }
0x1f6: {  	v14 =	vsub.f32 v14, v25;
	v16 =	vsub.f32 v16, v24;
	v9 =	vmul.f32 v10, v10;
	v10 =	vld.idx.msk [tilespmem:v60+s15+$0x0], $0xffff  }
0x1f7: {  	v1 =	vmul.f32 v1, v1;
	v0 =	vadd.f32 v5, v0;
	v5 =	vadd.f32 v7, v6;
	v6 =	vld.idx.msk [tilespmem:v60+s18+$0x0], $0xffff  }
0x1f8: {  	v55 =	vld [tilespmem:s2+$0x0];
	v8 =	vsub.f32 v11, v27;
	v2 =	vsub.f32 v63, v27  }
0x1f9: {  	v13 =	vmul.f32 v13, v13;
	v0 =	vadd.f32 v9, v0;
	v51 =	vadd.f32 v1, v5  }
0x1fa: {  	v4 =	vmul.f32 v4, v4;
	v3 =	vsub.f32 v3, v25;
	v22 =	vsub.f32 v22, v25  }
0x1fb: {  	v58 =	vld.idx.msk [tilespmem:v30+s16+$0x0], $0xffff;
	v59 =	vsub.f32 v57, v24;
	v10 =	vsub.f32 v10, v26;
	v5 =	vmul.f32 v51, v0  }
0x1fc: {  	v7 =	vld.idx.msk [tilespmem:v30+s18+$0x0], $0xffff;
	v1 =	vsub.f32 v54, v26;
	v2 =	vmul.f32 v2, v2;
	v6 =	vsub.f32 v6, v24  }
0x1fd: {  	v23 =	vmovc v19;
	v9 =	vld.idx.msk [tilespmem:v29+s14+$0x0], $0xffff;
	v10 =	vmul.f32 v10, v10;
	v11 =	vshra.s32 v5, $0x1;
	v12 =	vmul.f32 $5.000000000e-01, v5  }
0x1fe: {  	v56 =	vmovc v20;
	v19 =	vld.idx.msk [tilespmem:v28+s17+$0x0], $0xffff;
	v3 =	vmul.f32 v3, v3;
	v11 =	vsub.s32 $0x5F3759DF, v11;
	v6 =	vmul.f32 v6, v6  }
0x1ff: {  	v8 =	vmul.f32 v8, v8;
	v2 =	vadd.f32 v10, v2;
	v10 =	vld.idx.msk [tilespmem:v28+s18+$0x0], $0xffff;
	v15 =	vmul.f32 v11, v12  }
0x200: {  	v20 =	vld.idx.msk [tilespmem:v55+s15+$0x0], $0xffff;
	v1 =	vmul.f32 v1, v1;
	v3 =	vadd.f32 v6, v3;
	v6 =	vmul.f32 v14, v14  }
0x201: {  	v21 =	vld.idx.msk [tilespmem:v55+s17+$0x0], $0xffff;
	v7 =	vsub.f32 v7, v24;
	v14 =	vmul.f32 v16, v16;
	v15 =	vmul.f32 v11, v15  }
0x202: {  	v40 =	vld.idx.msk [tilespmem:v55+s19+$0x0], $0xffff;
	v1 =	vadd.f32 v1, v8;
	v8 =	vmul.f32 v17, v17;
	v9 =	vsub.f32 v9, v27  }
0x203: {  	v17 =	vmul.f32 v18, v18;
	v18 =	vld.idx.msk [tilespmem:v52+s14+$0x0], $0xffff;
	v6 =	vadd.f32 v14, v6;
	v15 =	vsub.f32 $1.500000000e+00, v15  }
0x204: {  	v7 =	vmul.f32 v7, v7;
	v16 =	vld.idx.msk [tilespmem:v53+s14+$0x0], $0xffff;
	v14 =	vsub.f32 v19, v25;
	v10 =	vsub.f32 v10, v24  }
0x205: {  	v20 =	vsub.f32 v20, v26;
	v9 =	vmul.f32 v9, v9;
	v11 =	vmul.f32 v11, v15;
	v15 =	vld.idx.msk [tilespmem:v55+s14+$0x0], $0xffff  }
0x206: {  	v63 =	vld.idx.msk [tilespmem:v29+s19+$0x0], $0xffff;
	v0 =	vadd.f32 v51, v0;
	v14 =	vmul.f32 v14, v14;
	v10 =	vmul.f32 v10, v10  }
0x207: {  	v4 =	vadd.f32 v7, v4;
	v7 =	vadd.f32 v13, v9;
	v9 =	vmul.f32 v11, v12;
	v12 =	vld.idx.msk [tilespmem:v53+s15+$0x0], $0xffff  }
0x208: {  	v22 =	vmul.f32 v22, v22;
	v10 =	vadd.f32 v10, v14;
	v14 =	vsub.f32 v21, v25;
	v21 =	vld.idx.msk [tilespmem:v60+s16+$0x0], $0xffff  }
0x209: {  	v13 =	vld.idx.msk [tilespmem:v52+s15+$0x0], $0xffff;
	v18 =	vsub.f32 v18, v27;
	v16 =	vsub.f32 v16, v27;
	v9 =	vmul.f32 v9, v11  }
0x20a: {  	v20 =	vmul.f32 v20, v20;
	v8 =	vadd.f32 v17, v8;
	v17 =	vld.idx.msk [tilespmem:v55+s18+$0x0], $0xffff;
	v15 =	vsub.f32 v15, v27  }
0x20b: {  	v19 =	vld.idx.msk [tilespmem:v53+s17+$0x0], $0xffff;
	v18 =	vmul.f32 v18, v18;
	v16 =	vmul.f32 v16, v16;
	v9 =	vsub.f32 $1.500000000e+00, v9  }
0x20c: {  	v62 =	vld.idx.msk [tilespmem:v29+s16+$0x0], $0xffff;
	v29 =	vsub.f32 v40, v56;
	v14 =	vmul.f32 v14, v14;
	v15 =	vmul.f32 v15, v15  }
0x20d: {  	v42 =	vld.idx.msk [tilespmem:v52+s19+$0x0], $0xffff;
	v21 =	vsub.f32 v21, v23;
	v9 =	vmul.f32 v9, v11;
	v11 =	vsub.f32 v12, v26  }
0x20e: {  	v12 =	vsub.f32 v13, v26;
	v15 =	vadd.f32 v20, v15;
	v20 =	vmul.f32 v59, v59  }
0x20f: {  	v13 =	vld.idx.msk [tilespmem:v52+s18+$0x0], $0xffff;
	v26 =	vsub.f32 v63, v56;
	v21 =	vmul.f32 v21, v21;
	v5 =	vmul.f32 v9, v5  }
0x210: {  	v37 =	vld.idx.msk [tilespmem:v28+s19+$0x0], $0xffff;
	v9 =	vsub.f32 v17, v24;
	v17 =	vsub.f32 v19, v25;
	v11 =	vmul.f32 v11, v11  }
0x211: {  	v41 =	vld.idx.msk [tilespmem:v53+s19+$0x0], $0xffff;
	v12 =	vmul.f32 v12, v12;
	v25 =	vsub.f32 v58, v23;
	v2 =	vadd.f32 v21, v2  }
0x212: {  	v19 =	vld.idx.msk [tilespmem:v60+s19+$0x0], $0xffff;
	v26 =	vmul.f32 v26, v26;
	v21 =	vsub.f32 v42, v56;
	v5 =	vadd.f32 v5, v5  }
0x213: {  	v60 =	vld.idx.msk [tilespmem:v30+s19+$0x0], $0xffff;
	v9 =	vmul.f32 v9, v9;
	v11 =	vadd.f32 v11, v16;
	v12 =	vadd.f32 v12, v18  }
0x214: {  	v17 =	vmul.f32 v17, v17;
	v16 =	vld.idx.msk [tilespmem:v55+s16+$0x0], $0xffff;
	v6 =	vadd.f32 v26, v6;
	v13 =	vsub.f32 v13, v24  }
0x215: {  	v25 =	vmul.f32 v25, v25;
	v18 =	vld.idx.msk [tilespmem:v52+s16+$0x0], $0xffff;
	v24 =	vsub.f32 v62, v23;
	v9 =	vadd.f32 v9, v14  }
0x216: {  	vm13 =	vlt.f32 v51, $5.760000230e+00;
	v14 =	vld.idx.msk [tilespmem:v28+s16+$0x0], $0xffff;
	v17 =	vadd.f32 v20, v17;
	v28 =	vsub.f32 v37, v56  }
0x217: {  	v52 =	vmul.f32 v29, v29;
	v20 =	vld.idx.msk [tilespmem:v53+s16+$0x0], $0xffff;
	v53 =	vsub.f32 v41, v56;
	v1 =	vadd.f32 v25, v1  }
0x218: {  	v21 =	vmul.f32 v21, v21;
	v0 =	vsub.f32 v0, v5;
	v19 =	vsub.f32 v19, v56  }
0x219: {  	vm2 =	vlt.f32 v6, $5.760000230e+00;
	v13 =	vmul.f32 v13, v13;
	v27 =	vsub.f32 v60, v56  }
0x21a: {  	v24 =	vmul.f32 v24, v24;
	v9 =	vadd.f32 v52, v9;
	v19 =	vmul.f32 v19, v19  }
0x21b: {  	v27 =	vmul.f32 v27, v27;
	v16 =	vsub.f32 v16, v23;
	v13 =	vadd.f32 v13, v22  }
0x21c: {  	v22 =	vmul.f32 v28, v28;
	v18 =	vsub.f32 v18, v23;
	v7 =	vadd.f32 v24, v7  }
0x21d: {  	vm4 =	vlt.f32 v9, $5.760000230e+00;
	v14 =	vsub.f32 v14, v23;
	v20 =	vsub.f32 v20, v23  }
0x21e: {  	v16 =	vmul.f32 v16, v16;
	v3 =	vadd.f32 v19, v3;
	v19 =	vmul.f32 v53, v53  }
0x21f: {  	v4 =	vadd.f32 v27, v4;
	v18 =	vmul.f32 v18, v18;
	v10 =	vadd.f32 v22, v10  }
0x220: {  	v13 =	vadd.f32 v21, v13;
	v14 =	vmul.f32 v14, v14;
	v20 =	vmul.f32 v20, v20  }
0x221: {  	v23 =	vmul.f32 v3, v2;
	v15 =	vadd.f32 v16, v15;
	v17 =	vadd.f32 v19, v17  }
0x222: {  	v16 =	vmul.f32 v6, v7;
	v12 =	vadd.f32 v18, v12;
	v2 =	vadd.f32 v3, v2  }
0x223: {  	vm14 =	vlt.f32 v3, $5.760000230e+00;
	vm15 =	vlt.f32 v4, $5.760000230e+00;
	vm3 =	vlt.f32 v10, $5.760000230e+00  }
0x224: {  	vm6 =	vlt.f32 v13, $5.760000230e+00;
	v8 =	vadd.f32 v14, v8;
	v14 =	vmul.f32 v4, v1  }
0x225: {  	v11 =	vadd.f32 v20, v11;
	v20 =	vshra.s32 v23, $0x1;
	v22 =	vmul.f32 $5.000000000e-01, v23  }
0x226: {  	v55 =	vshra.s32 v16, $0x1;
	v27 =	vmul.f32 $5.000000000e-01, v16;
	v28 =	vmul.f32 v9, v15  }
0x227: {  	v37 =	vmul.f32 v13, v12;
	v1 =	vadd.f32 v4, v1;
	v20 =	vsub.s32 $0x5F3759DF, v20  }
0x228: {  	v26 =	vsub.s32 $0x5F3759DF, v55;
	v55 =	vsel vm13, $0x3F800000, v61;
	v25 =	vmul.f32 $5.000000000e-01, v14  }
0x229: {  	v54 =	vshra.s32 v14, $0x1;
	v56 =	vmul.f32 v20, v22;
	v57 =	vmul.f32 v26, v27  }
0x22a: {  	v30 =	vmul.f32 v10, v8;
	v29 =	vmul.f32 v17, v11;
	v24 =	vsub.s32 $0x5F3759DF, v54  }
0x22b: {  	v59 =	vshra.s32 v28, $0x1;
	v19 =	vmul.f32 v24, v25;
	v18 =	vmul.f32 v20, v56  }
0x22c: {  	v40 =	vmul.f32 $5.000000000e-01, v28;
	v62 =	vshra.s32 v37, $0x1;
	v21 =	vmul.f32 v26, v57  }
0x22d: {  	v52 =	vmul.f32 $5.000000000e-01, v37;
	v19 =	vmul.f32 v24, v19;
	v18 =	vsub.f32 $1.500000000e+00, v18  }
0x22e: {  	v58 =	vshra.s32 v30, $0x1;
	v60 =	vshra.s32 v29, $0x1;
	v21 =	vsub.f32 $1.500000000e+00, v21  }
0x22f: {  	v41 =	vmul.f32 $5.000000000e-01, v29;
	v19 =	vsub.f32 $1.500000000e+00, v19;
	v18 =	vmul.f32 v20, v18  }
0x230: {  	v20 =	vmul.f32 $5.000000000e-01, v30;
	v21 =	vmul.f32 v26, v21;
	v26 =	vsub.s32 $0x5F3759DF, v60  }
0x231: {  	v0 =	vmul.f32 v0, v55;
	v38 =	vsub.s32 $0x5F3759DF, v58;
	v58 =	vmul.f32 v26, v41  }
0x232: {  	v42 =	vsub.s32 $0x5F3759DF, v62;
	v19 =	vmul.f32 v24, v19;
	v63 =	vmul.f32 v38, v20  }
0x233: {  	v24 =	vsub.s32 $0x5F3759DF, v59;
	v59 =	vmul.f32 v42, v52;
	v22 =	vmul.f32 v18, v22  }
0x234: {  	v4 =	vadd.f32 v6, v7;
	v7 =	vmul.f32 v21, v27;
	v57 =	vmul.f32 v24, v40  }
0x235: {  	vm5 =	vlt.f32 v17, $5.760000230e+00;
	v62 =	vmul.f32 v26, v58;
	v5 =	vmul.f32 v38, v63  }
0x236: {  	v12 =	vadd.f32 v13, v12;
	v53 =	vmul.f32 v42, v59;
	v22 =	vmul.f32 v22, v18  }
0x237: {  	v6 =	vmul.f32 v19, v25;
	v7 =	vmul.f32 v7, v21;
	v54 =	vsub.f32 $1.500000000e+00, v62  }
0x238: {  	v60 =	vmul.f32 v24, v57;
	v5 =	vsub.f32 $1.500000000e+00, v5;
	v53 =	vsub.f32 $1.500000000e+00, v53  }
0x239: {  	v22 =	vsub.f32 $1.500000000e+00, v22;
	v6 =	vmul.f32 v6, v19;
	v7 =	vsub.f32 $1.500000000e+00, v7  }
0x23a: {  	v13 =	vld [tilespmem:$0x1FFF0];
	v51 =	vsub.f32 $1.500000000e+00, v60;
	v58 =	vmul.f32 v26, v54;
	v57 =	vmul.f32 v38, v5  }
0x23b: {  	v11 =	vadd.f32 v17, v11;
	v17 =	vld [tilespmem:$0x1FF80];
	v59 =	vmul.f32 v42, v53;
	v3 =	vmul.f32 v22, v18  }
0x23c: {  	v63 =	vld [tilespmem:$0x1FEF0];
	v6 =	vsub.f32 $1.500000000e+00, v6;
	v7 =	vmul.f32 v7, v21;
	v5 =	vmul.f32 v24, v51  }
0x23d: {  	v8 =	vadd.f32 v10, v8;
	v10 =	vmul.f32 v58, v41;
	v18 =	vmul.f32 v57, v20  }
0x23e: {  	v15 =	vadd.f32 v9, v15;
	v22 =	vmul.f32 v59, v52;
	v6 =	vmul.f32 v6, v19  }
0x23f: {  	v13 =	vpsel p1, v44, v13;
	v21 =	vld [tilespmem:$0x1FF40];
	v3 =	vmul.f32 v3, v23;
	v7 =	vmul.f32 v7, v16  }
0x240: {  	v17 =	vpsel p1, v47, v17;
	v20 =	vmul.f32 v5, v40;
	v10 =	vmul.f32 v10, v58  }
0x241: {  	v56 =	vadd.f32 v0, v63;
	v16 =	vld [tilespmem:$0x1FFC0];
	v9 =	vmul.f32 v18, v57;
	v6 =	vmul.f32 v6, v14  }
0x242: {  	v19 =	vld [tilespmem:$0x1FF50];
	v3 =	vadd.f32 v3, v3;
	v7 =	vadd.f32 v7, v7;
	v18 =	vmul.f32 v20, v5  }
0x243: {  	v20 =	vmul.f32 v22, v59;
	v10 =	vsub.f32 $1.500000000e+00, v10;
	v9 =	vsub.f32 $1.500000000e+00, v9  }
0x244: {  	v21 =	vpsel p1, v50, v21;
	v2 =	vsub.f32 v2, v3;
	v3 =	vld [tilespmem:$0x1FFE0];
	v18 =	vsub.f32 $1.500000000e+00, v18  }
0x245: {  	v10 =	vmul.f32 v10, v58;
	v0 =	vmul.f32 v9, v57;
	v9 =	vsub.f32 $1.500000000e+00, v20;
	v20 =	vld [tilespmem:$0x1FFA0]  }
0x246: {  	v6 =	vadd.f32 v6, v6;
	v4 =	vsub.f32 v4, v7;
	v16 =	vpsel p1, v46, v16  }
0x247: {  	v19 =	vpsel p1, v48, v19;
	v5 =	vmul.f32 v18, v5;
	v10 =	vmul.f32 v10, v29  }
0x248: {  	v1 =	vsub.f32 v1, v6;
	v6 =	vld [tilespmem:$0x1FF90];
	v9 =	vmul.f32 v9, v59;
	v0 =	vmul.f32 v0, v30  }
0x249: {  	v5 =	vmul.f32 v5, v28;
	v3 =	vpsel p1, v43, v3;
	v10 =	vadd.f32 v10, v10  }
0x24a: {  	v9 =	vmul.f32 v9, v37;
	v0 =	vadd.f32 v0, v0;
	v20 =	vpsel p1, v39, v20  }
0x24b: {  	v5 =	vadd.f32 v5, v5;
	v10 =	vsub.f32 v11, v10;
	v11 =	vsel vm2, $0x3F800000, v61  }
0x24c: {  	v18 =	vld [tilespmem:$0x1FF70];
	v0 =	vsub.f32 v8, v0;
	v8 =	vsel vm14, $0x3F800000, v61;
	v9 =	vadd.f32 v9, v9  }
0x24d: {  	v6 =	vpsel p1, v49, v6;
	v4 =	vmul.f32 v4, v11;
	v3 =	vadd.f32 v8, v3  }
0x24e: {  	v63 =	vld [tilespmem:$0x1FF10];
	v5 =	vsub.f32 v15, v5;
	v2 =	vmul.f32 v2, v8;
	v9 =	vsub.f32 v12, v9  }
0x24f: {  	v14 =	vld [tilespmem:$0x1FFD0];
	v12 =	vsel vm3, $0x3F800000, v61;
	v4 =	vadd.f32 v4, v16;
	[tilespmem:$0x1FFE0] =	vst v3;
	v3 =	vsel vm4, $0x3F800000, v61  }
0x250: {  	v7 =	vld [tilespmem:$0x1FF60];
	v15 =	vsel vm15, $0x3F800000, v61;
	v0 =	vmul.f32 v0, v12;
	v5 =	vmul.f32 v5, v3  }
0x251: {  	v18 =	vpsel p1, v36, v18;
	v1 =	vmul.f32 v1, v15;
	v2 =	vadd.f32 v2, v13;
	[tilespmem:$0x1FFC0] =	vst v4;
	v4 =	vld [tilespmem:$0x1FF30]  }
0x252: {  	v13 =	vimm.f32 $0.0e+00;
	v22 =	vadd.f32 v0, v17;
	v17 =	vadd.f32 v5, v18;
	v5 =	vld [tilespmem:$0x1FF20]  }
0x253: {  	v60 =	vsel vm5, $0x3F800000, v13;
	v18 =	vadd.f32 v15, v20;
	v15 =	vadd.f32 v11, v6;
	v6 =	vld [tilespmem:$0x1FF00]  }
0x254: {  	v14 =	vpsel p1, v45, v14;
	v61 =	vsel vm6, $0x3F800000, v13;
	v8 =	vmul.f32 v10, v60  }
.Ltmp16:
0x255: {  	v7 =	vpsel p1, v35, v7;
	v1 =	vadd.f32 v1, v14;
	v62 =	vmul.f32 v9, v61;
	(pc) =	sbr.rel .LBB2_21-.Ltmp16, $4  }
0x256: {  	v0 =	vpsel p1, v32, v63;
	v11 =	vadd.f32 v12, v7;
	v16 =	vadd.f32 v8, v19  }
0x257: {  	v14 =	vadd.f32 v62, v21;
	v8 =	vadd.f32 v61, v0;
	v4 =	vpsel p1, v33, v4  }
0x258: {  	[tilespmem:$0x1FFF0] =	vst v2;
	v10 =	vadd.f32 v3, v4;
	v5 =	vpsel p1, v34, v5;
	v6 =	vpsel p1, v31, v6  }
0x259: {  	s2 =	smov.u32 s31;
	[tilespmem:$0x1FFD0] =	vst v1;
	v7 =	vld [tilespmem:$0x1FFB0];
	v9 =	vadd.f32 v60, v5;
	v6 =	vadd.f32 v55, v6;
	v5 =	vlaneseq.u32  }
.LBB2_15:
.Ltmp17:
0x25a: {  	(pc) =	sbr.rel .LBB2_20-.Ltmp17, $4  }
0x25b: {  	v43 =	vld [tilespmem:$0x1FFE0]  }
0x25c: {  	v44 =	vld [tilespmem:$0x1FFF0]  }
0x25d: {  	v45 =	vld [tilespmem:$0x1FFD0];
	v36 =	vmovc v22;
	v39 =	vmov v17;
	v34 =	vmov v18;
	v35 =	vmov v15  }
0x25e: {  	v46 =	vld [tilespmem:$0x1FFC0];
	v37 =	vmovc v11;
	v40 =	vmovc v10;
	v41 =	vmov v9;
	v42 =	vmov v8;
	v38 =	vmov v6  }
.LBB2_17:
0x25f: {  	v43 =	vld [tilespmem:$0x1FFE0]  }
0x260: {  	v44 =	vld [tilespmem:$0x1FFF0]  }
0x261: {  	v45 =	vld [tilespmem:$0x1FFD0]  }
0x262: {  	v46 =	vld [tilespmem:$0x1FFC0]  }
0x263: {  	v36 =	vld [tilespmem:$0x1FF80]  }
0x264: {  	v39 =	vld [tilespmem:$0x1FF70]  }
0x265: {  	v16 =	vld [tilespmem:$0x1FF50]  }
0x266: {  	v34 =	vld [tilespmem:$0x1FFA0]  }
0x267: {  	v14 =	vld [tilespmem:$0x1FF40]  }
0x268: {  	v35 =	vld [tilespmem:$0x1FF90]  }
.Ltmp18:
0x269: {  	v37 =	vld [tilespmem:$0x1FF60];
	(pc) =	sbr.rel .LBB2_20-.Ltmp18, $4  }
0x26a: {  	v40 =	vld [tilespmem:$0x1FF30]  }
0x26b: {  	v41 =	vld [tilespmem:$0x1FF20]  }
0x26c: {  	v42 =	vld [tilespmem:$0x1FF10]  }
0x26d: {  	[tilespmem:$0x1FEF0] =	vst v12;
	v38 =	vld [tilespmem:$0x1FF00]  }
.LBB2_24:
0x26e: {  	_ =	sfence.sel $0x180000  }
0x26f: {  	[bflag:$0x0] =	sbarrier.arrive $0xFFFF  }
0x270: {  	_ =	strace $0x90000047  }
0x271: {  	s0 =	stileid.u32;
	[bflag:$0x2] =	sbarrier.arrive $0xFFFF  }
0x272: {  	p0 =	sne.s32 s0, $0x0;
	s0 =	rddreg [dreg:$0x2]  }
0x273: {  	s0 =	sadd.s32 @!p0 $0x100000, s0  }
0x274: {  	[sflag:s0] =	ssyncadd.tile.s32 @!p0 $0x1;
	_ =	shalt  }
.Lfunc_end2:
_tile_overlayer_lowered:
.L_overlay_start_2:
0x275: {  	(tag) =	ssettag $0x2  }
0x276: {  	s0 =	rddreg [dreg:$0x0];
	s2 =	stileid.u32  }
0x277: {  	s1 =	rddreg [dreg:$0x1];
	p0 =	sne.s32 s2, $0x0  }
0x278: {  	s3 =	rddreg [dreg:$0x2];
	[bflag:$0x3] =	sbarrier.arrive $0xFFFF;
	s2 =	simm.s32 @!p0 $0x1C01  }
0x279: {  	[timem:s3], [sflag:s2] =	dma.local @!p0 [hbm:s0], s1  }
0x27a: {  	s0 =	simm.s32 @!p0 $0x1  }
0x27b: {  	_ =	swait.ge @!p0 [sflag:s0], s1  }
0x27c: {  	s1 =	ssub.s32 @!p0 $0x0, s1;
	[sflag:s0] =	ssyncset.done @!p0 $0x0  }
0x27d: {  	[sflag:s0] =	ssyncadd.s32 @!p0 s1  }
0x27e: {  	[bflag:$0x3] =	sbarrier.arrive $0xFFFF  }
0x27f: {  	_ =	shalt  }

</sc_bundles>
